<compile_context>
chip_gen: v7x
topology: tpu7x:2x2x1
jax: 0.10.2.dev20260603
libtpu: 0.0.44.dev20260713+nightly
codegen_flags: <defaults>
</compile_context>

<pallas_src>
import functools

import jax
import jax.numpy as jnp
from jax import lax
from jax.experimental import pallas as pl
from jax.experimental.pallas import tpu as pltpu
from jax.experimental.pallas import tpu_sc as plsc

B = 16384
H = 64
NT = 4
CH = 128
BM = 512

_HI = jax.lax.Precision.HIGHEST


def _sc_gather_body(nw, bpw, nchunk,
                    idx_hbm, t0, t1, t2, t3, o0, o1, o2, o3,
                    idx_v, rows_v, sem):
    c_ax = lax.axis_index("c")
    s_ax = lax.axis_index("s")
    wid = s_ax * 2 + c_ax
    base = wid * bpw
    pltpu.sync_copy(idx_hbm.at[wid], idx_v)
    tabs = (t0, t1, t2, t3)
    outs = (o0, o1, o2, o3)
    prev = None
    for t in range(NT):
        for j in range(nchunk):
            d = pltpu.async_copy(
                tabs[t].at[idx_v.at[t, j]],
                rows_v.at[(t * nchunk + j) % 2],
                sem,
            )
            if prev is not None:
                pd, pt, pj = prev
                pd.wait()
                pltpu.sync_copy(
                    rows_v.at[(pt * nchunk + pj) % 2],
                    outs[pt].at[pl.ds(base + pj * CH, CH)])
            prev = (d, t, j)
    pd, pt, pj = prev
    pd.wait()
    pltpu.sync_copy(
        rows_v.at[(pt * nchunk + pj) % 2],
        outs[pt].at[pl.ds(base + pj * CH, CH)])


def _gather_rows(idx2, tp, t1, t2, t3):
    info = plsc.get_sparse_core_info()
    nw = info.num_cores * info.num_subcores
    bpw = B // nw
    nchunk = bpw // CH
    idx_r = jnp.transpose(idx2.reshape(NT, nw, nchunk, CH), (1, 0, 2, 3))
    mesh = plsc.VectorSubcoreMesh(core_axis_name="c", subcore_axis_name="s")
    body = functools.partial(_sc_gather_body, nw, bpw, nchunk)
    k = pl.kernel(
        body,
        out_type=[jax.ShapeDtypeStruct((B, 4 * H), jnp.float32)] * NT,
        mesh=mesh,
        scratch_types=[
            pltpu.VMEM((NT, nchunk, CH), jnp.int32),
            pltpu.VMEM((2, CH, 4 * H), jnp.float32),
            pltpu.SemaphoreType.DMA,
        ],
    )
    return k(idx_r, tp, t1, t2, t3)


BE = 4096


def _pack_body(src, out):
    parts = []
    for j in range(4):
        blk = src[:, j * (BE // 4):(j + 1) * (BE // 4)]
        parts.append(jnp.transpose(blk))
    out[:] = jnp.concatenate(parts, axis=1)


def _pack_table(t):
    tt = t.T
    V = t.shape[0]
    nblk = (V + BE - 1) // BE
    return pl.pallas_call(
        _pack_body,
        grid=(nblk,),
        in_specs=[pl.BlockSpec((H, BE), lambda i: (0, i))],
        out_specs=pl.BlockSpec((BE // 4, 4 * H), lambda i: (i, 0)),
        out_shape=jax.ShapeDtypeStruct((nblk * (BE // 4), 4 * H),
                                       jnp.float32),
        compiler_params=pltpu.CompilerParams(
            dimension_semantics=("parallel",)),
    )(tt)


def _tc_body(e0, e1, e2, e3, par, w1, b1, w2, b2, wpo, bpo, wppt, bpp,
             wv, bv, wvp, bvp, po_ref, v_ref):
    x1 = b1[:]
    for t, e in enumerate((e0, e1, e2, e3)):
        s = par[:, t:t + 1]
        lo = jnp.where(s == 1, e[:, H:2 * H], e[:, 0:H])
        hi = jnp.where(s == 3, e[:, 3 * H:4 * H], e[:, 2 * H:3 * H])
        sel = jnp.where(s >= 2, hi, lo)
        x1 = x1 + lax.dot_general(
            w1[:, t * H:(t + 1) * H], sel,
            (((1,), (1,)), ((), ())), precision=_HI)
    x1 = jnp.maximum(x1, 0.0)
    r2 = jnp.maximum(jnp.dot(w2[:], x1, precision=_HI) + b2[:], 0.0)
    rpo = jnp.maximum(jnp.dot(wpo[:], r2, precision=_HI) + bpo[:], 0.0)
    logits = lax.dot_general(wppt[:], rpo, (((0,), (0,)), ((), ())),
                             precision=_HI) + bpp[:]
    m = jnp.max(logits, axis=0, keepdims=True)
    lse = jnp.log(jnp.sum(jnp.exp(logits - m), axis=0, keepdims=True)) + m
    po_ref[:] = logits - lse
    rv = jnp.maximum(jnp.dot(wv[:], r2, precision=_HI) + bv[:], 0.0)
    v_ref[:] = jnp.tanh(jnp.sum(rv * wvp[:], axis=0, keepdims=True) + bvp[:])


def kernel(x_p, x_l, emb_p, emb_l1, emb_l2, emb_l3, W1, b1, W2, b2,
           Wpo, bpo, Wpp, bpp, Wv, bv, Wvp, bvp):
    P = Wpo.shape[0]
    V = Wpp.shape[0]
    tp, t1, t2, t3 = (_pack_table(emb_p), _pack_table(emb_l1),
                      _pack_table(emb_l2), _pack_table(emb_l3))
    idx = jnp.concatenate(
        [x_p.astype(jnp.int32), x_l.astype(jnp.int32)], axis=1)
    par = (idx % BE) // (BE // 4)
    rows = (idx // BE) * (BE // 4) + (idx % (BE // 4))
    e0, e1, e2, e3 = _gather_rows(rows.T, tp, t1, t2, t3)

    w1h = W1
    wppt = Wpp.T
    grid = (B // BM,)
    row = lambda i: (i, 0)
    col = lambda i: (0, i)
    full = lambda a: pl.BlockSpec(a.shape, lambda i: (0,) * a.ndim)
    b1c = b1.reshape(H, 1)
    b2c = b2.reshape(H, 1)
    bpoc = bpo.reshape(P, 1)
    bppc = bpp.reshape(V, 1)
    bvc = bv.reshape(P, 1)
    wvpc = Wvp.reshape(P, 1)
    bvpc = bvp.reshape(1, 1)
    e_spec = pl.BlockSpec((BM, 4 * H), row)
    pot, vt = pl.pallas_call(
        _tc_body,
        grid=grid,
        in_specs=[e_spec, e_spec, e_spec, e_spec,
                  pl.BlockSpec((BM, NT), row),
                  full(w1h), full(b1c), full(W2), full(b2c),
                  full(Wpo), full(bpoc), full(wppt), full(bppc),
                  full(Wv), full(bvc), full(wvpc), full(bvpc)],
        out_specs=[pl.BlockSpec((V, BM), col),
                   pl.BlockSpec((1, BM), col)],
        out_shape=[jax.ShapeDtypeStruct((V, B), jnp.float32),
                   jax.ShapeDtypeStruct((1, B), jnp.float32)],
        compiler_params=pltpu.CompilerParams(
            dimension_semantics=("arbitrary",)),
    )(e0, e1, e2, e3, par, w1h, b1c, W2, b2c, Wpo, bpoc, wppt, bppc,
      Wv, bvc, wvpc, bvpc)
    return (pot.T, vt.T)

# --- scband reference (transcript-rebuilt; emitter-appended) ---
"""Pipeline reference for scband-policy-value-network-55387898249718 (READ-ONLY COPY).

The authoritative reference and input builder live on the scoring server;
editing this copy changes nothing except your own understanding.
"""

import jax, jax.numpy as jnp
import numpy as np

B = 16384
LOWER = 1000000
PREV = 1000
H = 64
P = 32

def setup_inputs(seed: int = 0) -> dict:
    key = jax.random.key(seed)
    ks = jax.random.split(key, 20)
    x_p = jax.random.randint(ks[0], (B, 1), 0, PREV)
    x_l = jax.random.randint(ks[1], (B, 3), 0, LOWER)
    s = 0.02
    emb_p  = jax.random.normal(ks[2], (PREV, H), dtype=jnp.float32) * s
    emb_l1 = jax.random.normal(ks[3], (LOWER, H), dtype=jnp.float32) * s
    emb_l2 = jax.random.normal(ks[4], (LOWER, H), dtype=jnp.float32) * s
    emb_l3 = jax.random.normal(ks[5], (LOWER, H), dtype=jnp.float32) * s
    W1 = jax.random.normal(ks[6], (H, 4 * H), dtype=jnp.float32) * s
    b1 = jnp.zeros((H,), dtype=jnp.float32)
    W2 = jax.random.normal(ks[7], (H, H), dtype=jnp.float32) * s
    b2 = jnp.zeros((H,), dtype=jnp.float32)
    Wpo = jax.random.normal(ks[8], (P, H), dtype=jnp.float32) * s
    bpo = jnp.zeros((P,), dtype=jnp.float32)
    Wpp = jax.random.normal(ks[9], (PREV, P), dtype=jnp.float32) * s
    bpp = jnp.zeros((PREV,), dtype=jnp.float32)
    Wv = jax.random.normal(ks[10], (P, H), dtype=jnp.float32) * s
    bv = jnp.zeros((P,), dtype=jnp.float32)
    Wvp = jax.random.normal(ks[11], (1, P), dtype=jnp.float32) * s
    bvp = jnp.zeros((1,), dtype=jnp.float32)
    return {"x_p": x_p, "x_l": x_l, "emb_p": emb_p, "emb_l1": emb_l1, "emb_l2": emb_l2,
            "emb_l3": emb_l3, "W1": W1, "b1": b1, "W2": W2, "b2": b2,
            "Wpo": Wpo, "bpo": bpo, "Wpp": Wpp, "bpp": bpp,
            "Wv": Wv, "bv": bv, "Wvp": Wvp, "bvp": bvp}

def reference(x_p, x_l, emb_p, emb_l1, emb_l2, emb_l3, W1, b1, W2, b2,
              Wpo, bpo, Wpp, bpp, Wv, bv, Wvp, bvp):
    x_p_e  = jnp.take(emb_p,  x_p[:, 0], axis=0)
    x_l_e1 = jnp.take(emb_l1, x_l[:, 0], axis=0)
    x_l_e2 = jnp.take(emb_l2, x_l[:, 1], axis=0)
    x_l_e3 = jnp.take(emb_l3, x_l[:, 2], axis=0)
    joined = jnp.concatenate([x_p_e, x_l_e1, x_l_e2, x_l_e3], axis=-1)
    r1 = jax.nn.relu(joined @ W1.T + b1)
    r2 = jax.nn.relu(r1 @ W2.T + b2)
    r_po = jax.nn.relu(r2 @ Wpo.T + bpo)
    po_logits = r_po @ Wpp.T + bpp
    p_po = jax.nn.log_softmax(po_logits, axis=1)
    r_v = jax.nn.relu(r2 @ Wv.T + bv)
    v = jnp.tanh(r_v @ Wvp.T + bvp)
    return (p_po, v)

if __name__ == "__main__":
    import jax
    _d = setup_inputs()
    print(jax.jit(kernel)(*tuple(_d.values())))

</pallas_src>

<mosaic_0001>
#map = affine_map<(d0, d1) -> (0, 0, 0, 0)>
#map1 = affine_map<(d0, d1) -> (0, 0)>
module attributes {stable_mosaic.version = 14 : i64} {
  func.func @_sc_gather_body(%arg0: i32, %arg1: i32, %arg2: memref<32x4x4x128xi32, #tpu.memory_space<hbm>>, %arg3: memref<1024x256xf32, #tpu.memory_space<hbm>>, %arg4: memref<250880x256xf32, #tpu.memory_space<hbm>>, %arg5: memref<250880x256xf32, #tpu.memory_space<hbm>>, %arg6: memref<250880x256xf32, #tpu.memory_space<hbm>>, %arg7: memref<16384x256xf32, #tpu.memory_space<hbm>>, %arg8: memref<16384x256xf32, #tpu.memory_space<hbm>>, %arg9: memref<16384x256xf32, #tpu.memory_space<hbm>>, %arg10: memref<16384x256xf32, #tpu.memory_space<hbm>>, %arg11: memref<4x4x128xi32, #tpu.memory_space<vmem>>, %arg12: memref<2x128x256xf32, #tpu.memory_space<vmem>>, %arg13: memref<!tpu.dma_semaphore, #tpu.memory_space<semaphore_mem>>) attributes {dimension_semantics = [#tpu.dimension_semantics<core_parallel>, #tpu.dimension_semantics<subcore_parallel>], iteration_bounds = array<i64: 2, 16>, scalar_prefetch = 0 : i64, scratch_operands = 3 : i64, tpu.core_type = #tpu.core_type<sc_vector_subcore>, window_params = [{transform_indices = #map}, {transform_indices = #map1}, {transform_indices = #map1}, {transform_indices = #map1}, {transform_indices = #map1}, {transform_indices = #map1}, {transform_indices = #map1}, {transform_indices = #map1}, {transform_indices = #map1}]} {
    %mul3A = arith.constant 2 : i32
    %mul3A_0 = arith.muli %arg1, %mul3A : i32
    %add3A = arith.addi %mul3A_0, %arg0 : i32
    %mul3A_1 = arith.constant 512 : i32
    %mul3A_2 = arith.muli %add3A, %mul3A_1 : i32
    "tpu.region"() ({
      %run_scoped3A_464 = tpu.sem_alloc : memref<!tpu.dma_semaphore, #tpu.memory_space<semaphore_mem>>
      %dma_start3A_465 = arith.constant 0 : i32
      %dma_start3A_466 = arith.constant 0 : i32
      %dma_start3A_467 = arith.constant 0 : i32
      %dma_start3A_468 = tpu.memref_slice %arg2[%add3A, %dma_start3A_465, %dma_start3A_466, %dma_start3A_467] : memref<32x4x4x128xi32, #tpu.memory_space<hbm>> -> memref<1x4x4x128xi32, #tpu.memory_space<hbm>>
      %dma_start3A_469 = tpu.memref_squeeze %dma_start3A_468 : memref<1x4x4x128xi32, #tpu.memory_space<hbm>> -> memref<4x4x128xi32, #tpu.memory_space<hbm>>
      %dma_start3A_470 = arith.constant 0 : i32
      %dma_start3A_471 = arith.constant 0 : i32
      %dma_start3A_472 = arith.constant 0 : i32
      %dma_start3A_473 = tpu.memref_slice %arg2[%add3A, %dma_start3A_470, %dma_start3A_471, %dma_start3A_472] : memref<32x4x4x128xi32, #tpu.memory_space<hbm>> -> memref<1x4x4x128xi32, #tpu.memory_space<hbm>>
      %dma_start3A_474 = tpu.memref_squeeze %dma_start3A_473 : memref<1x4x4x128xi32, #tpu.memory_space<hbm>> -> memref<4x4x128xi32, #tpu.memory_space<hbm>>
      tpu.enqueue_dma source(%dma_start3A_474 : memref<4x4x128xi32, #tpu.memory_space<hbm>>) target(%arg11 : memref<4x4x128xi32, #tpu.memory_space<vmem>>) target_semaphore(%run_scoped3A_464 : memref<!tpu.dma_semaphore, #tpu.memory_space<semaphore_mem>>)
      %dma_wait3A_475 = arith.constant 0 : i32
      %dma_wait3A_476 = arith.constant 0 : i32
      %dma_wait3A_477 = arith.constant 0 : i32
      %dma_wait3A_478 = tpu.memref_slice %arg2[%add3A, %dma_wait3A_475, %dma_wait3A_476, %dma_wait3A_477] : memref<32x4x4x128xi32, #tpu.memory_space<hbm>> -> memref<1x4x4x128xi32, #tpu.memory_space<hbm>>
      %dma_wait3A_479 = tpu.memref_squeeze %dma_wait3A_478 : memref<1x4x4x128xi32, #tpu.memory_space<hbm>> -> memref<4x4x128xi32, #tpu.memory_space<hbm>>
      %dma_wait3A_480 = arith.constant 0 : i32
      %dma_wait3A_481 = arith.constant 0 : i32
      %dma_wait3A_482 = arith.constant 0 : i32
      %dma_wait3A_483 = tpu.memref_slice %arg2[%add3A, %dma_wait3A_480, %dma_wait3A_481, %dma_wait3A_482] : memref<32x4x4x128xi32, #tpu.memory_space<hbm>> -> memref<1x4x4x128xi32, #tpu.memory_space<hbm>>
      %dma_wait3A_484 = tpu.memref_squeeze %dma_wait3A_483 : memref<1x4x4x128xi32, #tpu.memory_space<hbm>> -> memref<4x4x128xi32, #tpu.memory_space<hbm>>
      tpu.wait_dma2 semaphore(%run_scoped3A_464 : memref<!tpu.dma_semaphore, #tpu.memory_space<semaphore_mem>>) src(%dma_wait3A_484 : memref<4x4x128xi32, #tpu.memory_space<hbm>>) dst(%arg11 : memref<4x4x128xi32, #tpu.memory_space<vmem>>)
      tpu.yield
    }) : () -> ()
    %dma_start3A = arith.constant 0 : i32
    %dma_start3A_3 = arith.constant 0 : i32
    %dma_start3A_4 = arith.constant 0 : i32
    %dma_start3A_5 = arith.constant 0 : i32
    %dma_start3A_6 = arith.constant 0 : i32
    %dma_start3A_7 = tpu.memref_slice %arg12[%dma_start3A_4, %dma_start3A_5, %dma_start3A_6] : memref<2x128x256xf32, #tpu.memory_space<vmem>> -> memref<1x128x256xf32, #tpu.memory_space<vmem>>
    %dma_start3A_8 = tpu.memref_squeeze %dma_start3A_7 : memref<1x128x256xf32, #tpu.memory_space<vmem>> -> memref<128x256xf32, #tpu.memory_space<vmem>>
    %dma_start3A_9 = arith.constant 0 : i32
    %dma_start3A_10 = tpu.memref_slice %arg11[%dma_start3A, %dma_start3A_3, %dma_start3A_9] : memref<4x4x128xi32, #tpu.memory_space<vmem>> -> memref<1x1x128xi32, #tpu.memory_space<vmem>>
    %dma_start3A_11 = tpu.memref_squeeze %dma_start3A_10 : memref<1x1x128xi32, #tpu.memory_space<vmem>> -> memref<128xi32, #tpu.memory_space<vmem>>
    %dma_start3A_12 = arith.constant 0 : i32
    %dma_start3A_13 = arith.constant 0 : i32
    %dma_start3A_14 = tpu.memref_slice %arg3[%dma_start3A_12, %dma_start3A_13] : memref<1024x256xf32, #tpu.memory_space<hbm>> -> memref<1024x256xf32, #tpu.memory_space<hbm>>
    tpu.enqueue_indirect_dma source(%dma_start3A_14 : memref<1024x256xf32, #tpu.memory_space<hbm>>) target(%dma_start3A_8 : memref<128x256xf32, #tpu.memory_space<vmem>>) offsets(%dma_start3A_11 : memref<128xi32, #tpu.memory_space<vmem>>) semaphore(%arg13 : memref<!tpu.dma_semaphore, #tpu.memory_space<semaphore_mem>>)
    %dma_start3A_15 = arith.constant 0 : i32
    %dma_start3A_16 = arith.constant 1 : i32
    %dma_start3A_17 = arith.constant 1 : i32
    %dma_start3A_18 = arith.constant 0 : i32
    %dma_start3A_19 = arith.constant 0 : i32
    %dma_start3A_20 = tpu.memref_slice %arg12[%dma_start3A_17, %dma_start3A_18, %dma_start3A_19] : memref<2x128x256xf32, #tpu.memory_space<vmem>> -> memref<1x128x256xf32, #tpu.memory_space<vmem>>
    %dma_start3A_21 = tpu.memref_squeeze %dma_start3A_20 : memref<1x128x256xf32, #tpu.memory_space<vmem>> -> memref<128x256xf32, #tpu.memory_space<vmem>>
    %dma_start3A_22 = arith.constant 0 : i32
    %dma_start3A_23 = tpu.memref_slice %arg11[%dma_start3A_15, %dma_start3A_16, %dma_start3A_22] : memref<4x4x128xi32, #tpu.memory_space<vmem>> -> memref<1x1x128xi32, #tpu.memory_space<vmem>>
    %dma_start3A_24 = tpu.memref_squeeze %dma_start3A_23 : memref<1x1x128xi32, #tpu.memory_space<vmem>> -> memref<128xi32, #tpu.memory_space<vmem>>
    %dma_start3A_25 = arith.constant 0 : i32
    %dma_start3A_26 = arith.constant 0 : i32
    %dma_start3A_27 = tpu.memref_slice %arg3[%dma_start3A_25, %dma_start3A_26] : memref<1024x256xf32, #tpu.memory_space<hbm>> -> memref<1024x256xf32, #tpu.memory_space<hbm>>
    tpu.enqueue_indirect_dma source(%dma_start3A_27 : memref<1024x256xf32, #tpu.memory_space<hbm>>) target(%dma_start3A_21 : memref<128x256xf32, #tpu.memory_space<vmem>>) offsets(%dma_start3A_24 : memref<128xi32, #tpu.memory_space<vmem>>) semaphore(%arg13 : memref<!tpu.dma_semaphore, #tpu.memory_space<semaphore_mem>>)
    %dma_wait3A = arith.constant 0 : i32
    %dma_wait3A_28 = arith.constant 0 : i32
    %dma_wait3A_29 = arith.constant 0 : i32
    %dma_wait3A_30 = arith.constant 0 : i32
    %dma_wait3A_31 = arith.constant 0 : i32
    %dma_wait3A_32 = tpu.memref_slice %arg12[%dma_wait3A_29, %dma_wait3A_30, %dma_wait3A_31] : memref<2x128x256xf32, #tpu.memory_space<vmem>> -> memref<1x128x256xf32, #tpu.memory_space<vmem>>
    %dma_wait3A_33 = tpu.memref_squeeze %dma_wait3A_32 : memref<1x128x256xf32, #tpu.memory_space<vmem>> -> memref<128x256xf32, #tpu.memory_space<vmem>>
    %dma_wait3A_34 = arith.constant 0 : i32
    %dma_wait3A_35 = tpu.memref_slice %arg11[%dma_wait3A, %dma_wait3A_28, %dma_wait3A_34] : memref<4x4x128xi32, #tpu.memory_space<vmem>> -> memref<1x1x128xi32, #tpu.memory_space<vmem>>
    %dma_wait3A_36 = tpu.memref_squeeze %dma_wait3A_35 : memref<1x1x128xi32, #tpu.memory_space<vmem>> -> memref<128xi32, #tpu.memory_space<vmem>>
    %dma_wait3A_37 = arith.constant 0 : i32
    %dma_wait3A_38 = arith.constant 0 : i32
    %dma_wait3A_39 = tpu.memref_slice %arg3[%dma_wait3A_37, %dma_wait3A_38] : memref<1024x256xf32, #tpu.memory_space<hbm>> -> memref<1024x256xf32, #tpu.memory_space<hbm>>
    tpu.wait_indirect_dma semaphore(%arg13 : memref<!tpu.dma_semaphore, #tpu.memory_space<semaphore_mem>>) src(%dma_wait3A_39 : memref<1024x256xf32, #tpu.memory_space<hbm>>) dst(%dma_wait3A_33 : memref<128x256xf32, #tpu.memory_space<vmem>>)
    %add3A_40 = arith.constant 0 : i32
    %add3A_41 = arith.addi %mul3A_2, %add3A_40 : i32
    %run_scoped3A = arith.constant 0 : i32
    "tpu.region"() ({
      %run_scoped3A_464 = tpu.sem_alloc : memref<!tpu.dma_semaphore, #tpu.memory_space<semaphore_mem>>
      %dma_start3A_465 = arith.constant 0 : i32
      %dma_start3A_466 = arith.constant 0 : i32
      %dma_start3A_467 = tpu.memref_slice %arg12[%run_scoped3A, %dma_start3A_465, %dma_start3A_466] : memref<2x128x256xf32, #tpu.memory_space<vmem>> -> memref<1x128x256xf32, #tpu.memory_space<vmem>>
      %dma_start3A_468 = tpu.memref_squeeze %dma_start3A_467 : memref<1x128x256xf32, #tpu.memory_space<vmem>> -> memref<128x256xf32, #tpu.memory_space<vmem>>
      %dma_start3A_469 = arith.constant 0 : i32
      %dma_start3A_470 = tpu.memref_slice %arg7[%add3A_41, %dma_start3A_469] : memref<16384x256xf32, #tpu.memory_space<hbm>> -> memref<128x256xf32, #tpu.memory_space<hbm>>
      %dma_start3A_471 = arith.constant 0 : i32
      %dma_start3A_472 = tpu.memref_slice %arg7[%add3A_41, %dma_start3A_471] : memref<16384x256xf32, #tpu.memory_space<hbm>> -> memref<128x256xf32, #tpu.memory_space<hbm>>
      %dma_start3A_473 = arith.constant 0 : i32
      %dma_start3A_474 = arith.constant 0 : i32
      %dma_start3A_475 = tpu.memref_slice %arg12[%run_scoped3A, %dma_start3A_473, %dma_start3A_474] : memref<2x128x256xf32, #tpu.memory_space<vmem>> -> memref<1x128x256xf32, #tpu.memory_space<vmem>>
      %dma_start3A_476 = tpu.memref_squeeze %dma_start3A_475 : memref<1x128x256xf32, #tpu.memory_space<vmem>> -> memref<128x256xf32, #tpu.memory_space<vmem>>
      tpu.enqueue_dma source(%dma_start3A_476 : memref<128x256xf32, #tpu.memory_space<vmem>>) target(%dma_start3A_472 : memref<128x256xf32, #tpu.memory_space<hbm>>) target_semaphore(%run_scoped3A_464 : memref<!tpu.dma_semaphore, #tpu.memory_space<semaphore_mem>>)
      %dma_wait3A_477 = arith.constant 0 : i32
      %dma_wait3A_478 = arith.constant 0 : i32
      %dma_wait3A_479 = tpu.memref_slice %arg12[%run_scoped3A, %dma_wait3A_477, %dma_wait3A_478] : memref<2x128x256xf32, #tpu.memory_space<vmem>> -> memref<1x128x256xf32, #tpu.memory_space<vmem>>
      %dma_wait3A_480 = tpu.memref_squeeze %dma_wait3A_479 : memref<1x128x256xf32, #tpu.memory_space<vmem>> -> memref<128x256xf32, #tpu.memory_space<vmem>>
      %dma_wait3A_481 = arith.constant 0 : i32
      %dma_wait3A_482 = tpu.memref_slice %arg7[%add3A_41, %dma_wait3A_481] : memref<16384x256xf32, #tpu.memory_space<hbm>> -> memref<128x256xf32, #tpu.memory_space<hbm>>
      %dma_wait3A_483 = arith.constant 0 : i32
      %dma_wait3A_484 = tpu.memref_slice %arg7[%add3A_41, %dma_wait3A_483] : memref<16384x256xf32, #tpu.memory_space<hbm>> -> memref<128x256xf32, #tpu.memory_space<hbm>>
      %dma_wait3A_485 = arith.constant 0 : i32
      %dma_wait3A_486 = arith.constant 0 : i32
      %dma_wait3A_487 = tpu.memref_slice %arg12[%run_scoped3A, %dma_wait3A_485, %dma_wait3A_486] : memref<2x128x256xf32, #tpu.memory_space<vmem>> -> memref<1x128x256xf32, #tpu.memory_space<vmem>>
      %dma_wait3A_488 = tpu.memref_squeeze %dma_wait3A_487 : memref<1x128x256xf32, #tpu.memory_space<vmem>> -> memref<128x256xf32, #tpu.memory_space<vmem>>
      tpu.wait_dma2 semaphore(%run_scoped3A_464 : memref<!tpu.dma_semaphore, #tpu.memory_space<semaphore_mem>>) src(%dma_wait3A_488 : memref<128x256xf32, #tpu.memory_space<vmem>>) dst(%dma_wait3A_484 : memref<128x256xf32, #tpu.memory_space<hbm>>)
      tpu.yield
    }) : () -> ()
    %dma_start3A_42 = arith.constant 0 : i32
    %dma_start3A_43 = arith.constant 2 : i32
    %dma_start3A_44 = arith.constant 0 : i32
    %dma_start3A_45 = arith.constant 0 : i32
    %dma_start3A_46 = arith.constant 0 : i32
    %dma_start3A_47 = tpu.memref_slice %arg12[%dma_start3A_44, %dma_start3A_45, %dma_start3A_46] : memref<2x128x256xf32, #tpu.memory_space<vmem>> -> memref<1x128x256xf32, #tpu.memory_space<vmem>>
    %dma_start3A_48 = tpu.memref_squeeze %dma_start3A_47 : memref<1x128x256xf32, #tpu.memory_space<vmem>> -> memref<128x256xf32, #tpu.memory_space<vmem>>
    %dma_start3A_49 = arith.constant 0 : i32
    %dma_start3A_50 = tpu.memref_slice %arg11[%dma_start3A_42, %dma_start3A_43, %dma_start3A_49] : memref<4x4x128xi32, #tpu.memory_space<vmem>> -> memref<1x1x128xi32, #tpu.memory_space<vmem>>
    %dma_start3A_51 = tpu.memref_squeeze %dma_start3A_50 : memref<1x1x128xi32, #tpu.memory_space<vmem>> -> memref<128xi32, #tpu.memory_space<vmem>>
    %dma_start3A_52 = arith.constant 0 : i32
    %dma_start3A_53 = arith.constant 0 : i32
    %dma_start3A_54 = tpu.memref_slice %arg3[%dma_start3A_52, %dma_start3A_53] : memref<1024x256xf32, #tpu.memory_space<hbm>> -> memref<1024x256xf32, #tpu.memory_space<hbm>>
    tpu.enqueue_indirect_dma source(%dma_start3A_54 : memref<1024x256xf32, #tpu.memory_space<hbm>>) target(%dma_start3A_48 : memref<128x256xf32, #tpu.memory_space<vmem>>) offsets(%dma_start3A_51 : memref<128xi32, #tpu.memory_space<vmem>>) semaphore(%arg13 : memref<!tpu.dma_semaphore, #tpu.memory_space<semaphore_mem>>)
    %dma_wait3A_55 = arith.constant 0 : i32
    %dma_wait3A_56 = arith.constant 1 : i32
    %dma_wait3A_57 = arith.constant 1 : i32
    %dma_wait3A_58 = arith.constant 0 : i32
    %dma_wait3A_59 = arith.constant 0 : i32
    %dma_wait3A_60 = tpu.memref_slice %arg12[%dma_wait3A_57, %dma_wait3A_58, %dma_wait3A_59] : memref<2x128x256xf32, #tpu.memory_space<vmem>> -> memref<1x128x256xf32, #tpu.memory_space<vmem>>
    %dma_wait3A_61 = tpu.memref_squeeze %dma_wait3A_60 : memref<1x128x256xf32, #tpu.memory_space<vmem>> -> memref<128x256xf32, #tpu.memory_space<vmem>>
    %dma_wait3A_62 = arith.constant 0 : i32
    %dma_wait3A_63 = tpu.memref_slice %arg11[%dma_wait3A_55, %dma_wait3A_56, %dma_wait3A_62] : memref<4x4x128xi32, #tpu.memory_space<vmem>> -> memref<1x1x128xi32, #tpu.memory_space<vmem>>
    %dma_wait3A_64 = tpu.memref_squeeze %dma_wait3A_63 : memref<1x1x128xi32, #tpu.memory_space<vmem>> -> memref<128xi32, #tpu.memory_space<vmem>>
    %dma_wait3A_65 = arith.constant 0 : i32
    %dma_wait3A_66 = arith.constant 0 : i32
    %dma_wait3A_67 = tpu.memref_slice %arg3[%dma_wait3A_65, %dma_wait3A_66] : memref<1024x256xf32, #tpu.memory_space<hbm>> -> memref<1024x256xf32, #tpu.memory_space<hbm>>
    tpu.wait_indirect_dma semaphore(%arg13 : memref<!tpu.dma_semaphore, #tpu.memory_space<semaphore_mem>>) src(%dma_wait3A_67 : memref<1024x256xf32, #tpu.memory_space<hbm>>) dst(%dma_wait3A_61 : memref<128x256xf32, #tpu.memory_space<vmem>>)
    %add3A_68 = arith.constant 128 : i32
    %add3A_69 = arith.addi %mul3A_2, %add3A_68 : i32
    %run_scoped3A_70 = arith.constant 1 : i32
    "tpu.region"() ({
      %run_scoped3A_464 = tpu.sem_alloc : memref<!tpu.dma_semaphore, #tpu.memory_space<semaphore_mem>>
      %dma_start3A_465 = arith.constant 0 : i32
      %dma_start3A_466 = arith.constant 0 : i32
      %dma_start3A_467 = tpu.memref_slice %arg12[%run_scoped3A_70, %dma_start3A_465, %dma_start3A_466] : memref<2x128x256xf32, #tpu.memory_space<vmem>> -> memref<1x128x256xf32, #tpu.memory_space<vmem>>
      %dma_start3A_468 = tpu.memref_squeeze %dma_start3A_467 : memref<1x128x256xf32, #tpu.memory_space<vmem>> -> memref<128x256xf32, #tpu.memory_space<vmem>>
      %dma_start3A_469 = arith.constant 0 : i32
      %dma_start3A_470 = tpu.memref_slice %arg7[%add3A_69, %dma_start3A_469] : memref<16384x256xf32, #tpu.memory_space<hbm>> -> memref<128x256xf32, #tpu.memory_space<hbm>>
      %dma_start3A_471 = arith.constant 0 : i32
      %dma_start3A_472 = tpu.memref_slice %arg7[%add3A_69, %dma_start3A_471] : memref<16384x256xf32, #tpu.memory_space<hbm>> -> memref<128x256xf32, #tpu.memory_space<hbm>>
      %dma_start3A_473 = arith.constant 0 : i32
      %dma_start3A_474 = arith.constant 0 : i32
      %dma_start3A_475 = tpu.memref_slice %arg12[%run_scoped3A_70, %dma_start3A_473, %dma_start3A_474] : memref<2x128x256xf32, #tpu.memory_space<vmem>> -> memref<1x128x256xf32, #tpu.memory_space<vmem>>
      %dma_start3A_476 = tpu.memref_squeeze %dma_start3A_475 : memref<1x128x256xf32, #tpu.memory_space<vmem>> -> memref<128x256xf32, #tpu.memory_space<vmem>>
      tpu.enqueue_dma source(%dma_start3A_476 : memref<128x256xf32, #tpu.memory_space<vmem>>) target(%dma_start3A_472 : memref<128x256xf32, #tpu.memory_space<hbm>>) target_semaphore(%run_scoped3A_464 : memref<!tpu.dma_semaphore, #tpu.memory_space<semaphore_mem>>)
      %dma_wait3A_477 = arith.constant 0 : i32
      %dma_wait3A_478 = arith.constant 0 : i32
      %dma_wait3A_479 = tpu.memref_slice %arg12[%run_scoped3A_70, %dma_wait3A_477, %dma_wait3A_478] : memref<2x128x256xf32, #tpu.memory_space<vmem>> -> memref<1x128x256xf32, #tpu.memory_space<vmem>>
      %dma_wait3A_480 = tpu.memref_squeeze %dma_wait3A_479 : memref<1x128x256xf32, #tpu.memory_space<vmem>> -> memref<128x256xf32, #tpu.memory_space<vmem>>
      %dma_wait3A_481 = arith.constant 0 : i32
      %dma_wait3A_482 = tpu.memref_slice %arg7[%add3A_69, %dma_wait3A_481] : memref<16384x256xf32, #tpu.memory_space<hbm>> -> memref<128x256xf32, #tpu.memory_space<hbm>>
      %dma_wait3A_483 = arith.constant 0 : i32
      %dma_wait3A_484 = tpu.memref_slice %arg7[%add3A_69, %dma_wait3A_483] : memref<16384x256xf32, #tpu.memory_space<hbm>> -> memref<128x256xf32, #tpu.memory_space<hbm>>
      %dma_wait3A_485 = arith.constant 0 : i32
      %dma_wait3A_486 = arith.constant 0 : i32
      %dma_wait3A_487 = tpu.memref_slice %arg12[%run_scoped3A_70, %dma_wait3A_485, %dma_wait3A_486] : memref<2x128x256xf32, #tpu.memory_space<vmem>> -> memref<1x128x256xf32, #tpu.memory_space<vmem>>
      %dma_wait3A_488 = tpu.memref_squeeze %dma_wait3A_487 : memref<1x128x256xf32, #tpu.memory_space<vmem>> -> memref<128x256xf32, #tpu.memory_space<vmem>>
      tpu.wait_dma2 semaphore(%run_scoped3A_464 : memref<!tpu.dma_semaphore, #tpu.memory_space<semaphore_mem>>) src(%dma_wait3A_488 : memref<128x256xf32, #tpu.memory_space<vmem>>) dst(%dma_wait3A_484 : memref<128x256xf32, #tpu.memory_space<hbm>>)
      tpu.yield
    }) : () -> ()
    %dma_start3A_71 = arith.constant 0 : i32
    %dma_start3A_72 = arith.constant 3 : i32
    %dma_start3A_73 = arith.constant 1 : i32
    %dma_start3A_74 = arith.constant 0 : i32
    %dma_start3A_75 = arith.constant 0 : i32
    %dma_start3A_76 = tpu.memref_slice %arg12[%dma_start3A_73, %dma_start3A_74, %dma_start3A_75] : memref<2x128x256xf32, #tpu.memory_space<vmem>> -> memref<1x128x256xf32, #tpu.memory_space<vmem>>
    %dma_start3A_77 = tpu.memref_squeeze %dma_start3A_76 : memref<1x128x256xf32, #tpu.memory_space<vmem>> -> memref<128x256xf32, #tpu.memory_space<vmem>>
    %dma_start3A_78 = arith.constant 0 : i32
    %dma_start3A_79 = tpu.memref_slice %arg11[%dma_start3A_71, %dma_start3A_72, %dma_start3A_78] : memref<4x4x128xi32, #tpu.memory_space<vmem>> -> memref<1x1x128xi32, #tpu.memory_space<vmem>>
    %dma_start3A_80 = tpu.memref_squeeze %dma_start3A_79 : memref<1x1x128xi32, #tpu.memory_space<vmem>> -> memref<128xi32, #tpu.memory_space<vmem>>
    %dma_start3A_81 = arith.constant 0 : i32
    %dma_start3A_82 = arith.constant 0 : i32
    %dma_start3A_83 = tpu.memref_slice %arg3[%dma_start3A_81, %dma_start3A_82] : memref<1024x256xf32, #tpu.memory_space<hbm>> -> memref<1024x256xf32, #tpu.memory_space<hbm>>
    tpu.enqueue_indirect_dma source(%dma_start3A_83 : memref<1024x256xf32, #tpu.memory_space<hbm>>) target(%dma_start3A_77 : memref<128x256xf32, #tpu.memory_space<vmem>>) offsets(%dma_start3A_80 : memref<128xi32, #tpu.memory_space<vmem>>) semaphore(%arg13 : memref<!tpu.dma_semaphore, #tpu.memory_space<semaphore_mem>>)
    %dma_wait3A_84 = arith.constant 0 : i32
    %dma_wait3A_85 = arith.constant 2 : i32
    %dma_wait3A_86 = arith.constant 0 : i32
    %dma_wait3A_87 = arith.constant 0 : i32
    %dma_wait3A_88 = arith.constant 0 : i32
    %dma_wait3A_89 = tpu.memref_slice %arg12[%dma_wait3A_86, %dma_wait3A_87, %dma_wait3A_88] : memref<2x128x256xf32, #tpu.memory_space<vmem>> -> memref<1x128x256xf32, #tpu.memory_space<vmem>>
    %dma_wait3A_90 = tpu.memref_squeeze %dma_wait3A_89 : memref<1x128x256xf32, #tpu.memory_space<vmem>> -> memref<128x256xf32, #tpu.memory_space<vmem>>
    %dma_wait3A_91 = arith.constant 0 : i32
    %dma_wait3A_92 = tpu.memref_slice %arg11[%dma_wait3A_84, %dma_wait3A_85, %dma_wait3A_91] : memref<4x4x128xi32, #tpu.memory_space<vmem>> -> memref<1x1x128xi32, #tpu.memory_space<vmem>>
    %dma_wait3A_93 = tpu.memref_squeeze %dma_wait3A_92 : memref<1x1x128xi32, #tpu.memory_space<vmem>> -> memref<128xi32, #tpu.memory_space<vmem>>
    %dma_wait3A_94 = arith.constant 0 : i32
    %dma_wait3A_95 = arith.constant 0 : i32
    %dma_wait3A_96 = tpu.memref_slice %arg3[%dma_wait3A_94, %dma_wait3A_95] : memref<1024x256xf32, #tpu.memory_space<hbm>> -> memref<1024x256xf32, #tpu.memory_space<hbm>>
    tpu.wait_indirect_dma semaphore(%arg13 : memref<!tpu.dma_semaphore, #tpu.memory_space<semaphore_mem>>) src(%dma_wait3A_96 : memref<1024x256xf32, #tpu.memory_space<hbm>>) dst(%dma_wait3A_90 : memref<128x256xf32, #tpu.memory_space<vmem>>)
    %add3A_97 = arith.constant 256 : i32
    %add3A_98 = arith.addi %mul3A_2, %add3A_97 : i32
    %run_scoped3A_99 = arith.constant 0 : i32
    "tpu.region"() ({
      %run_scoped3A_464 = tpu.sem_alloc : memref<!tpu.dma_semaphore, #tpu.memory_space<semaphore_mem>>
      %dma_start3A_465 = arith.constant 0 : i32
      %dma_start3A_466 = arith.constant 0 : i32
      %dma_start3A_467 = tpu.memref_slice %arg12[%run_scoped3A_99, %dma_start3A_465, %dma_start3A_466] : memref<2x128x256xf32, #tpu.memory_space<vmem>> -> memref<1x128x256xf32, #tpu.memory_space<vmem>>
      %dma_start3A_468 = tpu.memref_squeeze %dma_start3A_467 : memref<1x128x256xf32, #tpu.memory_space<vmem>> -> memref<128x256xf32, #tpu.memory_space<vmem>>
      %dma_start3A_469 = arith.constant 0 : i32
      %dma_start3A_470 = tpu.memref_slice %arg7[%add3A_98, %dma_start3A_469] : memref<16384x256xf32, #tpu.memory_space<hbm>> -> memref<128x256xf32, #tpu.memory_space<hbm>>
      %dma_start3A_471 = arith.constant 0 : i32
      %dma_start3A_472 = tpu.memref_slice %arg7[%add3A_98, %dma_start3A_471] : memref<16384x256xf32, #tpu.memory_space<hbm>> -> memref<128x256xf32, #tpu.memory_space<hbm>>
      %dma_start3A_473 = arith.constant 0 : i32
      %dma_start3A_474 = arith.constant 0 : i32
      %dma_start3A_475 = tpu.memref_slice %arg12[%run_scoped3A_99, %dma_start3A_473, %dma_start3A_474] : memref<2x128x256xf32, #tpu.memory_space<vmem>> -> memref<1x128x256xf32, #tpu.memory_space<vmem>>
      %dma_start3A_476 = tpu.memref_squeeze %dma_start3A_475 : memref<1x128x256xf32, #tpu.memory_space<vmem>> -> memref<128x256xf32, #tpu.memory_space<vmem>>
      tpu.enqueue_dma source(%dma_start3A_476 : memref<128x256xf32, #tpu.memory_space<vmem>>) target(%dma_start3A_472 : memref<128x256xf32, #tpu.memory_space<hbm>>) target_semaphore(%run_scoped3A_464 : memref<!tpu.dma_semaphore, #tpu.memory_space<semaphore_mem>>)
      %dma_wait3A_477 = arith.constant 0 : i32
      %dma_wait3A_478 = arith.constant 0 : i32
      %dma_wait3A_479 = tpu.memref_slice %arg12[%run_scoped3A_99, %dma_wait3A_477, %dma_wait3A_478] : memref<2x128x256xf32, #tpu.memory_space<vmem>> -> memref<1x128x256xf32, #tpu.memory_space<vmem>>
      %dma_wait3A_480 = tpu.memref_squeeze %dma_wait3A_479 : memref<1x128x256xf32, #tpu.memory_space<vmem>> -> memref<128x256xf32, #tpu.memory_space<vmem>>
      %dma_wait3A_481 = arith.constant 0 : i32
      %dma_wait3A_482 = tpu.memref_slice %arg7[%add3A_98, %dma_wait3A_481] : memref<16384x256xf32, #tpu.memory_space<hbm>> -> memref<128x256xf32, #tpu.memory_space<hbm>>
      %dma_wait3A_483 = arith.constant 0 : i32
      %dma_wait3A_484 = tpu.memref_slice %arg7[%add3A_98, %dma_wait3A_483] : memref<16384x256xf32, #tpu.memory_space<hbm>> -> memref<128x256xf32, #tpu.memory_space<hbm>>
      %dma_wait3A_485 = arith.constant 0 : i32
      %dma_wait3A_486 = arith.constant 0 : i32
      %dma_wait3A_487 = tpu.memref_slice %arg12[%run_scoped3A_99, %dma_wait3A_485, %dma_wait3A_486] : memref<2x128x256xf32, #tpu.memory_space<vmem>> -> memref<1x128x256xf32, #tpu.memory_space<vmem>>
      %dma_wait3A_488 = tpu.memref_squeeze %dma_wait3A_487 : memref<1x128x256xf32, #tpu.memory_space<vmem>> -> memref<128x256xf32, #tpu.memory_space<vmem>>
      tpu.wait_dma2 semaphore(%run_scoped3A_464 : memref<!tpu.dma_semaphore, #tpu.memory_space<semaphore_mem>>) src(%dma_wait3A_488 : memref<128x256xf32, #tpu.memory_space<vmem>>) dst(%dma_wait3A_484 : memref<128x256xf32, #tpu.memory_space<hbm>>)
      tpu.yield
    }) : () -> ()
    %dma_start3A_100 = arith.constant 1 : i32
    %dma_start3A_101 = arith.constant 0 : i32
    %dma_start3A_102 = arith.constant 0 : i32
    %dma_start3A_103 = arith.constant 0 : i32
    %dma_start3A_104 = arith.constant 0 : i32
    %dma_start3A_105 = tpu.memref_slice %arg12[%dma_start3A_102, %dma_start3A_103, %dma_start3A_104] : memref<2x128x256xf32, #tpu.memory_space<vmem>> -> memref<1x128x256xf32, #tpu.memory_space<vmem>>
    %dma_start3A_106 = tpu.memref_squeeze %dma_start3A_105 : memref<1x128x256xf32, #tpu.memory_space<vmem>> -> memref<128x256xf32, #tpu.memory_space<vmem>>
    %dma_start3A_107 = arith.constant 0 : i32
    %dma_start3A_108 = tpu.memref_slice %arg11[%dma_start3A_100, %dma_start3A_101, %dma_start3A_107] : memref<4x4x128xi32, #tpu.memory_space<vmem>> -> memref<1x1x128xi32, #tpu.memory_space<vmem>>
    %dma_start3A_109 = tpu.memref_squeeze %dma_start3A_108 : memref<1x1x128xi32, #tpu.memory_space<vmem>> -> memref<128xi32, #tpu.memory_space<vmem>>
    %dma_start3A_110 = arith.constant 0 : i32
    %dma_start3A_111 = arith.constant 0 : i32
    %dma_start3A_112 = tpu.memref_slice %arg4[%dma_start3A_110, %dma_start3A_111] : memref<250880x256xf32, #tpu.memory_space<hbm>> -> memref<250880x256xf32, #tpu.memory_space<hbm>>
    tpu.enqueue_indirect_dma source(%dma_start3A_112 : memref<250880x256xf32, #tpu.memory_space<hbm>>) target(%dma_start3A_106 : memref<128x256xf32, #tpu.memory_space<vmem>>) offsets(%dma_start3A_109 : memref<128xi32, #tpu.memory_space<vmem>>) semaphore(%arg13 : memref<!tpu.dma_semaphore, #tpu.memory_space<semaphore_mem>>)
    %dma_wait3A_113 = arith.constant 0 : i32
    %dma_wait3A_114 = arith.constant 3 : i32
    %dma_wait3A_115 = arith.constant 1 : i32
    %dma_wait3A_116 = arith.constant 0 : i32
    %dma_wait3A_117 = arith.constant 0 : i32
    %dma_wait3A_118 = tpu.memref_slice %arg12[%dma_wait3A_115, %dma_wait3A_116, %dma_wait3A_117] : memref<2x128x256xf32, #tpu.memory_space<vmem>> -> memref<1x128x256xf32, #tpu.memory_space<vmem>>
    %dma_wait3A_119 = tpu.memref_squeeze %dma_wait3A_118 : memref<1x128x256xf32, #tpu.memory_space<vmem>> -> memref<128x256xf32, #tpu.memory_space<vmem>>
    %dma_wait3A_120 = arith.constant 0 : i32
    %dma_wait3A_121 = tpu.memref_slice %arg11[%dma_wait3A_113, %dma_wait3A_114, %dma_wait3A_120] : memref<4x4x128xi32, #tpu.memory_space<vmem>> -> memref<1x1x128xi32, #tpu.memory_space<vmem>>
    %dma_wait3A_122 = tpu.memref_squeeze %dma_wait3A_121 : memref<1x1x128xi32, #tpu.memory_space<vmem>> -> memref<128xi32, #tpu.memory_space<vmem>>
    %dma_wait3A_123 = arith.constant 0 : i32
    %dma_wait3A_124 = arith.constant 0 : i32
    %dma_wait3A_125 = tpu.memref_slice %arg3[%dma_wait3A_123, %dma_wait3A_124] : memref<1024x256xf32, #tpu.memory_space<hbm>> -> memref<1024x256xf32, #tpu.memory_space<hbm>>
    tpu.wait_indirect_dma semaphore(%arg13 : memref<!tpu.dma_semaphore, #tpu.memory_space<semaphore_mem>>) src(%dma_wait3A_125 : memref<1024x256xf32, #tpu.memory_space<hbm>>) dst(%dma_wait3A_119 : memref<128x256xf32, #tpu.memory_space<vmem>>)
    %add3A_126 = arith.constant 384 : i32
    %add3A_127 = arith.addi %mul3A_2, %add3A_126 : i32
    %run_scoped3A_128 = arith.constant 1 : i32
    "tpu.region"() ({
      %run_scoped3A_464 = tpu.sem_alloc : memref<!tpu.dma_semaphore, #tpu.memory_space<semaphore_mem>>
      %dma_start3A_465 = arith.constant 0 : i32
      %dma_start3A_466 = arith.constant 0 : i32
      %dma_start3A_467 = tpu.memref_slice %arg12[%run_scoped3A_128, %dma_start3A_465, %dma_start3A_466] : memref<2x128x256xf32, #tpu.memory_space<vmem>> -> memref<1x128x256xf32, #tpu.memory_space<vmem>>
      %dma_start3A_468 = tpu.memref_squeeze %dma_start3A_467 : memref<1x128x256xf32, #tpu.memory_space<vmem>> -> memref<128x256xf32, #tpu.memory_space<vmem>>
      %dma_start3A_469 = arith.constant 0 : i32
      %dma_start3A_470 = tpu.memref_slice %arg7[%add3A_127, %dma_start3A_469] : memref<16384x256xf32, #tpu.memory_space<hbm>> -> memref<128x256xf32, #tpu.memory_space<hbm>>
      %dma_start3A_471 = arith.constant 0 : i32
      %dma_start3A_472 = tpu.memref_slice %arg7[%add3A_127, %dma_start3A_471] : memref<16384x256xf32, #tpu.memory_space<hbm>> -> memref<128x256xf32, #tpu.memory_space<hbm>>
      %dma_start3A_473 = arith.constant 0 : i32
      %dma_start3A_474 = arith.constant 0 : i32
      %dma_start3A_475 = tpu.memref_slice %arg12[%run_scoped3A_128, %dma_start3A_473, %dma_start3A_474] : memref<2x128x256xf32, #tpu.memory_space<vmem>> -> memref<1x128x256xf32, #tpu.memory_space<vmem>>
      %dma_start3A_476 = tpu.memref_squeeze %dma_start3A_475 : memref<1x128x256xf32, #tpu.memory_space<vmem>> -> memref<128x256xf32, #tpu.memory_space<vmem>>
      tpu.enqueue_dma source(%dma_start3A_476 : memref<128x256xf32, #tpu.memory_space<vmem>>) target(%dma_start3A_472 : memref<128x256xf32, #tpu.memory_space<hbm>>) target_semaphore(%run_scoped3A_464 : memref<!tpu.dma_semaphore, #tpu.memory_space<semaphore_mem>>)
      %dma_wait3A_477 = arith.constant 0 : i32
      %dma_wait3A_478 = arith.constant 0 : i32
      %dma_wait3A_479 = tpu.memref_slice %arg12[%run_scoped3A_128, %dma_wait3A_477, %dma_wait3A_478] : memref<2x128x256xf32, #tpu.memory_space<vmem>> -> memref<1x128x256xf32, #tpu.memory_space<vmem>>
      %dma_wait3A_480 = tpu.memref_squeeze %dma_wait3A_479 : memref<1x128x256xf32, #tpu.memory_space<vmem>> -> memref<128x256xf32, #tpu.memory_space<vmem>>
      %dma_wait3A_481 = arith.constant 0 : i32
      %dma_wait3A_482 = tpu.memref_slice %arg7[%add3A_127, %dma_wait3A_481] : memref<16384x256xf32, #tpu.memory_space<hbm>> -> memref<128x256xf32, #tpu.memory_space<hbm>>
      %dma_wait3A_483 = arith.constant 0 : i32
      %dma_wait3A_484 = tpu.memref_slice %arg7[%add3A_127, %dma_wait3A_483] : memref<16384x256xf32, #tpu.memory_space<hbm>> -> memref<128x256xf32, #tpu.memory_space<hbm>>
      %dma_wait3A_485 = arith.constant 0 : i32
      %dma_wait3A_486 = arith.constant 0 : i32
      %dma_wait3A_487 = tpu.memref_slice %arg12[%run_scoped3A_128, %dma_wait3A_485, %dma_wait3A_486] : memref<2x128x256xf32, #tpu.memory_space<vmem>> -> memref<1x128x256xf32, #tpu.memory_space<vmem>>
      %dma_wait3A_488 = tpu.memref_squeeze %dma_wait3A_487 : memref<1x128x256xf32, #tpu.memory_space<vmem>> -> memref<128x256xf32, #tpu.memory_space<vmem>>
      tpu.wait_dma2 semaphore(%run_scoped3A_464 : memref<!tpu.dma_semaphore, #tpu.memory_space<semaphore_mem>>) src(%dma_wait3A_488 : memref<128x256xf32, #tpu.memory_space<vmem>>) dst(%dma_wait3A_484 : memref<128x256xf32, #tpu.memory_space<hbm>>)
      tpu.yield
    }) : () -> ()
    %dma_start3A_129 = arith.constant 1 : i32
    %dma_start3A_130 = arith.constant 1 : i32
    %dma_start3A_131 = arith.constant 1 : i32
    %dma_start3A_132 = arith.constant 0 : i32
    %dma_start3A_133 = arith.constant 0 : i32
    %dma_start3A_134 = tpu.memref_slice %arg12[%dma_start3A_131, %dma_start3A_132, %dma_start3A_133] : memref<2x128x256xf32, #tpu.memory_space<vmem>> -> memref<1x128x256xf32, #tpu.memory_space<vmem>>
    %dma_start3A_135 = tpu.memref_squeeze %dma_start3A_134 : memref<1x128x256xf32, #tpu.memory_space<vmem>> -> memref<128x256xf32, #tpu.memory_space<vmem>>
    %dma_start3A_136 = arith.constant 0 : i32
    %dma_start3A_137 = tpu.memref_slice %arg11[%dma_start3A_129, %dma_start3A_130, %dma_start3A_136] : memref<4x4x128xi32, #tpu.memory_space<vmem>> -> memref<1x1x128xi32, #tpu.memory_space<vmem>>
    %dma_start3A_138 = tpu.memref_squeeze %dma_start3A_137 : memref<1x1x128xi32, #tpu.memory_space<vmem>> -> memref<128xi32, #tpu.memory_space<vmem>>
    %dma_start3A_139 = arith.constant 0 : i32
    %dma_start3A_140 = arith.constant 0 : i32
    %dma_start3A_141 = tpu.memref_slice %arg4[%dma_start3A_139, %dma_start3A_140] : memref<250880x256xf32, #tpu.memory_space<hbm>> -> memref<250880x256xf32, #tpu.memory_space<hbm>>
    tpu.enqueue_indirect_dma source(%dma_start3A_141 : memref<250880x256xf32, #tpu.memory_space<hbm>>) target(%dma_start3A_135 : memref<128x256xf32, #tpu.memory_space<vmem>>) offsets(%dma_start3A_138 : memref<128xi32, #tpu.memory_space<vmem>>) semaphore(%arg13 : memref<!tpu.dma_semaphore, #tpu.memory_space<semaphore_mem>>)
    %dma_wait3A_142 = arith.constant 1 : i32
    %dma_wait3A_143 = arith.constant 0 : i32
    %dma_wait3A_144 = arith.constant 0 : i32
    %dma_wait3A_145 = arith.constant 0 : i32
    %dma_wait3A_146 = arith.constant 0 : i32
    %dma_wait3A_147 = tpu.memref_slice %arg12[%dma_wait3A_144, %dma_wait3A_145, %dma_wait3A_146] : memref<2x128x256xf32, #tpu.memory_space<vmem>> -> memref<1x128x256xf32, #tpu.memory_space<vmem>>
    %dma_wait3A_148 = tpu.memref_squeeze %dma_wait3A_147 : memref<1x128x256xf32, #tpu.memory_space<vmem>> -> memref<128x256xf32, #tpu.memory_space<vmem>>
    %dma_wait3A_149 = arith.constant 0 : i32
    %dma_wait3A_150 = tpu.memref_slice %arg11[%dma_wait3A_142, %dma_wait3A_143, %dma_wait3A_149] : memref<4x4x128xi32, #tpu.memory_space<vmem>> -> memref<1x1x128xi32, #tpu.memory_space<vmem>>
    %dma_wait3A_151 = tpu.memref_squeeze %dma_wait3A_150 : memref<1x1x128xi32, #tpu.memory_space<vmem>> -> memref<128xi32, #tpu.memory_space<vmem>>
    %dma_wait3A_152 = arith.constant 0 : i32
    %dma_wait3A_153 = arith.constant 0 : i32
    %dma_wait3A_154 = tpu.memref_slice %arg4[%dma_wait3A_152, %dma_wait3A_153] : memref<250880x256xf32, #tpu.memory_space<hbm>> -> memref<250880x256xf32, #tpu.memory_space<hbm>>
    tpu.wait_indirect_dma semaphore(%arg13 : memref<!tpu.dma_semaphore, #tpu.memory_space<semaphore_mem>>) src(%dma_wait3A_154 : memref<250880x256xf32, #tpu.memory_space<hbm>>) dst(%dma_wait3A_148 : memref<128x256xf32, #tpu.memory_space<vmem>>)
    %add3A_155 = arith.constant 0 : i32
    %add3A_156 = arith.addi %mul3A_2, %add3A_155 : i32
    %run_scoped3A_157 = arith.constant 0 : i32
    "tpu.region"() ({
      %run_scoped3A_464 = tpu.sem_alloc : memref<!tpu.dma_semaphore, #tpu.memory_space<semaphore_mem>>
      %dma_start3A_465 = arith.constant 0 : i32
      %dma_start3A_466 = arith.constant 0 : i32
      %dma_start3A_467 = tpu.memref_slice %arg12[%run_scoped3A_157, %dma_start3A_465, %dma_start3A_466] : memref<2x128x256xf32, #tpu.memory_space<vmem>> -> memref<1x128x256xf32, #tpu.memory_space<vmem>>
      %dma_start3A_468 = tpu.memref_squeeze %dma_start3A_467 : memref<1x128x256xf32, #tpu.memory_space<vmem>> -> memref<128x256xf32, #tpu.memory_space<vmem>>
      %dma_start3A_469 = arith.constant 0 : i32
      %dma_start3A_470 = tpu.memref_slice %arg8[%add3A_156, %dma_start3A_469] : memref<16384x256xf32, #tpu.memory_space<hbm>> -> memref<128x256xf32, #tpu.memory_space<hbm>>
      %dma_start3A_471 = arith.constant 0 : i32
      %dma_start3A_472 = tpu.memref_slice %arg8[%add3A_156, %dma_start3A_471] : memref<16384x256xf32, #tpu.memory_space<hbm>> -> memref<128x256xf32, #tpu.memory_space<hbm>>
      %dma_start3A_473 = arith.constant 0 : i32
      %dma_start3A_474 = arith.constant 0 : i32
      %dma_start3A_475 = tpu.memref_slice %arg12[%run_scoped3A_157, %dma_start3A_473, %dma_start3A_474] : memref<2x128x256xf32, #tpu.memory_space<vmem>> -> memref<1x128x256xf32, #tpu.memory_space<vmem>>
      %dma_start3A_476 = tpu.memref_squeeze %dma_start3A_475 : memref<1x128x256xf32, #tpu.memory_space<vmem>> -> memref<128x256xf32, #tpu.memory_space<vmem>>
      tpu.enqueue_dma source(%dma_start3A_476 : memref<128x256xf32, #tpu.memory_space<vmem>>) target(%dma_start3A_472 : memref<128x256xf32, #tpu.memory_space<hbm>>) target_semaphore(%run_scoped3A_464 : memref<!tpu.dma_semaphore, #tpu.memory_space<semaphore_mem>>)
      %dma_wait3A_477 = arith.constant 0 : i32
      %dma_wait3A_478 = arith.constant 0 : i32
      %dma_wait3A_479 = tpu.memref_slice %arg12[%run_scoped3A_157, %dma_wait3A_477, %dma_wait3A_478] : memref<2x128x256xf32, #tpu.memory_space<vmem>> -> memref<1x128x256xf32, #tpu.memory_space<vmem>>
      %dma_wait3A_480 = tpu.memref_squeeze %dma_wait3A_479 : memref<1x128x256xf32, #tpu.memory_space<vmem>> -> memref<128x256xf32, #tpu.memory_space<vmem>>
      %dma_wait3A_481 = arith.constant 0 : i32
      %dma_wait3A_482 = tpu.memref_slice %arg8[%add3A_156, %dma_wait3A_481] : memref<16384x256xf32, #tpu.memory_space<hbm>> -> memref<128x256xf32, #tpu.memory_space<hbm>>
      %dma_wait3A_483 = arith.constant 0 : i32
      %dma_wait3A_484 = tpu.memref_slice %arg8[%add3A_156, %dma_wait3A_483] : memref<16384x256xf32, #tpu.memory_space<hbm>> -> memref<128x256xf32, #tpu.memory_space<hbm>>
      %dma_wait3A_485 = arith.constant 0 : i32
      %dma_wait3A_486 = arith.constant 0 : i32
      %dma_wait3A_487 = tpu.memref_slice %arg12[%run_scoped3A_157, %dma_wait3A_485, %dma_wait3A_486] : memref<2x128x256xf32, #tpu.memory_space<vmem>> -> memref<1x128x256xf32, #tpu.memory_space<vmem>>
      %dma_wait3A_488 = tpu.memref_squeeze %dma_wait3A_487 : memref<1x128x256xf32, #tpu.memory_space<vmem>> -> memref<128x256xf32, #tpu.memory_space<vmem>>
      tpu.wait_dma2 semaphore(%run_scoped3A_464 : memref<!tpu.dma_semaphore, #tpu.memory_space<semaphore_mem>>) src(%dma_wait3A_488 : memref<128x256xf32, #tpu.memory_space<vmem>>) dst(%dma_wait3A_484 : memref<128x256xf32, #tpu.memory_space<hbm>>)
      tpu.yield
    }) : () -> ()
    %dma_start3A_158 = arith.constant 1 : i32
    %dma_start3A_159 = arith.constant 2 : i32
    %dma_start3A_160 = arith.constant 0 : i32
    %dma_start3A_161 = arith.constant 0 : i32
    %dma_start3A_162 = arith.constant 0 : i32
    %dma_start3A_163 = tpu.memref_slice %arg12[%dma_start3A_160, %dma_start3A_161, %dma_start3A_162] : memref<2x128x256xf32, #tpu.memory_space<vmem>> -> memref<1x128x256xf32, #tpu.memory_space<vmem>>
    %dma_start3A_164 = tpu.memref_squeeze %dma_start3A_163 : memref<1x128x256xf32, #tpu.memory_space<vmem>> -> memref<128x256xf32, #tpu.memory_space<vmem>>
    %dma_start3A_165 = arith.constant 0 : i32
    %dma_start3A_166 = tpu.memref_slice %arg11[%dma_start3A_158, %dma_start3A_159, %dma_start3A_165] : memref<4x4x128xi32, #tpu.memory_space<vmem>> -> memref<1x1x128xi32, #tpu.memory_space<vmem>>
    %dma_start3A_167 = tpu.memref_squeeze %dma_start3A_166 : memref<1x1x128xi32, #tpu.memory_space<vmem>> -> memref<128xi32, #tpu.memory_space<vmem>>
    %dma_start3A_168 = arith.constant 0 : i32
    %dma_start3A_169 = arith.constant 0 : i32
    %dma_start3A_170 = tpu.memref_slice %arg4[%dma_start3A_168, %dma_start3A_169] : memref<250880x256xf32, #tpu.memory_space<hbm>> -> memref<250880x256xf32, #tpu.memory_space<hbm>>
    tpu.enqueue_indirect_dma source(%dma_start3A_170 : memref<250880x256xf32, #tpu.memory_space<hbm>>) target(%dma_start3A_164 : memref<128x256xf32, #tpu.memory_space<vmem>>) offsets(%dma_start3A_167 : memref<128xi32, #tpu.memory_space<vmem>>) semaphore(%arg13 : memref<!tpu.dma_semaphore, #tpu.memory_space<semaphore_mem>>)
    %dma_wait3A_171 = arith.constant 1 : i32
    %dma_wait3A_172 = arith.constant 1 : i32
    %dma_wait3A_173 = arith.constant 1 : i32
    %dma_wait3A_174 = arith.constant 0 : i32
    %dma_wait3A_175 = arith.constant 0 : i32
    %dma_wait3A_176 = tpu.memref_slice %arg12[%dma_wait3A_173, %dma_wait3A_174, %dma_wait3A_175] : memref<2x128x256xf32, #tpu.memory_space<vmem>> -> memref<1x128x256xf32, #tpu.memory_space<vmem>>
    %dma_wait3A_177 = tpu.memref_squeeze %dma_wait3A_176 : memref<1x128x256xf32, #tpu.memory_space<vmem>> -> memref<128x256xf32, #tpu.memory_space<vmem>>
    %dma_wait3A_178 = arith.constant 0 : i32
    %dma_wait3A_179 = tpu.memref_slice %arg11[%dma_wait3A_171, %dma_wait3A_172, %dma_wait3A_178] : memref<4x4x128xi32, #tpu.memory_space<vmem>> -> memref<1x1x128xi32, #tpu.memory_space<vmem>>
    %dma_wait3A_180 = tpu.memref_squeeze %dma_wait3A_179 : memref<1x1x128xi32, #tpu.memory_space<vmem>> -> memref<128xi32, #tpu.memory_space<vmem>>
    %dma_wait3A_181 = arith.constant 0 : i32
    %dma_wait3A_182 = arith.constant 0 : i32
    %dma_wait3A_183 = tpu.memref_slice %arg4[%dma_wait3A_181, %dma_wait3A_182] : memref<250880x256xf32, #tpu.memory_space<hbm>> -> memref<250880x256xf32, #tpu.memory_space<hbm>>
    tpu.wait_indirect_dma semaphore(%arg13 : memref<!tpu.dma_semaphore, #tpu.memory_space<semaphore_mem>>) src(%dma_wait3A_183 : memref<250880x256xf32, #tpu.memory_space<hbm>>) dst(%dma_wait3A_177 : memref<128x256xf32, #tpu.memory_space<vmem>>)
    %add3A_184 = arith.constant 128 : i32
    %add3A_185 = arith.addi %mul3A_2, %add3A_184 : i32
    %run_scoped3A_186 = arith.constant 1 : i32
    "tpu.region"() ({
      %run_scoped3A_464 = tpu.sem_alloc : memref<!tpu.dma_semaphore, #tpu.memory_space<semaphore_mem>>
      %dma_start3A_465 = arith.constant 0 : i32
      %dma_start3A_466 = arith.constant 0 : i32
      %dma_start3A_467 = tpu.memref_slice %arg12[%run_scoped3A_186, %dma_start3A_465, %dma_start3A_466] : memref<2x128x256xf32, #tpu.memory_space<vmem>> -> memref<1x128x256xf32, #tpu.memory_space<vmem>>
      %dma_start3A_468 = tpu.memref_squeeze %dma_start3A_467 : memref<1x128x256xf32, #tpu.memory_space<vmem>> -> memref<128x256xf32, #tpu.memory_space<vmem>>
      %dma_start3A_469 = arith.constant 0 : i32
      %dma_start3A_470 = tpu.memref_slice %arg8[%add3A_185, %dma_start3A_469] : memref<16384x256xf32, #tpu.memory_space<hbm>> -> memref<128x256xf32, #tpu.memory_space<hbm>>
      %dma_start3A_471 = arith.constant 0 : i32
      %dma_start3A_472 = tpu.memref_slice %arg8[%add3A_185, %dma_start3A_471] : memref<16384x256xf32, #tpu.memory_space<hbm>> -> memref<128x256xf32, #tpu.memory_space<hbm>>
      %dma_start3A_473 = arith.constant 0 : i32
      %dma_start3A_474 = arith.constant 0 : i32
      %dma_start3A_475 = tpu.memref_slice %arg12[%run_scoped3A_186, %dma_start3A_473, %dma_start3A_474] : memref<2x128x256xf32, #tpu.memory_space<vmem>> -> memref<1x128x256xf32, #tpu.memory_space<vmem>>
      %dma_start3A_476 = tpu.memref_squeeze %dma_start3A_475 : memref<1x128x256xf32, #tpu.memory_space<vmem>> -> memref<128x256xf32, #tpu.memory_space<vmem>>
      tpu.enqueue_dma source(%dma_start3A_476 : memref<128x256xf32, #tpu.memory_space<vmem>>) target(%dma_start3A_472 : memref<128x256xf32, #tpu.memory_space<hbm>>) target_semaphore(%run_scoped3A_464 : memref<!tpu.dma_semaphore, #tpu.memory_space<semaphore_mem>>)
      %dma_wait3A_477 = arith.constant 0 : i32
      %dma_wait3A_478 = arith.constant 0 : i32
      %dma_wait3A_479 = tpu.memref_slice %arg12[%run_scoped3A_186, %dma_wait3A_477, %dma_wait3A_478] : memref<2x128x256xf32, #tpu.memory_space<vmem>> -> memref<1x128x256xf32, #tpu.memory_space<vmem>>
      %dma_wait3A_480 = tpu.memref_squeeze %dma_wait3A_479 : memref<1x128x256xf32, #tpu.memory_space<vmem>> -> memref<128x256xf32, #tpu.memory_space<vmem>>
      %dma_wait3A_481 = arith.constant 0 : i32
      %dma_wait3A_482 = tpu.memref_slice %arg8[%add3A_185, %dma_wait3A_481] : memref<16384x256xf32, #tpu.memory_space<hbm>> -> memref<128x256xf32, #tpu.memory_space<hbm>>
      %dma_wait3A_483 = arith.constant 0 : i32
      %dma_wait3A_484 = tpu.memref_slice %arg8[%add3A_185, %dma_wait3A_483] : memref<16384x256xf32, #tpu.memory_space<hbm>> -> memref<128x256xf32, #tpu.memory_space<hbm>>
      %dma_wait3A_485 = arith.constant 0 : i32
      %dma_wait3A_486 = arith.constant 0 : i32
      %dma_wait3A_487 = tpu.memref_slice %arg12[%run_scoped3A_186, %dma_wait3A_485, %dma_wait3A_486] : memref<2x128x256xf32, #tpu.memory_space<vmem>> -> memref<1x128x256xf32, #tpu.memory_space<vmem>>
      %dma_wait3A_488 = tpu.memref_squeeze %dma_wait3A_487 : memref<1x128x256xf32, #tpu.memory_space<vmem>> -> memref<128x256xf32, #tpu.memory_space<vmem>>
      tpu.wait_dma2 semaphore(%run_scoped3A_464 : memref<!tpu.dma_semaphore, #tpu.memory_space<semaphore_mem>>) src(%dma_wait3A_488 : memref<128x256xf32, #tpu.memory_space<vmem>>) dst(%dma_wait3A_484 : memref<128x256xf32, #tpu.memory_space<hbm>>)
      tpu.yield
    }) : () -> ()
    %dma_start3A_187 = arith.constant 1 : i32
    %dma_start3A_188 = arith.constant 3 : i32
    %dma_start3A_189 = arith.constant 1 : i32
    %dma_start3A_190 = arith.constant 0 : i32
    %dma_start3A_191 = arith.constant 0 : i32
    %dma_start3A_192 = tpu.memref_slice %arg12[%dma_start3A_189, %dma_start3A_190, %dma_start3A_191] : memref<2x128x256xf32, #tpu.memory_space<vmem>> -> memref<1x128x256xf32, #tpu.memory_space<vmem>>
    %dma_start3A_193 = tpu.memref_squeeze %dma_start3A_192 : memref<1x128x256xf32, #tpu.memory_space<vmem>> -> memref<128x256xf32, #tpu.memory_space<vmem>>
    %dma_start3A_194 = arith.constant 0 : i32
    %dma_start3A_195 = tpu.memref_slice %arg11[%dma_start3A_187, %dma_start3A_188, %dma_start3A_194] : memref<4x4x128xi32, #tpu.memory_space<vmem>> -> memref<1x1x128xi32, #tpu.memory_space<vmem>>
    %dma_start3A_196 = tpu.memref_squeeze %dma_start3A_195 : memref<1x1x128xi32, #tpu.memory_space<vmem>> -> memref<128xi32, #tpu.memory_space<vmem>>
    %dma_start3A_197 = arith.constant 0 : i32
    %dma_start3A_198 = arith.constant 0 : i32
    %dma_start3A_199 = tpu.memref_slice %arg4[%dma_start3A_197, %dma_start3A_198] : memref<250880x256xf32, #tpu.memory_space<hbm>> -> memref<250880x256xf32, #tpu.memory_space<hbm>>
    tpu.enqueue_indirect_dma source(%dma_start3A_199 : memref<250880x256xf32, #tpu.memory_space<hbm>>) target(%dma_start3A_193 : memref<128x256xf32, #tpu.memory_space<vmem>>) offsets(%dma_start3A_196 : memref<128xi32, #tpu.memory_space<vmem>>) semaphore(%arg13 : memref<!tpu.dma_semaphore, #tpu.memory_space<semaphore_mem>>)
    %dma_wait3A_200 = arith.constant 1 : i32
    %dma_wait3A_201 = arith.constant 2 : i32
    %dma_wait3A_202 = arith.constant 0 : i32
    %dma_wait3A_203 = arith.constant 0 : i32
    %dma_wait3A_204 = arith.constant 0 : i32
    %dma_wait3A_205 = tpu.memref_slice %arg12[%dma_wait3A_202, %dma_wait3A_203, %dma_wait3A_204] : memref<2x128x256xf32, #tpu.memory_space<vmem>> -> memref<1x128x256xf32, #tpu.memory_space<vmem>>
    %dma_wait3A_206 = tpu.memref_squeeze %dma_wait3A_205 : memref<1x128x256xf32, #tpu.memory_space<vmem>> -> memref<128x256xf32, #tpu.memory_space<vmem>>
    %dma_wait3A_207 = arith.constant 0 : i32
    %dma_wait3A_208 = tpu.memref_slice %arg11[%dma_wait3A_200, %dma_wait3A_201, %dma_wait3A_207] : memref<4x4x128xi32, #tpu.memory_space<vmem>> -> memref<1x1x128xi32, #tpu.memory_space<vmem>>
    %dma_wait3A_209 = tpu.memref_squeeze %dma_wait3A_208 : memref<1x1x128xi32, #tpu.memory_space<vmem>> -> memref<128xi32, #tpu.memory_space<vmem>>
    %dma_wait3A_210 = arith.constant 0 : i32
    %dma_wait3A_211 = arith.constant 0 : i32
    %dma_wait3A_212 = tpu.memref_slice %arg4[%dma_wait3A_210, %dma_wait3A_211] : memref<250880x256xf32, #tpu.memory_space<hbm>> -> memref<250880x256xf32, #tpu.memory_space<hbm>>
    tpu.wait_indirect_dma semaphore(%arg13 : memref<!tpu.dma_semaphore, #tpu.memory_space<semaphore_mem>>) src(%dma_wait3A_212 : memref<250880x256xf32, #tpu.memory_space<hbm>>) dst(%dma_wait3A_206 : memref<128x256xf32, #tpu.memory_space<vmem>>)
    %add3A_213 = arith.constant 256 : i32
    %add3A_214 = arith.addi %mul3A_2, %add3A_213 : i32
    %run_scoped3A_215 = arith.constant 0 : i32
    "tpu.region"() ({
      %run_scoped3A_464 = tpu.sem_alloc : memref<!tpu.dma_semaphore, #tpu.memory_space<semaphore_mem>>
      %dma_start3A_465 = arith.constant 0 : i32
      %dma_start3A_466 = arith.constant 0 : i32
      %dma_start3A_467 = tpu.memref_slice %arg12[%run_scoped3A_215, %dma_start3A_465, %dma_start3A_466] : memref<2x128x256xf32, #tpu.memory_space<vmem>> -> memref<1x128x256xf32, #tpu.memory_space<vmem>>
      %dma_start3A_468 = tpu.memref_squeeze %dma_start3A_467 : memref<1x128x256xf32, #tpu.memory_space<vmem>> -> memref<128x256xf32, #tpu.memory_space<vmem>>
      %dma_start3A_469 = arith.constant 0 : i32
      %dma_start3A_470 = tpu.memref_slice %arg8[%add3A_214, %dma_start3A_469] : memref<16384x256xf32, #tpu.memory_space<hbm>> -> memref<128x256xf32, #tpu.memory_space<hbm>>
      %dma_start3A_471 = arith.constant 0 : i32
      %dma_start3A_472 = tpu.memref_slice %arg8[%add3A_214, %dma_start3A_471] : memref<16384x256xf32, #tpu.memory_space<hbm>> -> memref<128x256xf32, #tpu.memory_space<hbm>>
      %dma_start3A_473 = arith.constant 0 : i32
      %dma_start3A_474 = arith.constant 0 : i32
      %dma_start3A_475 = tpu.memref_slice %arg12[%run_scoped3A_215, %dma_start3A_473, %dma_start3A_474] : memref<2x128x256xf32, #tpu.memory_space<vmem>> -> memref<1x128x256xf32, #tpu.memory_space<vmem>>
      %dma_start3A_476 = tpu.memref_squeeze %dma_start3A_475 : memref<1x128x256xf32, #tpu.memory_space<vmem>> -> memref<128x256xf32, #tpu.memory_space<vmem>>
      tpu.enqueue_dma source(%dma_start3A_476 : memref<128x256xf32, #tpu.memory_space<vmem>>) target(%dma_start3A_472 : memref<128x256xf32, #tpu.memory_space<hbm>>) target_semaphore(%run_scoped3A_464 : memref<!tpu.dma_semaphore, #tpu.memory_space<semaphore_mem>>)
      %dma_wait3A_477 = arith.constant 0 : i32
      %dma_wait3A_478 = arith.constant 0 : i32
      %dma_wait3A_479 = tpu.memref_slice %arg12[%run_scoped3A_215, %dma_wait3A_477, %dma_wait3A_478] : memref<2x128x256xf32, #tpu.memory_space<vmem>> -> memref<1x128x256xf32, #tpu.memory_space<vmem>>
      %dma_wait3A_480 = tpu.memref_squeeze %dma_wait3A_479 : memref<1x128x256xf32, #tpu.memory_space<vmem>> -> memref<128x256xf32, #tpu.memory_space<vmem>>
      %dma_wait3A_481 = arith.constant 0 : i32
      %dma_wait3A_482 = tpu.memref_slice %arg8[%add3A_214, %dma_wait3A_481] : memref<16384x256xf32, #tpu.memory_space<hbm>> -> memref<128x256xf32, #tpu.memory_space<hbm>>
      %dma_wait3A_483 = arith.constant 0 : i32
      %dma_wait3A_484 = tpu.memref_slice %arg8[%add3A_214, %dma_wait3A_483] : memref<16384x256xf32, #tpu.memory_space<hbm>> -> memref<128x256xf32, #tpu.memory_space<hbm>>
      %dma_wait3A_485 = arith.constant 0 : i32
      %dma_wait3A_486 = arith.constant 0 : i32
      %dma_wait3A_487 = tpu.memref_slice %arg12[%run_scoped3A_215, %dma_wait3A_485, %dma_wait3A_486] : memref<2x128x256xf32, #tpu.memory_space<vmem>> -> memref<1x128x256xf32, #tpu.memory_space<vmem>>
      %dma_wait3A_488 = tpu.memref_squeeze %dma_wait3A_487 : memref<1x128x256xf32, #tpu.memory_space<vmem>> -> memref<128x256xf32, #tpu.memory_space<vmem>>
      tpu.wait_dma2 semaphore(%run_scoped3A_464 : memref<!tpu.dma_semaphore, #tpu.memory_space<semaphore_mem>>) src(%dma_wait3A_488 : memref<128x256xf32, #tpu.memory_space<vmem>>) dst(%dma_wait3A_484 : memref<128x256xf32, #tpu.memory_space<hbm>>)
      tpu.yield
    }) : () -> ()
    %dma_start3A_216 = arith.constant 2 : i32
    %dma_start3A_217 = arith.constant 0 : i32
    %dma_start3A_218 = arith.constant 0 : i32
    %dma_start3A_219 = arith.constant 0 : i32
    %dma_start3A_220 = arith.constant 0 : i32
    %dma_start3A_221 = tpu.memref_slice %arg12[%dma_start3A_218, %dma_start3A_219, %dma_start3A_220] : memref<2x128x256xf32, #tpu.memory_space<vmem>> -> memref<1x128x256xf32, #tpu.memory_space<vmem>>
    %dma_start3A_222 = tpu.memref_squeeze %dma_start3A_221 : memref<1x128x256xf32, #tpu.memory_space<vmem>> -> memref<128x256xf32, #tpu.memory_space<vmem>>
    %dma_start3A_223 = arith.constant 0 : i32
    %dma_start3A_224 = tpu.memref_slice %arg11[%dma_start3A_216, %dma_start3A_217, %dma_start3A_223] : memref<4x4x128xi32, #tpu.memory_space<vmem>> -> memref<1x1x128xi32, #tpu.memory_space<vmem>>
    %dma_start3A_225 = tpu.memref_squeeze %dma_start3A_224 : memref<1x1x128xi32, #tpu.memory_space<vmem>> -> memref<128xi32, #tpu.memory_space<vmem>>
    %dma_start3A_226 = arith.constant 0 : i32
    %dma_start3A_227 = arith.constant 0 : i32
    %dma_start3A_228 = tpu.memref_slice %arg5[%dma_start3A_226, %dma_start3A_227] : memref<250880x256xf32, #tpu.memory_space<hbm>> -> memref<250880x256xf32, #tpu.memory_space<hbm>>
    tpu.enqueue_indirect_dma source(%dma_start3A_228 : memref<250880x256xf32, #tpu.memory_space<hbm>>) target(%dma_start3A_222 : memref<128x256xf32, #tpu.memory_space<vmem>>) offsets(%dma_start3A_225 : memref<128xi32, #tpu.memory_space<vmem>>) semaphore(%arg13 : memref<!tpu.dma_semaphore, #tpu.memory_space<semaphore_mem>>)
    %dma_wait3A_229 = arith.constant 1 : i32
    %dma_wait3A_230 = arith.constant 3 : i32
    %dma_wait3A_231 = arith.constant 1 : i32
    %dma_wait3A_232 = arith.constant 0 : i32
    %dma_wait3A_233 = arith.constant 0 : i32
    %dma_wait3A_234 = tpu.memref_slice %arg12[%dma_wait3A_231, %dma_wait3A_232, %dma_wait3A_233] : memref<2x128x256xf32, #tpu.memory_space<vmem>> -> memref<1x128x256xf32, #tpu.memory_space<vmem>>
    %dma_wait3A_235 = tpu.memref_squeeze %dma_wait3A_234 : memref<1x128x256xf32, #tpu.memory_space<vmem>> -> memref<128x256xf32, #tpu.memory_space<vmem>>
    %dma_wait3A_236 = arith.constant 0 : i32
    %dma_wait3A_237 = tpu.memref_slice %arg11[%dma_wait3A_229, %dma_wait3A_230, %dma_wait3A_236] : memref<4x4x128xi32, #tpu.memory_space<vmem>> -> memref<1x1x128xi32, #tpu.memory_space<vmem>>
    %dma_wait3A_238 = tpu.memref_squeeze %dma_wait3A_237 : memref<1x1x128xi32, #tpu.memory_space<vmem>> -> memref<128xi32, #tpu.memory_space<vmem>>
    %dma_wait3A_239 = arith.constant 0 : i32
    %dma_wait3A_240 = arith.constant 0 : i32
    %dma_wait3A_241 = tpu.memref_slice %arg4[%dma_wait3A_239, %dma_wait3A_240] : memref<250880x256xf32, #tpu.memory_space<hbm>> -> memref<250880x256xf32, #tpu.memory_space<hbm>>
    tpu.wait_indirect_dma semaphore(%arg13 : memref<!tpu.dma_semaphore, #tpu.memory_space<semaphore_mem>>) src(%dma_wait3A_241 : memref<250880x256xf32, #tpu.memory_space<hbm>>) dst(%dma_wait3A_235 : memref<128x256xf32, #tpu.memory_space<vmem>>)
    %add3A_242 = arith.constant 384 : i32
    %add3A_243 = arith.addi %mul3A_2, %add3A_242 : i32
    %run_scoped3A_244 = arith.constant 1 : i32
    "tpu.region"() ({
      %run_scoped3A_464 = tpu.sem_alloc : memref<!tpu.dma_semaphore, #tpu.memory_space<semaphore_mem>>
      %dma_start3A_465 = arith.constant 0 : i32
      %dma_start3A_466 = arith.constant 0 : i32
      %dma_start3A_467 = tpu.memref_slice %arg12[%run_scoped3A_244, %dma_start3A_465, %dma_start3A_466] : memref<2x128x256xf32, #tpu.memory_space<vmem>> -> memref<1x128x256xf32, #tpu.memory_space<vmem>>
      %dma_start3A_468 = tpu.memref_squeeze %dma_start3A_467 : memref<1x128x256xf32, #tpu.memory_space<vmem>> -> memref<128x256xf32, #tpu.memory_space<vmem>>
      %dma_start3A_469 = arith.constant 0 : i32
      %dma_start3A_470 = tpu.memref_slice %arg8[%add3A_243, %dma_start3A_469] : memref<16384x256xf32, #tpu.memory_space<hbm>> -> memref<128x256xf32, #tpu.memory_space<hbm>>
      %dma_start3A_471 = arith.constant 0 : i32
      %dma_start3A_472 = tpu.memref_slice %arg8[%add3A_243, %dma_start3A_471] : memref<16384x256xf32, #tpu.memory_space<hbm>> -> memref<128x256xf32, #tpu.memory_space<hbm>>
      %dma_start3A_473 = arith.constant 0 : i32
      %dma_start3A_474 = arith.constant 0 : i32
      %dma_start3A_475 = tpu.memref_slice %arg12[%run_scoped3A_244, %dma_start3A_473, %dma_start3A_474] : memref<2x128x256xf32, #tpu.memory_space<vmem>> -> memref<1x128x256xf32, #tpu.memory_space<vmem>>
      %dma_start3A_476 = tpu.memref_squeeze %dma_start3A_475 : memref<1x128x256xf32, #tpu.memory_space<vmem>> -> memref<128x256xf32, #tpu.memory_space<vmem>>
      tpu.enqueue_dma source(%dma_start3A_476 : memref<128x256xf32, #tpu.memory_space<vmem>>) target(%dma_start3A_472 : memref<128x256xf32, #tpu.memory_space<hbm>>) target_semaphore(%run_scoped3A_464 : memref<!tpu.dma_semaphore, #tpu.memory_space<semaphore_mem>>)
      %dma_wait3A_477 = arith.constant 0 : i32
      %dma_wait3A_478 = arith.constant 0 : i32
      %dma_wait3A_479 = tpu.memref_slice %arg12[%run_scoped3A_244, %dma_wait3A_477, %dma_wait3A_478] : memref<2x128x256xf32, #tpu.memory_space<vmem>> -> memref<1x128x256xf32, #tpu.memory_space<vmem>>
      %dma_wait3A_480 = tpu.memref_squeeze %dma_wait3A_479 : memref<1x128x256xf32, #tpu.memory_space<vmem>> -> memref<128x256xf32, #tpu.memory_space<vmem>>
      %dma_wait3A_481 = arith.constant 0 : i32
      %dma_wait3A_482 = tpu.memref_slice %arg8[%add3A_243, %dma_wait3A_481] : memref<16384x256xf32, #tpu.memory_space<hbm>> -> memref<128x256xf32, #tpu.memory_space<hbm>>
      %dma_wait3A_483 = arith.constant 0 : i32
      %dma_wait3A_484 = tpu.memref_slice %arg8[%add3A_243, %dma_wait3A_483] : memref<16384x256xf32, #tpu.memory_space<hbm>> -> memref<128x256xf32, #tpu.memory_space<hbm>>
      %dma_wait3A_485 = arith.constant 0 : i32
      %dma_wait3A_486 = arith.constant 0 : i32
      %dma_wait3A_487 = tpu.memref_slice %arg12[%run_scoped3A_244, %dma_wait3A_485, %dma_wait3A_486] : memref<2x128x256xf32, #tpu.memory_space<vmem>> -> memref<1x128x256xf32, #tpu.memory_space<vmem>>
      %dma_wait3A_488 = tpu.memref_squeeze %dma_wait3A_487 : memref<1x128x256xf32, #tpu.memory_space<vmem>> -> memref<128x256xf32, #tpu.memory_space<vmem>>
      tpu.wait_dma2 semaphore(%run_scoped3A_464 : memref<!tpu.dma_semaphore, #tpu.memory_space<semaphore_mem>>) src(%dma_wait3A_488 : memref<128x256xf32, #tpu.memory_space<vmem>>) dst(%dma_wait3A_484 : memref<128x256xf32, #tpu.memory_space<hbm>>)
      tpu.yield
    }) : () -> ()
    %dma_start3A_245 = arith.constant 2 : i32
    %dma_start3A_246 = arith.constant 1 : i32
    %dma_start3A_247 = arith.constant 1 : i32
    %dma_start3A_248 = arith.constant 0 : i32
    %dma_start3A_249 = arith.constant 0 : i32
    %dma_start3A_250 = tpu.memref_slice %arg12[%dma_start3A_247, %dma_start3A_248, %dma_start3A_249] : memref<2x128x256xf32, #tpu.memory_space<vmem>> -> memref<1x128x256xf32, #tpu.memory_space<vmem>>
    %dma_start3A_251 = tpu.memref_squeeze %dma_start3A_250 : memref<1x128x256xf32, #tpu.memory_space<vmem>> -> memref<128x256xf32, #tpu.memory_space<vmem>>
    %dma_start3A_252 = arith.constant 0 : i32
    %dma_start3A_253 = tpu.memref_slice %arg11[%dma_start3A_245, %dma_start3A_246, %dma_start3A_252] : memref<4x4x128xi32, #tpu.memory_space<vmem>> -> memref<1x1x128xi32, #tpu.memory_space<vmem>>
    %dma_start3A_254 = tpu.memref_squeeze %dma_start3A_253 : memref<1x1x128xi32, #tpu.memory_space<vmem>> -> memref<128xi32, #tpu.memory_space<vmem>>
    %dma_start3A_255 = arith.constant 0 : i32
    %dma_start3A_256 = arith.constant 0 : i32
    %dma_start3A_257 = tpu.memref_slice %arg5[%dma_start3A_255, %dma_start3A_256] : memref<250880x256xf32, #tpu.memory_space<hbm>> -> memref<250880x256xf32, #tpu.memory_space<hbm>>
    tpu.enqueue_indirect_dma source(%dma_start3A_257 : memref<250880x256xf32, #tpu.memory_space<hbm>>) target(%dma_start3A_251 : memref<128x256xf32, #tpu.memory_space<vmem>>) offsets(%dma_start3A_254 : memref<128xi32, #tpu.memory_space<vmem>>) semaphore(%arg13 : memref<!tpu.dma_semaphore, #tpu.memory_space<semaphore_mem>>)
    %dma_wait3A_258 = arith.constant 2 : i32
    %dma_wait3A_259 = arith.constant 0 : i32
    %dma_wait3A_260 = arith.constant 0 : i32
    %dma_wait3A_261 = arith.constant 0 : i32
    %dma_wait3A_262 = arith.constant 0 : i32
    %dma_wait3A_263 = tpu.memref_slice %arg12[%dma_wait3A_260, %dma_wait3A_261, %dma_wait3A_262] : memref<2x128x256xf32, #tpu.memory_space<vmem>> -> memref<1x128x256xf32, #tpu.memory_space<vmem>>
    %dma_wait3A_264 = tpu.memref_squeeze %dma_wait3A_263 : memref<1x128x256xf32, #tpu.memory_space<vmem>> -> memref<128x256xf32, #tpu.memory_space<vmem>>
    %dma_wait3A_265 = arith.constant 0 : i32
    %dma_wait3A_266 = tpu.memref_slice %arg11[%dma_wait3A_258, %dma_wait3A_259, %dma_wait3A_265] : memref<4x4x128xi32, #tpu.memory_space<vmem>> -> memref<1x1x128xi32, #tpu.memory_space<vmem>>
    %dma_wait3A_267 = tpu.memref_squeeze %dma_wait3A_266 : memref<1x1x128xi32, #tpu.memory_space<vmem>> -> memref<128xi32, #tpu.memory_space<vmem>>
    %dma_wait3A_268 = arith.constant 0 : i32
    %dma_wait3A_269 = arith.constant 0 : i32
    %dma_wait3A_270 = tpu.memref_slice %arg5[%dma_wait3A_268, %dma_wait3A_269] : memref<250880x256xf32, #tpu.memory_space<hbm>> -> memref<250880x256xf32, #tpu.memory_space<hbm>>
    tpu.wait_indirect_dma semaphore(%arg13 : memref<!tpu.dma_semaphore, #tpu.memory_space<semaphore_mem>>) src(%dma_wait3A_270 : memref<250880x256xf32, #tpu.memory_space<hbm>>) dst(%dma_wait3A_264 : memref<128x256xf32, #tpu.memory_space<vmem>>)
    %add3A_271 = arith.constant 0 : i32
    %add3A_272 = arith.addi %mul3A_2, %add3A_271 : i32
    %run_scoped3A_273 = arith.constant 0 : i32
    "tpu.region"() ({
      %run_scoped3A_464 = tpu.sem_alloc : memref<!tpu.dma_semaphore, #tpu.memory_space<semaphore_mem>>
      %dma_start3A_465 = arith.constant 0 : i32
      %dma_start3A_466 = arith.constant 0 : i32
      %dma_start3A_467 = tpu.memref_slice %arg12[%run_scoped3A_273, %dma_start3A_465, %dma_start3A_466] : memref<2x128x256xf32, #tpu.memory_space<vmem>> -> memref<1x128x256xf32, #tpu.memory_space<vmem>>
      %dma_start3A_468 = tpu.memref_squeeze %dma_start3A_467 : memref<1x128x256xf32, #tpu.memory_space<vmem>> -> memref<128x256xf32, #tpu.memory_space<vmem>>
      %dma_start3A_469 = arith.constant 0 : i32
      %dma_start3A_470 = tpu.memref_slice %arg9[%add3A_272, %dma_start3A_469] : memref<16384x256xf32, #tpu.memory_space<hbm>> -> memref<128x256xf32, #tpu.memory_space<hbm>>
      %dma_start3A_471 = arith.constant 0 : i32
      %dma_start3A_472 = tpu.memref_slice %arg9[%add3A_272, %dma_start3A_471] : memref<16384x256xf32, #tpu.memory_space<hbm>> -> memref<128x256xf32, #tpu.memory_space<hbm>>
      %dma_start3A_473 = arith.constant 0 : i32
      %dma_start3A_474 = arith.constant 0 : i32
      %dma_start3A_475 = tpu.memref_slice %arg12[%run_scoped3A_273, %dma_start3A_473, %dma_start3A_474] : memref<2x128x256xf32, #tpu.memory_space<vmem>> -> memref<1x128x256xf32, #tpu.memory_space<vmem>>
      %dma_start3A_476 = tpu.memref_squeeze %dma_start3A_475 : memref<1x128x256xf32, #tpu.memory_space<vmem>> -> memref<128x256xf32, #tpu.memory_space<vmem>>
      tpu.enqueue_dma source(%dma_start3A_476 : memref<128x256xf32, #tpu.memory_space<vmem>>) target(%dma_start3A_472 : memref<128x256xf32, #tpu.memory_space<hbm>>) target_semaphore(%run_scoped3A_464 : memref<!tpu.dma_semaphore, #tpu.memory_space<semaphore_mem>>)
      %dma_wait3A_477 = arith.constant 0 : i32
      %dma_wait3A_478 = arith.constant 0 : i32
      %dma_wait3A_479 = tpu.memref_slice %arg12[%run_scoped3A_273, %dma_wait3A_477, %dma_wait3A_478] : memref<2x128x256xf32, #tpu.memory_space<vmem>> -> memref<1x128x256xf32, #tpu.memory_space<vmem>>
      %dma_wait3A_480 = tpu.memref_squeeze %dma_wait3A_479 : memref<1x128x256xf32, #tpu.memory_space<vmem>> -> memref<128x256xf32, #tpu.memory_space<vmem>>
      %dma_wait3A_481 = arith.constant 0 : i32
      %dma_wait3A_482 = tpu.memref_slice %arg9[%add3A_272, %dma_wait3A_481] : memref<16384x256xf32, #tpu.memory_space<hbm>> -> memref<128x256xf32, #tpu.memory_space<hbm>>
      %dma_wait3A_483 = arith.constant 0 : i32
      %dma_wait3A_484 = tpu.memref_slice %arg9[%add3A_272, %dma_wait3A_483] : memref<16384x256xf32, #tpu.memory_space<hbm>> -> memref<128x256xf32, #tpu.memory_space<hbm>>
      %dma_wait3A_485 = arith.constant 0 : i32
      %dma_wait3A_486 = arith.constant 0 : i32
      %dma_wait3A_487 = tpu.memref_slice %arg12[%run_scoped3A_273, %dma_wait3A_485, %dma_wait3A_486] : memref<2x128x256xf32, #tpu.memory_space<vmem>> -> memref<1x128x256xf32, #tpu.memory_space<vmem>>
      %dma_wait3A_488 = tpu.memref_squeeze %dma_wait3A_487 : memref<1x128x256xf32, #tpu.memory_space<vmem>> -> memref<128x256xf32, #tpu.memory_space<vmem>>
      tpu.wait_dma2 semaphore(%run_scoped3A_464 : memref<!tpu.dma_semaphore, #tpu.memory_space<semaphore_mem>>) src(%dma_wait3A_488 : memref<128x256xf32, #tpu.memory_space<vmem>>) dst(%dma_wait3A_484 : memref<128x256xf32, #tpu.memory_space<hbm>>)
      tpu.yield
    }) : () -> ()
    %dma_start3A_274 = arith.constant 2 : i32
    %dma_start3A_275 = arith.constant 2 : i32
    %dma_start3A_276 = arith.constant 0 : i32
    %dma_start3A_277 = arith.constant 0 : i32
    %dma_start3A_278 = arith.constant 0 : i32
    %dma_start3A_279 = tpu.memref_slice %arg12[%dma_start3A_276, %dma_start3A_277, %dma_start3A_278] : memref<2x128x256xf32, #tpu.memory_space<vmem>> -> memref<1x128x256xf32, #tpu.memory_space<vmem>>
    %dma_start3A_280 = tpu.memref_squeeze %dma_start3A_279 : memref<1x128x256xf32, #tpu.memory_space<vmem>> -> memref<128x256xf32, #tpu.memory_space<vmem>>
    %dma_start3A_281 = arith.constant 0 : i32
    %dma_start3A_282 = tpu.memref_slice %arg11[%dma_start3A_274, %dma_start3A_275, %dma_start3A_281] : memref<4x4x128xi32, #tpu.memory_space<vmem>> -> memref<1x1x128xi32, #tpu.memory_space<vmem>>
    %dma_start3A_283 = tpu.memref_squeeze %dma_start3A_282 : memref<1x1x128xi32, #tpu.memory_space<vmem>> -> memref<128xi32, #tpu.memory_space<vmem>>
    %dma_start3A_284 = arith.constant 0 : i32
    %dma_start3A_285 = arith.constant 0 : i32
    %dma_start3A_286 = tpu.memref_slice %arg5[%dma_start3A_284, %dma_start3A_285] : memref<250880x256xf32, #tpu.memory_space<hbm>> -> memref<250880x256xf32, #tpu.memory_space<hbm>>
    tpu.enqueue_indirect_dma source(%dma_start3A_286 : memref<250880x256xf32, #tpu.memory_space<hbm>>) target(%dma_start3A_280 : memref<128x256xf32, #tpu.memory_space<vmem>>) offsets(%dma_start3A_283 : memref<128xi32, #tpu.memory_space<vmem>>) semaphore(%arg13 : memref<!tpu.dma_semaphore, #tpu.memory_space<semaphore_mem>>)
    %dma_wait3A_287 = arith.constant 2 : i32
    %dma_wait3A_288 = arith.constant 1 : i32
    %dma_wait3A_289 = arith.constant 1 : i32
    %dma_wait3A_290 = arith.constant 0 : i32
    %dma_wait3A_291 = arith.constant 0 : i32
    %dma_wait3A_292 = tpu.memref_slice %arg12[%dma_wait3A_289, %dma_wait3A_290, %dma_wait3A_291] : memref<2x128x256xf32, #tpu.memory_space<vmem>> -> memref<1x128x256xf32, #tpu.memory_space<vmem>>
    %dma_wait3A_293 = tpu.memref_squeeze %dma_wait3A_292 : memref<1x128x256xf32, #tpu.memory_space<vmem>> -> memref<128x256xf32, #tpu.memory_space<vmem>>
    %dma_wait3A_294 = arith.constant 0 : i32
    %dma_wait3A_295 = tpu.memref_slice %arg11[%dma_wait3A_287, %dma_wait3A_288, %dma_wait3A_294] : memref<4x4x128xi32, #tpu.memory_space<vmem>> -> memref<1x1x128xi32, #tpu.memory_space<vmem>>
    %dma_wait3A_296 = tpu.memref_squeeze %dma_wait3A_295 : memref<1x1x128xi32, #tpu.memory_space<vmem>> -> memref<128xi32, #tpu.memory_space<vmem>>
    %dma_wait3A_297 = arith.constant 0 : i32
    %dma_wait3A_298 = arith.constant 0 : i32
    %dma_wait3A_299 = tpu.memref_slice %arg5[%dma_wait3A_297, %dma_wait3A_298] : memref<250880x256xf32, #tpu.memory_space<hbm>> -> memref<250880x256xf32, #tpu.memory_space<hbm>>
    tpu.wait_indirect_dma semaphore(%arg13 : memref<!tpu.dma_semaphore, #tpu.memory_space<semaphore_mem>>) src(%dma_wait3A_299 : memref<250880x256xf32, #tpu.memory_space<hbm>>) dst(%dma_wait3A_293 : memref<128x256xf32, #tpu.memory_space<vmem>>)
    %add3A_300 = arith.constant 128 : i32
    %add3A_301 = arith.addi %mul3A_2, %add3A_300 : i32
    %run_scoped3A_302 = arith.constant 1 : i32
    "tpu.region"() ({
      %run_scoped3A_464 = tpu.sem_alloc : memref<!tpu.dma_semaphore, #tpu.memory_space<semaphore_mem>>
      %dma_start3A_465 = arith.constant 0 : i32
      %dma_start3A_466 = arith.constant 0 : i32
      %dma_start3A_467 = tpu.memref_slice %arg12[%run_scoped3A_302, %dma_start3A_465, %dma_start3A_466] : memref<2x128x256xf32, #tpu.memory_space<vmem>> -> memref<1x128x256xf32, #tpu.memory_space<vmem>>
      %dma_start3A_468 = tpu.memref_squeeze %dma_start3A_467 : memref<1x128x256xf32, #tpu.memory_space<vmem>> -> memref<128x256xf32, #tpu.memory_space<vmem>>
      %dma_start3A_469 = arith.constant 0 : i32
      %dma_start3A_470 = tpu.memref_slice %arg9[%add3A_301, %dma_start3A_469] : memref<16384x256xf32, #tpu.memory_space<hbm>> -> memref<128x256xf32, #tpu.memory_space<hbm>>
      %dma_start3A_471 = arith.constant 0 : i32
      %dma_start3A_472 = tpu.memref_slice %arg9[%add3A_301, %dma_start3A_471] : memref<16384x256xf32, #tpu.memory_space<hbm>> -> memref<128x256xf32, #tpu.memory_space<hbm>>
      %dma_start3A_473 = arith.constant 0 : i32
      %dma_start3A_474 = arith.constant 0 : i32
      %dma_start3A_475 = tpu.memref_slice %arg12[%run_scoped3A_302, %dma_start3A_473, %dma_start3A_474] : memref<2x128x256xf32, #tpu.memory_space<vmem>> -> memref<1x128x256xf32, #tpu.memory_space<vmem>>
      %dma_start3A_476 = tpu.memref_squeeze %dma_start3A_475 : memref<1x128x256xf32, #tpu.memory_space<vmem>> -> memref<128x256xf32, #tpu.memory_space<vmem>>
      tpu.enqueue_dma source(%dma_start3A_476 : memref<128x256xf32, #tpu.memory_space<vmem>>) target(%dma_start3A_472 : memref<128x256xf32, #tpu.memory_space<hbm>>) target_semaphore(%run_scoped3A_464 : memref<!tpu.dma_semaphore, #tpu.memory_space<semaphore_mem>>)
      %dma_wait3A_477 = arith.constant 0 : i32
      %dma_wait3A_478 = arith.constant 0 : i32
      %dma_wait3A_479 = tpu.memref_slice %arg12[%run_scoped3A_302, %dma_wait3A_477, %dma_wait3A_478] : memref<2x128x256xf32, #tpu.memory_space<vmem>> -> memref<1x128x256xf32, #tpu.memory_space<vmem>>
      %dma_wait3A_480 = tpu.memref_squeeze %dma_wait3A_479 : memref<1x128x256xf32, #tpu.memory_space<vmem>> -> memref<128x256xf32, #tpu.memory_space<vmem>>
      %dma_wait3A_481 = arith.constant 0 : i32
      %dma_wait3A_482 = tpu.memref_slice %arg9[%add3A_301, %dma_wait3A_481] : memref<16384x256xf32, #tpu.memory_space<hbm>> -> memref<128x256xf32, #tpu.memory_space<hbm>>
      %dma_wait3A_483 = arith.constant 0 : i32
      %dma_wait3A_484 = tpu.memref_slice %arg9[%add3A_301, %dma_wait3A_483] : memref<16384x256xf32, #tpu.memory_space<hbm>> -> memref<128x256xf32, #tpu.memory_space<hbm>>
      %dma_wait3A_485 = arith.constant 0 : i32
      %dma_wait3A_486 = arith.constant 0 : i32
      %dma_wait3A_487 = tpu.memref_slice %arg12[%run_scoped3A_302, %dma_wait3A_485, %dma_wait3A_486] : memref<2x128x256xf32, #tpu.memory_space<vmem>> -> memref<1x128x256xf32, #tpu.memory_space<vmem>>
      %dma_wait3A_488 = tpu.memref_squeeze %dma_wait3A_487 : memref<1x128x256xf32, #tpu.memory_space<vmem>> -> memref<128x256xf32, #tpu.memory_space<vmem>>
      tpu.wait_dma2 semaphore(%run_scoped3A_464 : memref<!tpu.dma_semaphore, #tpu.memory_space<semaphore_mem>>) src(%dma_wait3A_488 : memref<128x256xf32, #tpu.memory_space<vmem>>) dst(%dma_wait3A_484 : memref<128x256xf32, #tpu.memory_space<hbm>>)
      tpu.yield
    }) : () -> ()
    %dma_start3A_303 = arith.constant 2 : i32
    %dma_start3A_304 = arith.constant 3 : i32
    %dma_start3A_305 = arith.constant 1 : i32
    %dma_start3A_306 = arith.constant 0 : i32
    %dma_start3A_307 = arith.constant 0 : i32
    %dma_start3A_308 = tpu.memref_slice %arg12[%dma_start3A_305, %dma_start3A_306, %dma_start3A_307] : memref<2x128x256xf32, #tpu.memory_space<vmem>> -> memref<1x128x256xf32, #tpu.memory_space<vmem>>
    %dma_start3A_309 = tpu.memref_squeeze %dma_start3A_308 : memref<1x128x256xf32, #tpu.memory_space<vmem>> -> memref<128x256xf32, #tpu.memory_space<vmem>>
    %dma_start3A_310 = arith.constant 0 : i32
    %dma_start3A_311 = tpu.memref_slice %arg11[%dma_start3A_303, %dma_start3A_304, %dma_start3A_310] : memref<4x4x128xi32, #tpu.memory_space<vmem>> -> memref<1x1x128xi32, #tpu.memory_space<vmem>>
    %dma_start3A_312 = tpu.memref_squeeze %dma_start3A_311 : memref<1x1x128xi32, #tpu.memory_space<vmem>> -> memref<128xi32, #tpu.memory_space<vmem>>
    %dma_start3A_313 = arith.constant 0 : i32
    %dma_start3A_314 = arith.constant 0 : i32
    %dma_start3A_315 = tpu.memref_slice %arg5[%dma_start3A_313, %dma_start3A_314] : memref<250880x256xf32, #tpu.memory_space<hbm>> -> memref<250880x256xf32, #tpu.memory_space<hbm>>
    tpu.enqueue_indirect_dma source(%dma_start3A_315 : memref<250880x256xf32, #tpu.memory_space<hbm>>) target(%dma_start3A_309 : memref<128x256xf32, #tpu.memory_space<vmem>>) offsets(%dma_start3A_312 : memref<128xi32, #tpu.memory_space<vmem>>) semaphore(%arg13 : memref<!tpu.dma_semaphore, #tpu.memory_space<semaphore_mem>>)
    %dma_wait3A_316 = arith.constant 2 : i32
    %dma_wait3A_317 = arith.constant 2 : i32
    %dma_wait3A_318 = arith.constant 0 : i32
    %dma_wait3A_319 = arith.constant 0 : i32
    %dma_wait3A_320 = arith.constant 0 : i32
    %dma_wait3A_321 = tpu.memref_slice %arg12[%dma_wait3A_318, %dma_wait3A_319, %dma_wait3A_320] : memref<2x128x256xf32, #tpu.memory_space<vmem>> -> memref<1x128x256xf32, #tpu.memory_space<vmem>>
    %dma_wait3A_322 = tpu.memref_squeeze %dma_wait3A_321 : memref<1x128x256xf32, #tpu.memory_space<vmem>> -> memref<128x256xf32, #tpu.memory_space<vmem>>
    %dma_wait3A_323 = arith.constant 0 : i32
    %dma_wait3A_324 = tpu.memref_slice %arg11[%dma_wait3A_316, %dma_wait3A_317, %dma_wait3A_323] : memref<4x4x128xi32, #tpu.memory_space<vmem>> -> memref<1x1x128xi32, #tpu.memory_space<vmem>>
    %dma_wait3A_325 = tpu.memref_squeeze %dma_wait3A_324 : memref<1x1x128xi32, #tpu.memory_space<vmem>> -> memref<128xi32, #tpu.memory_space<vmem>>
    %dma_wait3A_326 = arith.constant 0 : i32
    %dma_wait3A_327 = arith.constant 0 : i32
    %dma_wait3A_328 = tpu.memref_slice %arg5[%dma_wait3A_326, %dma_wait3A_327] : memref<250880x256xf32, #tpu.memory_space<hbm>> -> memref<250880x256xf32, #tpu.memory_space<hbm>>
    tpu.wait_indirect_dma semaphore(%arg13 : memref<!tpu.dma_semaphore, #tpu.memory_space<semaphore_mem>>) src(%dma_wait3A_328 : memref<250880x256xf32, #tpu.memory_space<hbm>>) dst(%dma_wait3A_322 : memref<128x256xf32, #tpu.memory_space<vmem>>)
    %add3A_329 = arith.constant 256 : i32
    %add3A_330 = arith.addi %mul3A_2, %add3A_329 : i32
    %run_scoped3A_331 = arith.constant 0 : i32
    "tpu.region"() ({
      %run_scoped3A_464 = tpu.sem_alloc : memref<!tpu.dma_semaphore, #tpu.memory_space<semaphore_mem>>
      %dma_start3A_465 = arith.constant 0 : i32
      %dma_start3A_466 = arith.constant 0 : i32
      %dma_start3A_467 = tpu.memref_slice %arg12[%run_scoped3A_331, %dma_start3A_465, %dma_start3A_466] : memref<2x128x256xf32, #tpu.memory_space<vmem>> -> memref<1x128x256xf32, #tpu.memory_space<vmem>>
      %dma_start3A_468 = tpu.memref_squeeze %dma_start3A_467 : memref<1x128x256xf32, #tpu.memory_space<vmem>> -> memref<128x256xf32, #tpu.memory_space<vmem>>
      %dma_start3A_469 = arith.constant 0 : i32
      %dma_start3A_470 = tpu.memref_slice %arg9[%add3A_330, %dma_start3A_469] : memref<16384x256xf32, #tpu.memory_space<hbm>> -> memref<128x256xf32, #tpu.memory_space<hbm>>
      %dma_start3A_471 = arith.constant 0 : i32
      %dma_start3A_472 = tpu.memref_slice %arg9[%add3A_330, %dma_start3A_471] : memref<16384x256xf32, #tpu.memory_space<hbm>> -> memref<128x256xf32, #tpu.memory_space<hbm>>
      %dma_start3A_473 = arith.constant 0 : i32
      %dma_start3A_474 = arith.constant 0 : i32
      %dma_start3A_475 = tpu.memref_slice %arg12[%run_scoped3A_331, %dma_start3A_473, %dma_start3A_474] : memref<2x128x256xf32, #tpu.memory_space<vmem>> -> memref<1x128x256xf32, #tpu.memory_space<vmem>>
      %dma_start3A_476 = tpu.memref_squeeze %dma_start3A_475 : memref<1x128x256xf32, #tpu.memory_space<vmem>> -> memref<128x256xf32, #tpu.memory_space<vmem>>
      tpu.enqueue_dma source(%dma_start3A_476 : memref<128x256xf32, #tpu.memory_space<vmem>>) target(%dma_start3A_472 : memref<128x256xf32, #tpu.memory_space<hbm>>) target_semaphore(%run_scoped3A_464 : memref<!tpu.dma_semaphore, #tpu.memory_space<semaphore_mem>>)
      %dma_wait3A_477 = arith.constant 0 : i32
      %dma_wait3A_478 = arith.constant 0 : i32
      %dma_wait3A_479 = tpu.memref_slice %arg12[%run_scoped3A_331, %dma_wait3A_477, %dma_wait3A_478] : memref<2x128x256xf32, #tpu.memory_space<vmem>> -> memref<1x128x256xf32, #tpu.memory_space<vmem>>
      %dma_wait3A_480 = tpu.memref_squeeze %dma_wait3A_479 : memref<1x128x256xf32, #tpu.memory_space<vmem>> -> memref<128x256xf32, #tpu.memory_space<vmem>>
      %dma_wait3A_481 = arith.constant 0 : i32
      %dma_wait3A_482 = tpu.memref_slice %arg9[%add3A_330, %dma_wait3A_481] : memref<16384x256xf32, #tpu.memory_space<hbm>> -> memref<128x256xf32, #tpu.memory_space<hbm>>
      %dma_wait3A_483 = arith.constant 0 : i32
      %dma_wait3A_484 = tpu.memref_slice %arg9[%add3A_330, %dma_wait3A_483] : memref<16384x256xf32, #tpu.memory_space<hbm>> -> memref<128x256xf32, #tpu.memory_space<hbm>>
      %dma_wait3A_485 = arith.constant 0 : i32
      %dma_wait3A_486 = arith.constant 0 : i32
      %dma_wait3A_487 = tpu.memref_slice %arg12[%run_scoped3A_331, %dma_wait3A_485, %dma_wait3A_486] : memref<2x128x256xf32, #tpu.memory_space<vmem>> -> memref<1x128x256xf32, #tpu.memory_space<vmem>>
      %dma_wait3A_488 = tpu.memref_squeeze %dma_wait3A_487 : memref<1x128x256xf32, #tpu.memory_space<vmem>> -> memref<128x256xf32, #tpu.memory_space<vmem>>
      tpu.wait_dma2 semaphore(%run_scoped3A_464 : memref<!tpu.dma_semaphore, #tpu.memory_space<semaphore_mem>>) src(%dma_wait3A_488 : memref<128x256xf32, #tpu.memory_space<vmem>>) dst(%dma_wait3A_484 : memref<128x256xf32, #tpu.memory_space<hbm>>)
      tpu.yield
    }) : () -> ()
    %dma_start3A_332 = arith.constant 3 : i32
    %dma_start3A_333 = arith.constant 0 : i32
    %dma_start3A_334 = arith.constant 0 : i32
    %dma_start3A_335 = arith.constant 0 : i32
    %dma_start3A_336 = arith.constant 0 : i32
    %dma_start3A_337 = tpu.memref_slice %arg12[%dma_start3A_334, %dma_start3A_335, %dma_start3A_336] : memref<2x128x256xf32, #tpu.memory_space<vmem>> -> memref<1x128x256xf32, #tpu.memory_space<vmem>>
    %dma_start3A_338 = tpu.memref_squeeze %dma_start3A_337 : memref<1x128x256xf32, #tpu.memory_space<vmem>> -> memref<128x256xf32, #tpu.memory_space<vmem>>
    %dma_start3A_339 = arith.constant 0 : i32
    %dma_start3A_340 = tpu.memref_slice %arg11[%dma_start3A_332, %dma_start3A_333, %dma_start3A_339] : memref<4x4x128xi32, #tpu.memory_space<vmem>> -> memref<1x1x128xi32, #tpu.memory_space<vmem>>
    %dma_start3A_341 = tpu.memref_squeeze %dma_start3A_340 : memref<1x1x128xi32, #tpu.memory_space<vmem>> -> memref<128xi32, #tpu.memory_space<vmem>>
    %dma_start3A_342 = arith.constant 0 : i32
    %dma_start3A_343 = arith.constant 0 : i32
    %dma_start3A_344 = tpu.memref_slice %arg6[%dma_start3A_342, %dma_start3A_343] : memref<250880x256xf32, #tpu.memory_space<hbm>> -> memref<250880x256xf32, #tpu.memory_space<hbm>>
    tpu.enqueue_indirect_dma source(%dma_start3A_344 : memref<250880x256xf32, #tpu.memory_space<hbm>>) target(%dma_start3A_338 : memref<128x256xf32, #tpu.memory_space<vmem>>) offsets(%dma_start3A_341 : memref<128xi32, #tpu.memory_space<vmem>>) semaphore(%arg13 : memref<!tpu.dma_semaphore, #tpu.memory_space<semaphore_mem>>)
    %dma_wait3A_345 = arith.constant 2 : i32
    %dma_wait3A_346 = arith.constant 3 : i32
    %dma_wait3A_347 = arith.constant 1 : i32
    %dma_wait3A_348 = arith.constant 0 : i32
    %dma_wait3A_349 = arith.constant 0 : i32
    %dma_wait3A_350 = tpu.memref_slice %arg12[%dma_wait3A_347, %dma_wait3A_348, %dma_wait3A_349] : memref<2x128x256xf32, #tpu.memory_space<vmem>> -> memref<1x128x256xf32, #tpu.memory_space<vmem>>
    %dma_wait3A_351 = tpu.memref_squeeze %dma_wait3A_350 : memref<1x128x256xf32, #tpu.memory_space<vmem>> -> memref<128x256xf32, #tpu.memory_space<vmem>>
    %dma_wait3A_352 = arith.constant 0 : i32
    %dma_wait3A_353 = tpu.memref_slice %arg11[%dma_wait3A_345, %dma_wait3A_346, %dma_wait3A_352] : memref<4x4x128xi32, #tpu.memory_space<vmem>> -> memref<1x1x128xi32, #tpu.memory_space<vmem>>
    %dma_wait3A_354 = tpu.memref_squeeze %dma_wait3A_353 : memref<1x1x128xi32, #tpu.memory_space<vmem>> -> memref<128xi32, #tpu.memory_space<vmem>>
    %dma_wait3A_355 = arith.constant 0 : i32
    %dma_wait3A_356 = arith.constant 0 : i32
    %dma_wait3A_357 = tpu.memref_slice %arg5[%dma_wait3A_355, %dma_wait3A_356] : memref<250880x256xf32, #tpu.memory_space<hbm>> -> memref<250880x256xf32, #tpu.memory_space<hbm>>
    tpu.wait_indirect_dma semaphore(%arg13 : memref<!tpu.dma_semaphore, #tpu.memory_space<semaphore_mem>>) src(%dma_wait3A_357 : memref<250880x256xf32, #tpu.memory_space<hbm>>) dst(%dma_wait3A_351 : memref<128x256xf32, #tpu.memory_space<vmem>>)
    %add3A_358 = arith.constant 384 : i32
    %add3A_359 = arith.addi %mul3A_2, %add3A_358 : i32
    %run_scoped3A_360 = arith.constant 1 : i32
    "tpu.region"() ({
      %run_scoped3A_464 = tpu.sem_alloc : memref<!tpu.dma_semaphore, #tpu.memory_space<semaphore_mem>>
      %dma_start3A_465 = arith.constant 0 : i32
      %dma_start3A_466 = arith.constant 0 : i32
      %dma_start3A_467 = tpu.memref_slice %arg12[%run_scoped3A_360, %dma_start3A_465, %dma_start3A_466] : memref<2x128x256xf32, #tpu.memory_space<vmem>> -> memref<1x128x256xf32, #tpu.memory_space<vmem>>
      %dma_start3A_468 = tpu.memref_squeeze %dma_start3A_467 : memref<1x128x256xf32, #tpu.memory_space<vmem>> -> memref<128x256xf32, #tpu.memory_space<vmem>>
      %dma_start3A_469 = arith.constant 0 : i32
      %dma_start3A_470 = tpu.memref_slice %arg9[%add3A_359, %dma_start3A_469] : memref<16384x256xf32, #tpu.memory_space<hbm>> -> memref<128x256xf32, #tpu.memory_space<hbm>>
      %dma_start3A_471 = arith.constant 0 : i32
      %dma_start3A_472 = tpu.memref_slice %arg9[%add3A_359, %dma_start3A_471] : memref<16384x256xf32, #tpu.memory_space<hbm>> -> memref<128x256xf32, #tpu.memory_space<hbm>>
      %dma_start3A_473 = arith.constant 0 : i32
      %dma_start3A_474 = arith.constant 0 : i32
      %dma_start3A_475 = tpu.memref_slice %arg12[%run_scoped3A_360, %dma_start3A_473, %dma_start3A_474] : memref<2x128x256xf32, #tpu.memory_space<vmem>> -> memref<1x128x256xf32, #tpu.memory_space<vmem>>
      %dma_start3A_476 = tpu.memref_squeeze %dma_start3A_475 : memref<1x128x256xf32, #tpu.memory_space<vmem>> -> memref<128x256xf32, #tpu.memory_space<vmem>>
      tpu.enqueue_dma source(%dma_start3A_476 : memref<128x256xf32, #tpu.memory_space<vmem>>) target(%dma_start3A_472 : memref<128x256xf32, #tpu.memory_space<hbm>>) target_semaphore(%run_scoped3A_464 : memref<!tpu.dma_semaphore, #tpu.memory_space<semaphore_mem>>)
      %dma_wait3A_477 = arith.constant 0 : i32
      %dma_wait3A_478 = arith.constant 0 : i32
      %dma_wait3A_479 = tpu.memref_slice %arg12[%run_scoped3A_360, %dma_wait3A_477, %dma_wait3A_478] : memref<2x128x256xf32, #tpu.memory_space<vmem>> -> memref<1x128x256xf32, #tpu.memory_space<vmem>>
      %dma_wait3A_480 = tpu.memref_squeeze %dma_wait3A_479 : memref<1x128x256xf32, #tpu.memory_space<vmem>> -> memref<128x256xf32, #tpu.memory_space<vmem>>
      %dma_wait3A_481 = arith.constant 0 : i32
      %dma_wait3A_482 = tpu.memref_slice %arg9[%add3A_359, %dma_wait3A_481] : memref<16384x256xf32, #tpu.memory_space<hbm>> -> memref<128x256xf32, #tpu.memory_space<hbm>>
      %dma_wait3A_483 = arith.constant 0 : i32
      %dma_wait3A_484 = tpu.memref_slice %arg9[%add3A_359, %dma_wait3A_483] : memref<16384x256xf32, #tpu.memory_space<hbm>> -> memref<128x256xf32, #tpu.memory_space<hbm>>
      %dma_wait3A_485 = arith.constant 0 : i32
      %dma_wait3A_486 = arith.constant 0 : i32
      %dma_wait3A_487 = tpu.memref_slice %arg12[%run_scoped3A_360, %dma_wait3A_485, %dma_wait3A_486] : memref<2x128x256xf32, #tpu.memory_space<vmem>> -> memref<1x128x256xf32, #tpu.memory_space<vmem>>
      %dma_wait3A_488 = tpu.memref_squeeze %dma_wait3A_487 : memref<1x128x256xf32, #tpu.memory_space<vmem>> -> memref<128x256xf32, #tpu.memory_space<vmem>>
      tpu.wait_dma2 semaphore(%run_scoped3A_464 : memref<!tpu.dma_semaphore, #tpu.memory_space<semaphore_mem>>) src(%dma_wait3A_488 : memref<128x256xf32, #tpu.memory_space<vmem>>) dst(%dma_wait3A_484 : memref<128x256xf32, #tpu.memory_space<hbm>>)
      tpu.yield
    }) : () -> ()
    %dma_start3A_361 = arith.constant 3 : i32
    %dma_start3A_362 = arith.constant 1 : i32
    %dma_start3A_363 = arith.constant 1 : i32
    %dma_start3A_364 = arith.constant 0 : i32
    %dma_start3A_365 = arith.constant 0 : i32
    %dma_start3A_366 = tpu.memref_slice %arg12[%dma_start3A_363, %dma_start3A_364, %dma_start3A_365] : memref<2x128x256xf32, #tpu.memory_space<vmem>> -> memref<1x128x256xf32, #tpu.memory_space<vmem>>
    %dma_start3A_367 = tpu.memref_squeeze %dma_start3A_366 : memref<1x128x256xf32, #tpu.memory_space<vmem>> -> memref<128x256xf32, #tpu.memory_space<vmem>>
    %dma_start3A_368 = arith.constant 0 : i32
    %dma_start3A_369 = tpu.memref_slice %arg11[%dma_start3A_361, %dma_start3A_362, %dma_start3A_368] : memref<4x4x128xi32, #tpu.memory_space<vmem>> -> memref<1x1x128xi32, #tpu.memory_space<vmem>>
    %dma_start3A_370 = tpu.memref_squeeze %dma_start3A_369 : memref<1x1x128xi32, #tpu.memory_space<vmem>> -> memref<128xi32, #tpu.memory_space<vmem>>
    %dma_start3A_371 = arith.constant 0 : i32
    %dma_start3A_372 = arith.constant 0 : i32
    %dma_start3A_373 = tpu.memref_slice %arg6[%dma_start3A_371, %dma_start3A_372] : memref<250880x256xf32, #tpu.memory_space<hbm>> -> memref<250880x256xf32, #tpu.memory_space<hbm>>
    tpu.enqueue_indirect_dma source(%dma_start3A_373 : memref<250880x256xf32, #tpu.memory_space<hbm>>) target(%dma_start3A_367 : memref<128x256xf32, #tpu.memory_space<vmem>>) offsets(%dma_start3A_370 : memref<128xi32, #tpu.memory_space<vmem>>) semaphore(%arg13 : memref<!tpu.dma_semaphore, #tpu.memory_space<semaphore_mem>>)
    %dma_wait3A_374 = arith.constant 3 : i32
    %dma_wait3A_375 = arith.constant 0 : i32
    %dma_wait3A_376 = arith.constant 0 : i32
    %dma_wait3A_377 = arith.constant 0 : i32
    %dma_wait3A_378 = arith.constant 0 : i32
    %dma_wait3A_379 = tpu.memref_slice %arg12[%dma_wait3A_376, %dma_wait3A_377, %dma_wait3A_378] : memref<2x128x256xf32, #tpu.memory_space<vmem>> -> memref<1x128x256xf32, #tpu.memory_space<vmem>>
    %dma_wait3A_380 = tpu.memref_squeeze %dma_wait3A_379 : memref<1x128x256xf32, #tpu.memory_space<vmem>> -> memref<128x256xf32, #tpu.memory_space<vmem>>
    %dma_wait3A_381 = arith.constant 0 : i32
    %dma_wait3A_382 = tpu.memref_slice %arg11[%dma_wait3A_374, %dma_wait3A_375, %dma_wait3A_381] : memref<4x4x128xi32, #tpu.memory_space<vmem>> -> memref<1x1x128xi32, #tpu.memory_space<vmem>>
    %dma_wait3A_383 = tpu.memref_squeeze %dma_wait3A_382 : memref<1x1x128xi32, #tpu.memory_space<vmem>> -> memref<128xi32, #tpu.memory_space<vmem>>
    %dma_wait3A_384 = arith.constant 0 : i32
    %dma_wait3A_385 = arith.constant 0 : i32
    %dma_wait3A_386 = tpu.memref_slice %arg6[%dma_wait3A_384, %dma_wait3A_385] : memref<250880x256xf32, #tpu.memory_space<hbm>> -> memref<250880x256xf32, #tpu.memory_space<hbm>>
    tpu.wait_indirect_dma semaphore(%arg13 : memref<!tpu.dma_semaphore, #tpu.memory_space<semaphore_mem>>) src(%dma_wait3A_386 : memref<250880x256xf32, #tpu.memory_space<hbm>>) dst(%dma_wait3A_380 : memref<128x256xf32, #tpu.memory_space<vmem>>)
    %add3A_387 = arith.constant 0 : i32
    %add3A_388 = arith.addi %mul3A_2, %add3A_387 : i32
    %run_scoped3A_389 = arith.constant 0 : i32
    "tpu.region"() ({
      %run_scoped3A_464 = tpu.sem_alloc : memref<!tpu.dma_semaphore, #tpu.memory_space<semaphore_mem>>
      %dma_start3A_465 = arith.constant 0 : i32
      %dma_start3A_466 = arith.constant 0 : i32
      %dma_start3A_467 = tpu.memref_slice %arg12[%run_scoped3A_389, %dma_start3A_465, %dma_start3A_466] : memref<2x128x256xf32, #tpu.memory_space<vmem>> -> memref<1x128x256xf32, #tpu.memory_space<vmem>>
      %dma_start3A_468 = tpu.memref_squeeze %dma_start3A_467 : memref<1x128x256xf32, #tpu.memory_space<vmem>> -> memref<128x256xf32, #tpu.memory_space<vmem>>
      %dma_start3A_469 = arith.constant 0 : i32
      %dma_start3A_470 = tpu.memref_slice %arg10[%add3A_388, %dma_start3A_469] : memref<16384x256xf32, #tpu.memory_space<hbm>> -> memref<128x256xf32, #tpu.memory_space<hbm>>
      %dma_start3A_471 = arith.constant 0 : i32
      %dma_start3A_472 = tpu.memref_slice %arg10[%add3A_388, %dma_start3A_471] : memref<16384x256xf32, #tpu.memory_space<hbm>> -> memref<128x256xf32, #tpu.memory_space<hbm>>
      %dma_start3A_473 = arith.constant 0 : i32
      %dma_start3A_474 = arith.constant 0 : i32
      %dma_start3A_475 = tpu.memref_slice %arg12[%run_scoped3A_389, %dma_start3A_473, %dma_start3A_474] : memref<2x128x256xf32, #tpu.memory_space<vmem>> -> memref<1x128x256xf32, #tpu.memory_space<vmem>>
      %dma_start3A_476 = tpu.memref_squeeze %dma_start3A_475 : memref<1x128x256xf32, #tpu.memory_space<vmem>> -> memref<128x256xf32, #tpu.memory_space<vmem>>
      tpu.enqueue_dma source(%dma_start3A_476 : memref<128x256xf32, #tpu.memory_space<vmem>>) target(%dma_start3A_472 : memref<128x256xf32, #tpu.memory_space<hbm>>) target_semaphore(%run_scoped3A_464 : memref<!tpu.dma_semaphore, #tpu.memory_space<semaphore_mem>>)
      %dma_wait3A_477 = arith.constant 0 : i32
      %dma_wait3A_478 = arith.constant 0 : i32
      %dma_wait3A_479 = tpu.memref_slice %arg12[%run_scoped3A_389, %dma_wait3A_477, %dma_wait3A_478] : memref<2x128x256xf32, #tpu.memory_space<vmem>> -> memref<1x128x256xf32, #tpu.memory_space<vmem>>
      %dma_wait3A_480 = tpu.memref_squeeze %dma_wait3A_479 : memref<1x128x256xf32, #tpu.memory_space<vmem>> -> memref<128x256xf32, #tpu.memory_space<vmem>>
      %dma_wait3A_481 = arith.constant 0 : i32
      %dma_wait3A_482 = tpu.memref_slice %arg10[%add3A_388, %dma_wait3A_481] : memref<16384x256xf32, #tpu.memory_space<hbm>> -> memref<128x256xf32, #tpu.memory_space<hbm>>
      %dma_wait3A_483 = arith.constant 0 : i32
      %dma_wait3A_484 = tpu.memref_slice %arg10[%add3A_388, %dma_wait3A_483] : memref<16384x256xf32, #tpu.memory_space<hbm>> -> memref<128x256xf32, #tpu.memory_space<hbm>>
      %dma_wait3A_485 = arith.constant 0 : i32
      %dma_wait3A_486 = arith.constant 0 : i32
      %dma_wait3A_487 = tpu.memref_slice %arg12[%run_scoped3A_389, %dma_wait3A_485, %dma_wait3A_486] : memref<2x128x256xf32, #tpu.memory_space<vmem>> -> memref<1x128x256xf32, #tpu.memory_space<vmem>>
      %dma_wait3A_488 = tpu.memref_squeeze %dma_wait3A_487 : memref<1x128x256xf32, #tpu.memory_space<vmem>> -> memref<128x256xf32, #tpu.memory_space<vmem>>
      tpu.wait_dma2 semaphore(%run_scoped3A_464 : memref<!tpu.dma_semaphore, #tpu.memory_space<semaphore_mem>>) src(%dma_wait3A_488 : memref<128x256xf32, #tpu.memory_space<vmem>>) dst(%dma_wait3A_484 : memref<128x256xf32, #tpu.memory_space<hbm>>)
      tpu.yield
    }) : () -> ()
    %dma_start3A_390 = arith.constant 3 : i32
    %dma_start3A_391 = arith.constant 2 : i32
    %dma_start3A_392 = arith.constant 0 : i32
    %dma_start3A_393 = arith.constant 0 : i32
    %dma_start3A_394 = arith.constant 0 : i32
    %dma_start3A_395 = tpu.memref_slice %arg12[%dma_start3A_392, %dma_start3A_393, %dma_start3A_394] : memref<2x128x256xf32, #tpu.memory_space<vmem>> -> memref<1x128x256xf32, #tpu.memory_space<vmem>>
    %dma_start3A_396 = tpu.memref_squeeze %dma_start3A_395 : memref<1x128x256xf32, #tpu.memory_space<vmem>> -> memref<128x256xf32, #tpu.memory_space<vmem>>
    %dma_start3A_397 = arith.constant 0 : i32
    %dma_start3A_398 = tpu.memref_slice %arg11[%dma_start3A_390, %dma_start3A_391, %dma_start3A_397] : memref<4x4x128xi32, #tpu.memory_space<vmem>> -> memref<1x1x128xi32, #tpu.memory_space<vmem>>
    %dma_start3A_399 = tpu.memref_squeeze %dma_start3A_398 : memref<1x1x128xi32, #tpu.memory_space<vmem>> -> memref<128xi32, #tpu.memory_space<vmem>>
    %dma_start3A_400 = arith.constant 0 : i32
    %dma_start3A_401 = arith.constant 0 : i32
    %dma_start3A_402 = tpu.memref_slice %arg6[%dma_start3A_400, %dma_start3A_401] : memref<250880x256xf32, #tpu.memory_space<hbm>> -> memref<250880x256xf32, #tpu.memory_space<hbm>>
    tpu.enqueue_indirect_dma source(%dma_start3A_402 : memref<250880x256xf32, #tpu.memory_space<hbm>>) target(%dma_start3A_396 : memref<128x256xf32, #tpu.memory_space<vmem>>) offsets(%dma_start3A_399 : memref<128xi32, #tpu.memory_space<vmem>>) semaphore(%arg13 : memref<!tpu.dma_semaphore, #tpu.memory_space<semaphore_mem>>)
    %dma_wait3A_403 = arith.constant 3 : i32
    %dma_wait3A_404 = arith.constant 1 : i32
    %dma_wait3A_405 = arith.constant 1 : i32
    %dma_wait3A_406 = arith.constant 0 : i32
    %dma_wait3A_407 = arith.constant 0 : i32
    %dma_wait3A_408 = tpu.memref_slice %arg12[%dma_wait3A_405, %dma_wait3A_406, %dma_wait3A_407] : memref<2x128x256xf32, #tpu.memory_space<vmem>> -> memref<1x128x256xf32, #tpu.memory_space<vmem>>
    %dma_wait3A_409 = tpu.memref_squeeze %dma_wait3A_408 : memref<1x128x256xf32, #tpu.memory_space<vmem>> -> memref<128x256xf32, #tpu.memory_space<vmem>>
    %dma_wait3A_410 = arith.constant 0 : i32
    %dma_wait3A_411 = tpu.memref_slice %arg11[%dma_wait3A_403, %dma_wait3A_404, %dma_wait3A_410] : memref<4x4x128xi32, #tpu.memory_space<vmem>> -> memref<1x1x128xi32, #tpu.memory_space<vmem>>
    %dma_wait3A_412 = tpu.memref_squeeze %dma_wait3A_411 : memref<1x1x128xi32, #tpu.memory_space<vmem>> -> memref<128xi32, #tpu.memory_space<vmem>>
    %dma_wait3A_413 = arith.constant 0 : i32
    %dma_wait3A_414 = arith.constant 0 : i32
    %dma_wait3A_415 = tpu.memref_slice %arg6[%dma_wait3A_413, %dma_wait3A_414] : memref<250880x256xf32, #tpu.memory_space<hbm>> -> memref<250880x256xf32, #tpu.memory_space<hbm>>
    tpu.wait_indirect_dma semaphore(%arg13 : memref<!tpu.dma_semaphore, #tpu.memory_space<semaphore_mem>>) src(%dma_wait3A_415 : memref<250880x256xf32, #tpu.memory_space<hbm>>) dst(%dma_wait3A_409 : memref<128x256xf32, #tpu.memory_space<vmem>>)
    %add3A_416 = arith.constant 128 : i32
    %add3A_417 = arith.addi %mul3A_2, %add3A_416 : i32
    %run_scoped3A_418 = arith.constant 1 : i32
    "tpu.region"() ({
      %run_scoped3A_464 = tpu.sem_alloc : memref<!tpu.dma_semaphore, #tpu.memory_space<semaphore_mem>>
      %dma_start3A_465 = arith.constant 0 : i32
      %dma_start3A_466 = arith.constant 0 : i32
      %dma_start3A_467 = tpu.memref_slice %arg12[%run_scoped3A_418, %dma_start3A_465, %dma_start3A_466] : memref<2x128x256xf32, #tpu.memory_space<vmem>> -> memref<1x128x256xf32, #tpu.memory_space<vmem>>
      %dma_start3A_468 = tpu.memref_squeeze %dma_start3A_467 : memref<1x128x256xf32, #tpu.memory_space<vmem>> -> memref<128x256xf32, #tpu.memory_space<vmem>>
      %dma_start3A_469 = arith.constant 0 : i32
      %dma_start3A_470 = tpu.memref_slice %arg10[%add3A_417, %dma_start3A_469] : memref<16384x256xf32, #tpu.memory_space<hbm>> -> memref<128x256xf32, #tpu.memory_space<hbm>>
      %dma_start3A_471 = arith.constant 0 : i32
      %dma_start3A_472 = tpu.memref_slice %arg10[%add3A_417, %dma_start3A_471] : memref<16384x256xf32, #tpu.memory_space<hbm>> -> memref<128x256xf32, #tpu.memory_space<hbm>>
      %dma_start3A_473 = arith.constant 0 : i32
      %dma_start3A_474 = arith.constant 0 : i32
      %dma_start3A_475 = tpu.memref_slice %arg12[%run_scoped3A_418, %dma_start3A_473, %dma_start3A_474] : memref<2x128x256xf32, #tpu.memory_space<vmem>> -> memref<1x128x256xf32, #tpu.memory_space<vmem>>
      %dma_start3A_476 = tpu.memref_squeeze %dma_start3A_475 : memref<1x128x256xf32, #tpu.memory_space<vmem>> -> memref<128x256xf32, #tpu.memory_space<vmem>>
      tpu.enqueue_dma source(%dma_start3A_476 : memref<128x256xf32, #tpu.memory_space<vmem>>) target(%dma_start3A_472 : memref<128x256xf32, #tpu.memory_space<hbm>>) target_semaphore(%run_scoped3A_464 : memref<!tpu.dma_semaphore, #tpu.memory_space<semaphore_mem>>)
      %dma_wait3A_477 = arith.constant 0 : i32
      %dma_wait3A_478 = arith.constant 0 : i32
      %dma_wait3A_479 = tpu.memref_slice %arg12[%run_scoped3A_418, %dma_wait3A_477, %dma_wait3A_478] : memref<2x128x256xf32, #tpu.memory_space<vmem>> -> memref<1x128x256xf32, #tpu.memory_space<vmem>>
      %dma_wait3A_480 = tpu.memref_squeeze %dma_wait3A_479 : memref<1x128x256xf32, #tpu.memory_space<vmem>> -> memref<128x256xf32, #tpu.memory_space<vmem>>
      %dma_wait3A_481 = arith.constant 0 : i32
      %dma_wait3A_482 = tpu.memref_slice %arg10[%add3A_417, %dma_wait3A_481] : memref<16384x256xf32, #tpu.memory_space<hbm>> -> memref<128x256xf32, #tpu.memory_space<hbm>>
      %dma_wait3A_483 = arith.constant 0 : i32
      %dma_wait3A_484 = tpu.memref_slice %arg10[%add3A_417, %dma_wait3A_483] : memref<16384x256xf32, #tpu.memory_space<hbm>> -> memref<128x256xf32, #tpu.memory_space<hbm>>
      %dma_wait3A_485 = arith.constant 0 : i32
      %dma_wait3A_486 = arith.constant 0 : i32
      %dma_wait3A_487 = tpu.memref_slice %arg12[%run_scoped3A_418, %dma_wait3A_485, %dma_wait3A_486] : memref<2x128x256xf32, #tpu.memory_space<vmem>> -> memref<1x128x256xf32, #tpu.memory_space<vmem>>
      %dma_wait3A_488 = tpu.memref_squeeze %dma_wait3A_487 : memref<1x128x256xf32, #tpu.memory_space<vmem>> -> memref<128x256xf32, #tpu.memory_space<vmem>>
      tpu.wait_dma2 semaphore(%run_scoped3A_464 : memref<!tpu.dma_semaphore, #tpu.memory_space<semaphore_mem>>) src(%dma_wait3A_488 : memref<128x256xf32, #tpu.memory_space<vmem>>) dst(%dma_wait3A_484 : memref<128x256xf32, #tpu.memory_space<hbm>>)
      tpu.yield
    }) : () -> ()
    %dma_start3A_419 = arith.constant 3 : i32
    %dma_start3A_420 = arith.constant 3 : i32
    %dma_start3A_421 = arith.constant 1 : i32
    %dma_start3A_422 = arith.constant 0 : i32
    %dma_start3A_423 = arith.constant 0 : i32
    %dma_start3A_424 = tpu.memref_slice %arg12[%dma_start3A_421, %dma_start3A_422, %dma_start3A_423] : memref<2x128x256xf32, #tpu.memory_space<vmem>> -> memref<1x128x256xf32, #tpu.memory_space<vmem>>
    %dma_start3A_425 = tpu.memref_squeeze %dma_start3A_424 : memref<1x128x256xf32, #tpu.memory_space<vmem>> -> memref<128x256xf32, #tpu.memory_space<vmem>>
    %dma_start3A_426 = arith.constant 0 : i32
    %dma_start3A_427 = tpu.memref_slice %arg11[%dma_start3A_419, %dma_start3A_420, %dma_start3A_426] : memref<4x4x128xi32, #tpu.memory_space<vmem>> -> memref<1x1x128xi32, #tpu.memory_space<vmem>>
    %dma_start3A_428 = tpu.memref_squeeze %dma_start3A_427 : memref<1x1x128xi32, #tpu.memory_space<vmem>> -> memref<128xi32, #tpu.memory_space<vmem>>
    %dma_start3A_429 = arith.constant 0 : i32
    %dma_start3A_430 = arith.constant 0 : i32
    %dma_start3A_431 = tpu.memref_slice %arg6[%dma_start3A_429, %dma_start3A_430] : memref<250880x256xf32, #tpu.memory_space<hbm>> -> memref<250880x256xf32, #tpu.memory_space<hbm>>
    tpu.enqueue_indirect_dma source(%dma_start3A_431 : memref<250880x256xf32, #tpu.memory_space<hbm>>) target(%dma_start3A_425 : memref<128x256xf32, #tpu.memory_space<vmem>>) offsets(%dma_start3A_428 : memref<128xi32, #tpu.memory_space<vmem>>) semaphore(%arg13 : memref<!tpu.dma_semaphore, #tpu.memory_space<semaphore_mem>>)
    %dma_wait3A_432 = arith.constant 3 : i32
    %dma_wait3A_433 = arith.constant 2 : i32
    %dma_wait3A_434 = arith.constant 0 : i32
    %dma_wait3A_435 = arith.constant 0 : i32
    %dma_wait3A_436 = arith.constant 0 : i32
    %dma_wait3A_437 = tpu.memref_slice %arg12[%dma_wait3A_434, %dma_wait3A_435, %dma_wait3A_436] : memref<2x128x256xf32, #tpu.memory_space<vmem>> -> memref<1x128x256xf32, #tpu.memory_space<vmem>>
    %dma_wait3A_438 = tpu.memref_squeeze %dma_wait3A_437 : memref<1x128x256xf32, #tpu.memory_space<vmem>> -> memref<128x256xf32, #tpu.memory_space<vmem>>
    %dma_wait3A_439 = arith.constant 0 : i32
    %dma_wait3A_440 = tpu.memref_slice %arg11[%dma_wait3A_432, %dma_wait3A_433, %dma_wait3A_439] : memref<4x4x128xi32, #tpu.memory_space<vmem>> -> memref<1x1x128xi32, #tpu.memory_space<vmem>>
    %dma_wait3A_441 = tpu.memref_squeeze %dma_wait3A_440 : memref<1x1x128xi32, #tpu.memory_space<vmem>> -> memref<128xi32, #tpu.memory_space<vmem>>
    %dma_wait3A_442 = arith.constant 0 : i32
    %dma_wait3A_443 = arith.constant 0 : i32
    %dma_wait3A_444 = tpu.memref_slice %arg6[%dma_wait3A_442, %dma_wait3A_443] : memref<250880x256xf32, #tpu.memory_space<hbm>> -> memref<250880x256xf32, #tpu.memory_space<hbm>>
    tpu.wait_indirect_dma semaphore(%arg13 : memref<!tpu.dma_semaphore, #tpu.memory_space<semaphore_mem>>) src(%dma_wait3A_444 : memref<250880x256xf32, #tpu.memory_space<hbm>>) dst(%dma_wait3A_438 : memref<128x256xf32, #tpu.memory_space<vmem>>)
    %add3A_445 = arith.constant 256 : i32
    %add3A_446 = arith.addi %mul3A_2, %add3A_445 : i32
    %run_scoped3A_447 = arith.constant 0 : i32
    "tpu.region"() ({
      %run_scoped3A_464 = tpu.sem_alloc : memref<!tpu.dma_semaphore, #tpu.memory_space<semaphore_mem>>
      %dma_start3A_465 = arith.constant 0 : i32
      %dma_start3A_466 = arith.constant 0 : i32
      %dma_start3A_467 = tpu.memref_slice %arg12[%run_scoped3A_447, %dma_start3A_465, %dma_start3A_466] : memref<2x128x256xf32, #tpu.memory_space<vmem>> -> memref<1x128x256xf32, #tpu.memory_space<vmem>>
      %dma_start3A_468 = tpu.memref_squeeze %dma_start3A_467 : memref<1x128x256xf32, #tpu.memory_space<vmem>> -> memref<128x256xf32, #tpu.memory_space<vmem>>
      %dma_start3A_469 = arith.constant 0 : i32
      %dma_start3A_470 = tpu.memref_slice %arg10[%add3A_446, %dma_start3A_469] : memref<16384x256xf32, #tpu.memory_space<hbm>> -> memref<128x256xf32, #tpu.memory_space<hbm>>
      %dma_start3A_471 = arith.constant 0 : i32
      %dma_start3A_472 = tpu.memref_slice %arg10[%add3A_446, %dma_start3A_471] : memref<16384x256xf32, #tpu.memory_space<hbm>> -> memref<128x256xf32, #tpu.memory_space<hbm>>
      %dma_start3A_473 = arith.constant 0 : i32
      %dma_start3A_474 = arith.constant 0 : i32
      %dma_start3A_475 = tpu.memref_slice %arg12[%run_scoped3A_447, %dma_start3A_473, %dma_start3A_474] : memref<2x128x256xf32, #tpu.memory_space<vmem>> -> memref<1x128x256xf32, #tpu.memory_space<vmem>>
      %dma_start3A_476 = tpu.memref_squeeze %dma_start3A_475 : memref<1x128x256xf32, #tpu.memory_space<vmem>> -> memref<128x256xf32, #tpu.memory_space<vmem>>
      tpu.enqueue_dma source(%dma_start3A_476 : memref<128x256xf32, #tpu.memory_space<vmem>>) target(%dma_start3A_472 : memref<128x256xf32, #tpu.memory_space<hbm>>) target_semaphore(%run_scoped3A_464 : memref<!tpu.dma_semaphore, #tpu.memory_space<semaphore_mem>>)
      %dma_wait3A_477 = arith.constant 0 : i32
      %dma_wait3A_478 = arith.constant 0 : i32
      %dma_wait3A_479 = tpu.memref_slice %arg12[%run_scoped3A_447, %dma_wait3A_477, %dma_wait3A_478] : memref<2x128x256xf32, #tpu.memory_space<vmem>> -> memref<1x128x256xf32, #tpu.memory_space<vmem>>
      %dma_wait3A_480 = tpu.memref_squeeze %dma_wait3A_479 : memref<1x128x256xf32, #tpu.memory_space<vmem>> -> memref<128x256xf32, #tpu.memory_space<vmem>>
      %dma_wait3A_481 = arith.constant 0 : i32
      %dma_wait3A_482 = tpu.memref_slice %arg10[%add3A_446, %dma_wait3A_481] : memref<16384x256xf32, #tpu.memory_space<hbm>> -> memref<128x256xf32, #tpu.memory_space<hbm>>
      %dma_wait3A_483 = arith.constant 0 : i32
      %dma_wait3A_484 = tpu.memref_slice %arg10[%add3A_446, %dma_wait3A_483] : memref<16384x256xf32, #tpu.memory_space<hbm>> -> memref<128x256xf32, #tpu.memory_space<hbm>>
      %dma_wait3A_485 = arith.constant 0 : i32
      %dma_wait3A_486 = arith.constant 0 : i32
      %dma_wait3A_487 = tpu.memref_slice %arg12[%run_scoped3A_447, %dma_wait3A_485, %dma_wait3A_486] : memref<2x128x256xf32, #tpu.memory_space<vmem>> -> memref<1x128x256xf32, #tpu.memory_space<vmem>>
      %dma_wait3A_488 = tpu.memref_squeeze %dma_wait3A_487 : memref<1x128x256xf32, #tpu.memory_space<vmem>> -> memref<128x256xf32, #tpu.memory_space<vmem>>
      tpu.wait_dma2 semaphore(%run_scoped3A_464 : memref<!tpu.dma_semaphore, #tpu.memory_space<semaphore_mem>>) src(%dma_wait3A_488 : memref<128x256xf32, #tpu.memory_space<vmem>>) dst(%dma_wait3A_484 : memref<128x256xf32, #tpu.memory_space<hbm>>)
      tpu.yield
    }) : () -> ()
    %dma_wait3A_448 = arith.constant 3 : i32
    %dma_wait3A_449 = arith.constant 3 : i32
    %dma_wait3A_450 = arith.constant 1 : i32
    %dma_wait3A_451 = arith.constant 0 : i32
    %dma_wait3A_452 = arith.constant 0 : i32
    %dma_wait3A_453 = tpu.memref_slice %arg12[%dma_wait3A_450, %dma_wait3A_451, %dma_wait3A_452] : memref<2x128x256xf32, #tpu.memory_space<vmem>> -> memref<1x128x256xf32, #tpu.memory_space<vmem>>
    %dma_wait3A_454 = tpu.memref_squeeze %dma_wait3A_453 : memref<1x128x256xf32, #tpu.memory_space<vmem>> -> memref<128x256xf32, #tpu.memory_space<vmem>>
    %dma_wait3A_455 = arith.constant 0 : i32
    %dma_wait3A_456 = tpu.memref_slice %arg11[%dma_wait3A_448, %dma_wait3A_449, %dma_wait3A_455] : memref<4x4x128xi32, #tpu.memory_space<vmem>> -> memref<1x1x128xi32, #tpu.memory_space<vmem>>
    %dma_wait3A_457 = tpu.memref_squeeze %dma_wait3A_456 : memref<1x1x128xi32, #tpu.memory_space<vmem>> -> memref<128xi32, #tpu.memory_space<vmem>>
    %dma_wait3A_458 = arith.constant 0 : i32
    %dma_wait3A_459 = arith.constant 0 : i32
    %dma_wait3A_460 = tpu.memref_slice %arg6[%dma_wait3A_458, %dma_wait3A_459] : memref<250880x256xf32, #tpu.memory_space<hbm>> -> memref<250880x256xf32, #tpu.memory_space<hbm>>
    tpu.wait_indirect_dma semaphore(%arg13 : memref<!tpu.dma_semaphore, #tpu.memory_space<semaphore_mem>>) src(%dma_wait3A_460 : memref<250880x256xf32, #tpu.memory_space<hbm>>) dst(%dma_wait3A_454 : memref<128x256xf32, #tpu.memory_space<vmem>>)
    %add3A_461 = arith.constant 384 : i32
    %add3A_462 = arith.addi %mul3A_2, %add3A_461 : i32
    %run_scoped3A_463 = arith.constant 1 : i32
    "tpu.region"() ({
      %run_scoped3A_464 = tpu.sem_alloc : memref<!tpu.dma_semaphore, #tpu.memory_space<semaphore_mem>>
      %dma_start3A_465 = arith.constant 0 : i32
      %dma_start3A_466 = arith.constant 0 : i32
      %dma_start3A_467 = tpu.memref_slice %arg12[%run_scoped3A_463, %dma_start3A_465, %dma_start3A_466] : memref<2x128x256xf32, #tpu.memory_space<vmem>> -> memref<1x128x256xf32, #tpu.memory_space<vmem>>
      %dma_start3A_468 = tpu.memref_squeeze %dma_start3A_467 : memref<1x128x256xf32, #tpu.memory_space<vmem>> -> memref<128x256xf32, #tpu.memory_space<vmem>>
      %dma_start3A_469 = arith.constant 0 : i32
      %dma_start3A_470 = tpu.memref_slice %arg10[%add3A_462, %dma_start3A_469] : memref<16384x256xf32, #tpu.memory_space<hbm>> -> memref<128x256xf32, #tpu.memory_space<hbm>>
      %dma_start3A_471 = arith.constant 0 : i32
      %dma_start3A_472 = tpu.memref_slice %arg10[%add3A_462, %dma_start3A_471] : memref<16384x256xf32, #tpu.memory_space<hbm>> -> memref<128x256xf32, #tpu.memory_space<hbm>>
      %dma_start3A_473 = arith.constant 0 : i32
      %dma_start3A_474 = arith.constant 0 : i32
      %dma_start3A_475 = tpu.memref_slice %arg12[%run_scoped3A_463, %dma_start3A_473, %dma_start3A_474] : memref<2x128x256xf32, #tpu.memory_space<vmem>> -> memref<1x128x256xf32, #tpu.memory_space<vmem>>
      %dma_start3A_476 = tpu.memref_squeeze %dma_start3A_475 : memref<1x128x256xf32, #tpu.memory_space<vmem>> -> memref<128x256xf32, #tpu.memory_space<vmem>>
      tpu.enqueue_dma source(%dma_start3A_476 : memref<128x256xf32, #tpu.memory_space<vmem>>) target(%dma_start3A_472 : memref<128x256xf32, #tpu.memory_space<hbm>>) target_semaphore(%run_scoped3A_464 : memref<!tpu.dma_semaphore, #tpu.memory_space<semaphore_mem>>)
      %dma_wait3A_477 = arith.constant 0 : i32
      %dma_wait3A_478 = arith.constant 0 : i32
      %dma_wait3A_479 = tpu.memref_slice %arg12[%run_scoped3A_463, %dma_wait3A_477, %dma_wait3A_478] : memref<2x128x256xf32, #tpu.memory_space<vmem>> -> memref<1x128x256xf32, #tpu.memory_space<vmem>>
      %dma_wait3A_480 = tpu.memref_squeeze %dma_wait3A_479 : memref<1x128x256xf32, #tpu.memory_space<vmem>> -> memref<128x256xf32, #tpu.memory_space<vmem>>
      %dma_wait3A_481 = arith.constant 0 : i32
      %dma_wait3A_482 = tpu.memref_slice %arg10[%add3A_462, %dma_wait3A_481] : memref<16384x256xf32, #tpu.memory_space<hbm>> -> memref<128x256xf32, #tpu.memory_space<hbm>>
      %dma_wait3A_483 = arith.constant 0 : i32
      %dma_wait3A_484 = tpu.memref_slice %arg10[%add3A_462, %dma_wait3A_483] : memref<16384x256xf32, #tpu.memory_space<hbm>> -> memref<128x256xf32, #tpu.memory_space<hbm>>
      %dma_wait3A_485 = arith.constant 0 : i32
      %dma_wait3A_486 = arith.constant 0 : i32
      %dma_wait3A_487 = tpu.memref_slice %arg12[%run_scoped3A_463, %dma_wait3A_485, %dma_wait3A_486] : memref<2x128x256xf32, #tpu.memory_space<vmem>> -> memref<1x128x256xf32, #tpu.memory_space<vmem>>
      %dma_wait3A_488 = tpu.memref_squeeze %dma_wait3A_487 : memref<1x128x256xf32, #tpu.memory_space<vmem>> -> memref<128x256xf32, #tpu.memory_space<vmem>>
      tpu.wait_dma2 semaphore(%run_scoped3A_464 : memref<!tpu.dma_semaphore, #tpu.memory_space<semaphore_mem>>) src(%dma_wait3A_488 : memref<128x256xf32, #tpu.memory_space<vmem>>) dst(%dma_wait3A_484 : memref<128x256xf32, #tpu.memory_space<hbm>>)
      tpu.yield
    }) : () -> ()
    return
  }
}

module attributes {stable_mosaic.version = 14 : i64} {
  func.func @_pack_body(%arg0: i32, %arg1: memref<64x4096xf32, #tpu.memory_space<vmem>>, %arg2: memref<1024x256xf32, #tpu.memory_space<vmem>>) attributes {dimension_semantics = [#tpu.dimension_semantics<parallel>], iteration_bounds = array<i64: 245>, scalar_prefetch = 0 : i64, scratch_operands = 0 : i64, tpu.core_type = #tpu.core_type<tc>, window_params = [{transform_indices = @transform_0, window_bounds = array<i64: 64, 4096>}, {transform_indices = @transform_1, window_bounds = array<i64: 1024, 256>}]} {
    %get3A = arith.constant 0 : index
    %get3A_0 = arith.constant 0 : index
    %get3A_1 = vector.load %arg1[%get3A, %get3A_0] : memref<64x4096xf32, #tpu.memory_space<vmem>>, vector<64x1024xf32>
    %transpose3A = tpu.transpose %get3A_1, [1, 0] : vector<64x1024xf32> -> vector<1024x64xf32>
    %get3A_2 = arith.constant 0 : index
    %get3A_3 = arith.constant 1024 : index
    %get3A_4 = vector.load %arg1[%get3A_2, %get3A_3] : memref<64x4096xf32, #tpu.memory_space<vmem>>, vector<64x1024xf32>
    %transpose3A_5 = tpu.transpose %get3A_4, [1, 0] : vector<64x1024xf32> -> vector<1024x64xf32>
    %get3A_6 = arith.constant 0 : index
    %get3A_7 = arith.constant 2048 : index
    %get3A_8 = vector.load %arg1[%get3A_6, %get3A_7] : memref<64x4096xf32, #tpu.memory_space<vmem>>, vector<64x1024xf32>
    %transpose3A_9 = tpu.transpose %get3A_8, [1, 0] : vector<64x1024xf32> -> vector<1024x64xf32>
    %get3A_10 = arith.constant 0 : index
    %get3A_11 = arith.constant 3072 : index
    %get3A_12 = vector.load %arg1[%get3A_10, %get3A_11] : memref<64x4096xf32, #tpu.memory_space<vmem>>, vector<64x1024xf32>
    %transpose3A_13 = tpu.transpose %get3A_12, [1, 0] : vector<64x1024xf32> -> vector<1024x64xf32>
    %concatenate3A = tpu.concatenate %transpose3A, %transpose3A_5, %transpose3A_9, %transpose3A_13 in 1 : vector<1024x64xf32>, vector<1024x64xf32>, vector<1024x64xf32>, vector<1024x64xf32> -> vector<1024x256xf32>
    %swap3A = arith.constant 0 : index
    %swap3A_14 = arith.constant 0 : index
    %swap3A_15 = vector.load %arg2[%swap3A, %swap3A_14] : memref<1024x256xf32, #tpu.memory_space<vmem>>, vector<1024x256xf32>
    tpu.vector_store %arg2[%swap3A, %swap3A_14], %concatenate3A {strides = array<i32>} : memref<1024x256xf32, #tpu.memory_space<vmem>>, vector<1024x256xf32>,
    return
  }
  func.func @transform_0(%arg0: i32) -> (i32, i32) {
    %c0_i32 = arith.constant 0 : i32
    %c0_i32_0 = arith.constant 0 : i32
    return %c0_i32, %arg0 : i32, i32
  }
  func.func @transform_1(%arg0: i32) -> (i32, i32) {
    %c0_i32 = arith.constant 0 : i32
    %c0_i32_0 = arith.constant 0 : i32
    return %arg0, %c0_i32 : i32, i32
  }
}

module attributes {stable_mosaic.version = 14 : i64} {
  func.func @_pack_body(%arg0: i32, %arg1: memref<64x4096xf32, #tpu.memory_space<vmem>>, %arg2: memref<1024x256xf32, #tpu.memory_space<vmem>>) attributes {dimension_semantics = [#tpu.dimension_semantics<parallel>], iteration_bounds = array<i64: 1>, scalar_prefetch = 0 : i64, scratch_operands = 0 : i64, tpu.core_type = #tpu.core_type<tc>, window_params = [{transform_indices = @transform_0, window_bounds = array<i64: 64, 4096>}, {transform_indices = @transform_1, window_bounds = array<i64: 1024, 256>}]} {
    %get3A = arith.constant 0 : index
    %get3A_0 = arith.constant 0 : index
    %get3A_1 = vector.load %arg1[%get3A, %get3A_0] : memref<64x4096xf32, #tpu.memory_space<vmem>>, vector<64x1024xf32>
    %transpose3A = tpu.transpose %get3A_1, [1, 0] : vector<64x1024xf32> -> vector<1024x64xf32>
    %get3A_2 = arith.constant 0 : index
    %get3A_3 = arith.constant 1024 : index
    %get3A_4 = vector.load %arg1[%get3A_2, %get3A_3] : memref<64x4096xf32, #tpu.memory_space<vmem>>, vector<64x1024xf32>
    %transpose3A_5 = tpu.transpose %get3A_4, [1, 0] : vector<64x1024xf32> -> vector<1024x64xf32>
    %get3A_6 = arith.constant 0 : index
    %get3A_7 = arith.constant 2048 : index
    %get3A_8 = vector.load %arg1[%get3A_6, %get3A_7] : memref<64x4096xf32, #tpu.memory_space<vmem>>, vector<64x1024xf32>
    %transpose3A_9 = tpu.transpose %get3A_8, [1, 0] : vector<64x1024xf32> -> vector<1024x64xf32>
    %get3A_10 = arith.constant 0 : index
    %get3A_11 = arith.constant 3072 : index
    %get3A_12 = vector.load %arg1[%get3A_10, %get3A_11] : memref<64x4096xf32, #tpu.memory_space<vmem>>, vector<64x1024xf32>
    %transpose3A_13 = tpu.transpose %get3A_12, [1, 0] : vector<64x1024xf32> -> vector<1024x64xf32>
    %concatenate3A = tpu.concatenate %transpose3A, %transpose3A_5, %transpose3A_9, %transpose3A_13 in 1 : vector<1024x64xf32>, vector<1024x64xf32>, vector<1024x64xf32>, vector<1024x64xf32> -> vector<1024x256xf32>
    %swap3A = arith.constant 0 : index
    %swap3A_14 = arith.constant 0 : index
    %swap3A_15 = vector.load %arg2[%swap3A, %swap3A_14] : memref<1024x256xf32, #tpu.memory_space<vmem>>, vector<1024x256xf32>
    tpu.vector_store %arg2[%swap3A, %swap3A_14], %concatenate3A {strides = array<i32>} : memref<1024x256xf32, #tpu.memory_space<vmem>>, vector<1024x256xf32>,
    return
  }
  func.func @transform_0(%arg0: i32) -> (i32, i32) {
    %c0_i32 = arith.constant 0 : i32
    %c0_i32_0 = arith.constant 0 : i32
    return %c0_i32, %arg0 : i32, i32
  }
  func.func @transform_1(%arg0: i32) -> (i32, i32) {
    %c0_i32 = arith.constant 0 : i32
    %c0_i32_0 = arith.constant 0 : i32
    return %arg0, %c0_i32 : i32, i32
  }
}

module attributes {stable_mosaic.version = 14 : i64} {
  func.func @_tc_body(%arg0: i32, %arg1: memref<512x256xf32, #tpu.memory_space<vmem>>, %arg2: memref<512x256xf32, #tpu.memory_space<vmem>>, %arg3: memref<512x256xf32, #tpu.memory_space<vmem>>, %arg4: memref<512x256xf32, #tpu.memory_space<vmem>>, %arg5: memref<512x4xi32, #tpu.memory_space<vmem>>, %arg6: memref<64x256xf32, #tpu.memory_space<vmem>>, %arg7: memref<64x1xf32, #tpu.memory_space<vmem>>, %arg8: memref<64x64xf32, #tpu.memory_space<vmem>>, %arg9: memref<64x1xf32, #tpu.memory_space<vmem>>, %arg10: memref<32x64xf32, #tpu.memory_space<vmem>>, %arg11: memref<32x1xf32, #tpu.memory_space<vmem>>, %arg12: memref<32x1000xf32, #tpu.memory_space<vmem>>, %arg13: memref<1000x1xf32, #tpu.memory_space<vmem>>, %arg14: memref<32x64xf32, #tpu.memory_space<vmem>>, %arg15: memref<32x1xf32, #tpu.memory_space<vmem>>, %arg16: memref<32x1xf32, #tpu.memory_space<vmem>>, %arg17: memref<1x1xf32, #tpu.memory_space<vmem>>, %arg18: memref<1000x512xf32, #tpu.memory_space<vmem>>, %arg19: memref<1x512xf32, #tpu.memory_space<vmem>>) attributes {dimension_semantics = [#tpu.dimension_semantics<arbitrary>], iteration_bounds = array<i64: 32>, scalar_prefetch = 0 : i64, scratch_operands = 0 : i64, tpu.core_type = #tpu.core_type<tc>, window_params = [{transform_indices = @transform_0, window_bounds = array<i64: 512, 256>}, {transform_indices = @transform_1, window_bounds = array<i64: 512, 256>}, {transform_indices = @transform_2, window_bounds = array<i64: 512, 256>}, {transform_indices = @transform_3, window_bounds = array<i64: 512, 256>}, {transform_indices = @transform_4, window_bounds = array<i64: 512, 4>}, {pipeline_mode = #tpu.pipeline_mode<synchronous>, transform_indices = @transform_5, window_bounds = array<i64: 64, 256>}, {pipeline_mode = #tpu.pipeline_mode<synchronous>, transform_indices = @transform_6, window_bounds = array<i64: 64, 1>}, {pipeline_mode = #tpu.pipeline_mode<synchronous>, transform_indices = @transform_7, window_bounds = array<i64: 64, 64>}, {pipeline_mode = #tpu.pipeline_mode<synchronous>, transform_indices = @transform_8, window_bounds = array<i64: 64, 1>}, {pipeline_mode = #tpu.pipeline_mode<synchronous>, transform_indices = @transform_9, window_bounds = array<i64: 32, 64>}, {pipeline_mode = #tpu.pipeline_mode<synchronous>, transform_indices = @transform_10, window_bounds = array<i64: 32, 1>}, {pipeline_mode = #tpu.pipeline_mode<synchronous>, transform_indices = @transform_11, window_bounds = array<i64: 32, 1000>}, {pipeline_mode = #tpu.pipeline_mode<synchronous>, transform_indices = @transform_12, window_bounds = array<i64: 1000, 1>}, {pipeline_mode = #tpu.pipeline_mode<synchronous>, transform_indices = @transform_13, window_bounds = array<i64: 32, 64>}, {pipeline_mode = #tpu.pipeline_mode<synchronous>, transform_indices = @transform_14, window_bounds = array<i64: 32, 1>}, {pipeline_mode = #tpu.pipeline_mode<synchronous>, transform_indices = @transform_15, window_bounds = array<i64: 32, 1>}, {pipeline_mode = #tpu.pipeline_mode<synchronous>, transform_indices = @transform_16, window_bounds = array<i64: 1, 1>}, {transform_indices = @transform_17, window_bounds = array<i64: 1000, 512>}, {transform_indices = @transform_18, window_bounds = array<i64: 1, 512>}]} {
    %get3A = arith.constant 0 : index
    %get3A_0 = arith.constant 0 : index
    %get3A_1 = vector.load %arg7[%get3A, %get3A_0] : memref<64x1xf32, #tpu.memory_space<vmem>>, vector<64x1xf32>
    %get3A_2 = arith.constant 0 : index
    %get3A_3 = arith.constant 0 : index
    %get3A_4 = vector.load %arg5[%get3A_2, %get3A_3] : memref<512x4xi32, #tpu.memory_space<vmem>>, vector<512x1xi32>
    %eq3A = arith.constant 1 : i32
    %eq3A_5 = vector.broadcast %eq3A : i32 to vector<512x1xi32>
    %eq3A_6 = arith.cmpi eq, %get3A_4, %eq3A_5 : vector<512x1xi32>
    %get3A_7 = arith.constant 0 : index
    %get3A_8 = arith.constant 64 : index
    %get3A_9 = vector.load %arg1[%get3A_7, %get3A_8] : memref<512x256xf32, #tpu.memory_space<vmem>>, vector<512x64xf32>
    %get3A_10 = arith.constant 0 : index
    %get3A_11 = arith.constant 0 : index
    %get3A_12 = vector.load %arg1[%get3A_10, %get3A_11] : memref<512x256xf32, #tpu.memory_space<vmem>>, vector<512x64xf32>
    %broadcast_in_dim3A = vector.shape_cast %eq3A_6 : vector<512x1xi1> to vector<512x1xi1>
    %broadcast_in_dim3A_13 = vector.broadcast %broadcast_in_dim3A : vector<512x1xi1> to vector<512x64xi1>
    %select_n3A = arith.select %broadcast_in_dim3A_13, %get3A_9, %get3A_12 : vector<512x64xi1>, vector<512x64xf32>
    %eq3A_14 = arith.constant 3 : i32
    %eq3A_15 = vector.broadcast %eq3A_14 : i32 to vector<512x1xi32>
    %eq3A_16 = arith.cmpi eq, %get3A_4, %eq3A_15 : vector<512x1xi32>
    %get3A_17 = arith.constant 0 : index
    %get3A_18 = arith.constant 192 : index
    %get3A_19 = vector.load %arg1[%get3A_17, %get3A_18] : memref<512x256xf32, #tpu.memory_space<vmem>>, vector<512x64xf32>
    %get3A_20 = arith.constant 0 : index
    %get3A_21 = arith.constant 128 : index
    %get3A_22 = vector.load %arg1[%get3A_20, %get3A_21] : memref<512x256xf32, #tpu.memory_space<vmem>>, vector<512x64xf32>
    %broadcast_in_dim3A_23 = vector.shape_cast %eq3A_16 : vector<512x1xi1> to vector<512x1xi1>
    %broadcast_in_dim3A_24 = vector.broadcast %broadcast_in_dim3A_23 : vector<512x1xi1> to vector<512x64xi1>
    %select_n3A_25 = arith.select %broadcast_in_dim3A_24, %get3A_19, %get3A_22 : vector<512x64xi1>, vector<512x64xf32>
    %ge3A = arith.constant 2 : i32
    %ge3A_26 = vector.broadcast %ge3A : i32 to vector<512x1xi32>
    %ge3A_27 = arith.cmpi sge, %get3A_4, %ge3A_26 : vector<512x1xi32>
    %broadcast_in_dim3A_28 = vector.shape_cast %ge3A_27 : vector<512x1xi1> to vector<512x1xi1>
    %broadcast_in_dim3A_29 = vector.broadcast %broadcast_in_dim3A_28 : vector<512x1xi1> to vector<512x64xi1>
    %select_n3A_30 = arith.select %broadcast_in_dim3A_29, %select_n3A_25, %select_n3A : vector<512x64xi1>, vector<512x64xf32>
    %get3A_31 = arith.constant 0 : index
    %get3A_32 = arith.constant 0 : index
    %get3A_33 = vector.load %arg6[%get3A_31, %get3A_32] : memref<64x256xf32, #tpu.memory_space<vmem>>, vector<64x64xf32>
    %dot_general3A = arith.constant dense<0.000000e+00> : vector<64x512xf32>
    %dot_general3A_34 = tpu.matmul %get3A_33, %select_n3A_30, %dot_general3A {dimension_numbers = #tpu.dot_dimension_numbers<[1], [1], [0], [0], [0, 0, 1, 0], [], []>, precision = #tpu.contract_precision<fp32>, transpose_lhs_hint = false} : vector<64x64xf32>, vector<512x64xf32>, vector<64x512xf32> -> vector<64x512xf32>
    %add3A = vector.broadcast %get3A_1 : vector<64x1xf32> to vector<64x512xf32>
    %add3A_35 = arith.addf %add3A, %dot_general3A_34 : vector<64x512xf32>
    %get3A_36 = arith.constant 0 : index
    %get3A_37 = arith.constant 1 : index
    %get3A_38 = vector.load %arg5[%get3A_36, %get3A_37] : memref<512x4xi32, #tpu.memory_space<vmem>>, vector<512x1xi32>
    %eq3A_39 = arith.constant 1 : i32
    %eq3A_40 = vector.broadcast %eq3A_39 : i32 to vector<512x1xi32>
    %eq3A_41 = arith.cmpi eq, %get3A_38, %eq3A_40 : vector<512x1xi32>
    %get3A_42 = arith.constant 0 : index
    %get3A_43 = arith.constant 64 : index
    %get3A_44 = vector.load %arg2[%get3A_42, %get3A_43] : memref<512x256xf32, #tpu.memory_space<vmem>>, vector<512x64xf32>
    %get3A_45 = arith.constant 0 : index
    %get3A_46 = arith.constant 0 : index
    %get3A_47 = vector.load %arg2[%get3A_45, %get3A_46] : memref<512x256xf32, #tpu.memory_space<vmem>>, vector<512x64xf32>
    %broadcast_in_dim3A_48 = vector.shape_cast %eq3A_41 : vector<512x1xi1> to vector<512x1xi1>
    %broadcast_in_dim3A_49 = vector.broadcast %broadcast_in_dim3A_48 : vector<512x1xi1> to vector<512x64xi1>
    %select_n3A_50 = arith.select %broadcast_in_dim3A_49, %get3A_44, %get3A_47 : vector<512x64xi1>, vector<512x64xf32>
    %eq3A_51 = arith.constant 3 : i32
    %eq3A_52 = vector.broadcast %eq3A_51 : i32 to vector<512x1xi32>
    %eq3A_53 = arith.cmpi eq, %get3A_38, %eq3A_52 : vector<512x1xi32>
    %get3A_54 = arith.constant 0 : index
    %get3A_55 = arith.constant 192 : index
    %get3A_56 = vector.load %arg2[%get3A_54, %get3A_55] : memref<512x256xf32, #tpu.memory_space<vmem>>, vector<512x64xf32>
    %get3A_57 = arith.constant 0 : index
    %get3A_58 = arith.constant 128 : index
    %get3A_59 = vector.load %arg2[%get3A_57, %get3A_58] : memref<512x256xf32, #tpu.memory_space<vmem>>, vector<512x64xf32>
    %broadcast_in_dim3A_60 = vector.shape_cast %eq3A_53 : vector<512x1xi1> to vector<512x1xi1>
    %broadcast_in_dim3A_61 = vector.broadcast %broadcast_in_dim3A_60 : vector<512x1xi1> to vector<512x64xi1>
    %select_n3A_62 = arith.select %broadcast_in_dim3A_61, %get3A_56, %get3A_59 : vector<512x64xi1>, vector<512x64xf32>
    %ge3A_63 = arith.constant 2 : i32
    %ge3A_64 = vector.broadcast %ge3A_63 : i32 to vector<512x1xi32>
    %ge3A_65 = arith.cmpi sge, %get3A_38, %ge3A_64 : vector<512x1xi32>
    %broadcast_in_dim3A_66 = vector.shape_cast %ge3A_65 : vector<512x1xi1> to vector<512x1xi1>
    %broadcast_in_dim3A_67 = vector.broadcast %broadcast_in_dim3A_66 : vector<512x1xi1> to vector<512x64xi1>
    %select_n3A_68 = arith.select %broadcast_in_dim3A_67, %select_n3A_62, %select_n3A_50 : vector<512x64xi1>, vector<512x64xf32>
    %get3A_69 = arith.constant 0 : index
    %get3A_70 = arith.constant 64 : index
    %get3A_71 = vector.load %arg6[%get3A_69, %get3A_70] : memref<64x256xf32, #tpu.memory_space<vmem>>, vector<64x64xf32>
    %dot_general3A_72 = arith.constant dense<0.000000e+00> : vector<64x512xf32>
    %dot_general3A_73 = tpu.matmul %get3A_71, %select_n3A_68, %dot_general3A_72 {dimension_numbers = #tpu.dot_dimension_numbers<[1], [1], [0], [0], [0, 0, 1, 0], [], []>, precision = #tpu.contract_precision<fp32>, transpose_lhs_hint = false} : vector<64x64xf32>, vector<512x64xf32>, vector<64x512xf32> -> vector<64x512xf32>
    %add3A_74 = arith.addf %add3A_35, %dot_general3A_73 : vector<64x512xf32>
    %get3A_75 = arith.constant 0 : index
    %get3A_76 = arith.constant 2 : index
    %get3A_77 = vector.load %arg5[%get3A_75, %get3A_76] : memref<512x4xi32, #tpu.memory_space<vmem>>, vector<512x1xi32>
    %eq3A_78 = arith.constant 1 : i32
    %eq3A_79 = vector.broadcast %eq3A_78 : i32 to vector<512x1xi32>
    %eq3A_80 = arith.cmpi eq, %get3A_77, %eq3A_79 : vector<512x1xi32>
    %get3A_81 = arith.constant 0 : index
    %get3A_82 = arith.constant 64 : index
    %get3A_83 = vector.load %arg3[%get3A_81, %get3A_82] : memref<512x256xf32, #tpu.memory_space<vmem>>, vector<512x64xf32>
    %get3A_84 = arith.constant 0 : index
    %get3A_85 = arith.constant 0 : index
    %get3A_86 = vector.load %arg3[%get3A_84, %get3A_85] : memref<512x256xf32, #tpu.memory_space<vmem>>, vector<512x64xf32>
    %broadcast_in_dim3A_87 = vector.shape_cast %eq3A_80 : vector<512x1xi1> to vector<512x1xi1>
    %broadcast_in_dim3A_88 = vector.broadcast %broadcast_in_dim3A_87 : vector<512x1xi1> to vector<512x64xi1>
    %select_n3A_89 = arith.select %broadcast_in_dim3A_88, %get3A_83, %get3A_86 : vector<512x64xi1>, vector<512x64xf32>
    %eq3A_90 = arith.constant 3 : i32
    %eq3A_91 = vector.broadcast %eq3A_90 : i32 to vector<512x1xi32>
    %eq3A_92 = arith.cmpi eq, %get3A_77, %eq3A_91 : vector<512x1xi32>
    %get3A_93 = arith.constant 0 : index
    %get3A_94 = arith.constant 192 : index
    %get3A_95 = vector.load %arg3[%get3A_93, %get3A_94] : memref<512x256xf32, #tpu.memory_space<vmem>>, vector<512x64xf32>
    %get3A_96 = arith.constant 0 : index
    %get3A_97 = arith.constant 128 : index
    %get3A_98 = vector.load %arg3[%get3A_96, %get3A_97] : memref<512x256xf32, #tpu.memory_space<vmem>>, vector<512x64xf32>
    %broadcast_in_dim3A_99 = vector.shape_cast %eq3A_92 : vector<512x1xi1> to vector<512x1xi1>
    %broadcast_in_dim3A_100 = vector.broadcast %broadcast_in_dim3A_99 : vector<512x1xi1> to vector<512x64xi1>
    %select_n3A_101 = arith.select %broadcast_in_dim3A_100, %get3A_95, %get3A_98 : vector<512x64xi1>, vector<512x64xf32>
    %ge3A_102 = arith.constant 2 : i32
    %ge3A_103 = vector.broadcast %ge3A_102 : i32 to vector<512x1xi32>
    %ge3A_104 = arith.cmpi sge, %get3A_77, %ge3A_103 : vector<512x1xi32>
    %broadcast_in_dim3A_105 = vector.shape_cast %ge3A_104 : vector<512x1xi1> to vector<512x1xi1>
    %broadcast_in_dim3A_106 = vector.broadcast %broadcast_in_dim3A_105 : vector<512x1xi1> to vector<512x64xi1>
    %select_n3A_107 = arith.select %broadcast_in_dim3A_106, %select_n3A_101, %select_n3A_89 : vector<512x64xi1>, vector<512x64xf32>
    %get3A_108 = arith.constant 0 : index
    %get3A_109 = arith.constant 128 : index
    %get3A_110 = vector.load %arg6[%get3A_108, %get3A_109] : memref<64x256xf32, #tpu.memory_space<vmem>>, vector<64x64xf32>
    %dot_general3A_111 = arith.constant dense<0.000000e+00> : vector<64x512xf32>
    %dot_general3A_112 = tpu.matmul %get3A_110, %select_n3A_107, %dot_general3A_111 {dimension_numbers = #tpu.dot_dimension_numbers<[1], [1], [0], [0], [0, 0, 1, 0], [], []>, precision = #tpu.contract_precision<fp32>, transpose_lhs_hint = false} : vector<64x64xf32>, vector<512x64xf32>, vector<64x512xf32> -> vector<64x512xf32>
    %add3A_113 = arith.addf %add3A_74, %dot_general3A_112 : vector<64x512xf32>
    %get3A_114 = arith.constant 0 : index
    %get3A_115 = arith.constant 3 : index
    %get3A_116 = vector.load %arg5[%get3A_114, %get3A_115] : memref<512x4xi32, #tpu.memory_space<vmem>>, vector<512x1xi32>
    %eq3A_117 = arith.constant 1 : i32
    %eq3A_118 = vector.broadcast %eq3A_117 : i32 to vector<512x1xi32>
    %eq3A_119 = arith.cmpi eq, %get3A_116, %eq3A_118 : vector<512x1xi32>
    %get3A_120 = arith.constant 0 : index
    %get3A_121 = arith.constant 64 : index
    %get3A_122 = vector.load %arg4[%get3A_120, %get3A_121] : memref<512x256xf32, #tpu.memory_space<vmem>>, vector<512x64xf32>
    %get3A_123 = arith.constant 0 : index
    %get3A_124 = arith.constant 0 : index
    %get3A_125 = vector.load %arg4[%get3A_123, %get3A_124] : memref<512x256xf32, #tpu.memory_space<vmem>>, vector<512x64xf32>
    %broadcast_in_dim3A_126 = vector.shape_cast %eq3A_119 : vector<512x1xi1> to vector<512x1xi1>
    %broadcast_in_dim3A_127 = vector.broadcast %broadcast_in_dim3A_126 : vector<512x1xi1> to vector<512x64xi1>
    %select_n3A_128 = arith.select %broadcast_in_dim3A_127, %get3A_122, %get3A_125 : vector<512x64xi1>, vector<512x64xf32>
    %eq3A_129 = arith.constant 3 : i32
    %eq3A_130 = vector.broadcast %eq3A_129 : i32 to vector<512x1xi32>
    %eq3A_131 = arith.cmpi eq, %get3A_116, %eq3A_130 : vector<512x1xi32>
    %get3A_132 = arith.constant 0 : index
    %get3A_133 = arith.constant 192 : index
    %get3A_134 = vector.load %arg4[%get3A_132, %get3A_133] : memref<512x256xf32, #tpu.memory_space<vmem>>, vector<512x64xf32>
    %get3A_135 = arith.constant 0 : index
    %get3A_136 = arith.constant 128 : index
    %get3A_137 = vector.load %arg4[%get3A_135, %get3A_136] : memref<512x256xf32, #tpu.memory_space<vmem>>, vector<512x64xf32>
    %broadcast_in_dim3A_138 = vector.shape_cast %eq3A_131 : vector<512x1xi1> to vector<512x1xi1>
    %broadcast_in_dim3A_139 = vector.broadcast %broadcast_in_dim3A_138 : vector<512x1xi1> to vector<512x64xi1>
    %select_n3A_140 = arith.select %broadcast_in_dim3A_139, %get3A_134, %get3A_137 : vector<512x64xi1>, vector<512x64xf32>
    %ge3A_141 = arith.constant 2 : i32
    %ge3A_142 = vector.broadcast %ge3A_141 : i32 to vector<512x1xi32>
    %ge3A_143 = arith.cmpi sge, %get3A_116, %ge3A_142 : vector<512x1xi32>
    %broadcast_in_dim3A_144 = vector.shape_cast %ge3A_143 : vector<512x1xi1> to vector<512x1xi1>
    %broadcast_in_dim3A_145 = vector.broadcast %broadcast_in_dim3A_144 : vector<512x1xi1> to vector<512x64xi1>
    %select_n3A_146 = arith.select %broadcast_in_dim3A_145, %select_n3A_140, %select_n3A_128 : vector<512x64xi1>, vector<512x64xf32>
    %get3A_147 = arith.constant 0 : index
    %get3A_148 = arith.constant 192 : index
    %get3A_149 = vector.load %arg6[%get3A_147, %get3A_148] : memref<64x256xf32, #tpu.memory_space<vmem>>, vector<64x64xf32>
    %dot_general3A_150 = arith.constant dense<0.000000e+00> : vector<64x512xf32>
    %dot_general3A_151 = tpu.matmul %get3A_149, %select_n3A_146, %dot_general3A_150 {dimension_numbers = #tpu.dot_dimension_numbers<[1], [1], [0], [0], [0, 0, 1, 0], [], []>, precision = #tpu.contract_precision<fp32>, transpose_lhs_hint = false} : vector<64x64xf32>, vector<512x64xf32>, vector<64x512xf32> -> vector<64x512xf32>
    %add3A_152 = arith.addf %add3A_113, %dot_general3A_151 : vector<64x512xf32>
    %max3A = arith.constant 0.000000e+00 : f32
    %max3A_153 = vector.broadcast %max3A : f32 to vector<64x512xf32>
    %max3A_154 = arith.maximumf %add3A_152, %max3A_153 : vector<64x512xf32>
    %get3A_155 = arith.constant 0 : index
    %get3A_156 = arith.constant 0 : index
    %get3A_157 = vector.load %arg8[%get3A_155, %get3A_156] : memref<64x64xf32, #tpu.memory_space<vmem>>, vector<64x64xf32>
    %dot_general3A_158 = arith.constant dense<0.000000e+00> : vector<64x512xf32>
    %dot_general3A_159 = tpu.matmul %get3A_157, %max3A_154, %dot_general3A_158 {dimension_numbers = #tpu.dot_dimension_numbers<[1], [0], [0], [1], [0, 0, 1, 1], [], []>, precision = #tpu.contract_precision<fp32>, transpose_lhs_hint = false} : vector<64x64xf32>, vector<64x512xf32>, vector<64x512xf32> -> vector<64x512xf32>
    %get3A_160 = arith.constant 0 : index
    %get3A_161 = arith.constant 0 : index
    %get3A_162 = vector.load %arg9[%get3A_160, %get3A_161] : memref<64x1xf32, #tpu.memory_space<vmem>>, vector<64x1xf32>
    %add3A_163 = vector.broadcast %get3A_162 : vector<64x1xf32> to vector<64x512xf32>
    %add3A_164 = arith.addf %dot_general3A_159, %add3A_163 : vector<64x512xf32>
    %max3A_165 = arith.constant 0.000000e+00 : f32
    %max3A_166 = vector.broadcast %max3A_165 : f32 to vector<64x512xf32>
    %max3A_167 = arith.maximumf %add3A_164, %max3A_166 : vector<64x512xf32>
    %get3A_168 = arith.constant 0 : index
    %get3A_169 = arith.constant 0 : index
    %get3A_170 = vector.load %arg10[%get3A_168, %get3A_169] : memref<32x64xf32, #tpu.memory_space<vmem>>, vector<32x64xf32>
    %dot_general3A_171 = arith.constant dense<0.000000e+00> : vector<32x512xf32>
    %dot_general3A_172 = tpu.matmul %get3A_170, %max3A_167, %dot_general3A_171 {dimension_numbers = #tpu.dot_dimension_numbers<[1], [0], [0], [1], [0, 0, 1, 1], [], []>, precision = #tpu.contract_precision<fp32>, transpose_lhs_hint = false} : vector<32x64xf32>, vector<64x512xf32>, vector<32x512xf32> -> vector<32x512xf32>
    %get3A_173 = arith.constant 0 : index
    %get3A_174 = arith.constant 0 : index
    %get3A_175 = vector.load %arg11[%get3A_173, %get3A_174] : memref<32x1xf32, #tpu.memory_space<vmem>>, vector<32x1xf32>
    %add3A_176 = vector.broadcast %get3A_175 : vector<32x1xf32> to vector<32x512xf32>
    %add3A_177 = arith.addf %dot_general3A_172, %add3A_176 : vector<32x512xf32>
    %max3A_178 = arith.constant 0.000000e+00 : f32
    %max3A_179 = vector.broadcast %max3A_178 : f32 to vector<32x512xf32>
    %max3A_180 = arith.maximumf %add3A_177, %max3A_179 : vector<32x512xf32>
    %get3A_181 = arith.constant 0 : index
    %get3A_182 = arith.constant 0 : index
    %get3A_183 = vector.load %arg12[%get3A_181, %get3A_182] : memref<32x1000xf32, #tpu.memory_space<vmem>>, vector<32x1000xf32>
    %dot_general3A_184 = arith.constant dense<0.000000e+00> : vector<1000x512xf32>
    %dot_general3A_185 = tpu.matmul %get3A_183, %max3A_180, %dot_general3A_184 {dimension_numbers = #tpu.dot_dimension_numbers<[0], [0], [1], [1], [0, 1, 1, 1], [], []>, precision = #tpu.contract_precision<fp32>, transpose_lhs_hint = false} : vector<32x1000xf32>, vector<32x512xf32>, vector<1000x512xf32> -> vector<1000x512xf32>
    %get3A_186 = arith.constant 0 : index
    %get3A_187 = arith.constant 0 : index
    %get3A_188 = vector.load %arg13[%get3A_186, %get3A_187] : memref<1000x1xf32, #tpu.memory_space<vmem>>, vector<1000x1xf32>
    %add3A_189 = vector.broadcast %get3A_188 : vector<1000x1xf32> to vector<1000x512xf32>
    %add3A_190 = arith.addf %dot_general3A_185, %add3A_189 : vector<1000x512xf32>
    %reduce_max3A = arith.constant dense<0xFF800000> : vector<512xf32>
    %reduce_max3A_191 = vector.multi_reduction <maximumf>, %add3A_190, %reduce_max3A [0] : vector<1000x512xf32> to vector<512xf32>
    %broadcast_in_dim3A_192 = vector.shape_cast %reduce_max3A_191 : vector<512xf32> to vector<1x512xf32>
    %sub3A = vector.broadcast %broadcast_in_dim3A_192 : vector<1x512xf32> to vector<1000x512xf32>
    %sub3A_193 = arith.subf %add3A_190, %sub3A : vector<1000x512xf32>
    %exp3A = math.exp %sub3A_193 : vector<1000x512xf32>
    %reduce_sum3A = arith.constant dense<0.000000e+00> : vector<512xf32>
    %reduce_sum3A_194 = vector.multi_reduction <add>, %exp3A, %reduce_sum3A [0] : vector<1000x512xf32> to vector<512xf32>
    %broadcast_in_dim3A_195 = vector.shape_cast %reduce_sum3A_194 : vector<512xf32> to vector<1x512xf32>
    %log3A = math.log %broadcast_in_dim3A_195 : vector<1x512xf32>
    %add3A_196 = arith.addf %log3A, %broadcast_in_dim3A_192 : vector<1x512xf32>
    %sub3A_197 = vector.broadcast %add3A_196 : vector<1x512xf32> to vector<1000x512xf32>
    %sub3A_198 = arith.subf %add3A_190, %sub3A_197 : vector<1000x512xf32>
    %swap3A = arith.constant 0 : index
    %swap3A_199 = arith.constant 0 : index
    %swap3A_200 = vector.load %arg18[%swap3A, %swap3A_199] : memref<1000x512xf32, #tpu.memory_space<vmem>>, vector<1000x512xf32>
    tpu.vector_store %arg18[%swap3A, %swap3A_199], %sub3A_198 {strides = array<i32>} : memref<1000x512xf32, #tpu.memory_space<vmem>>, vector<1000x512xf32>,
    %get3A_201 = arith.constant 0 : index
    %get3A_202 = arith.constant 0 : index
    %get3A_203 = vector.load %arg14[%get3A_201, %get3A_202] : memref<32x64xf32, #tpu.memory_space<vmem>>, vector<32x64xf32>
    %dot_general3A_204 = arith.constant dense<0.000000e+00> : vector<32x512xf32>
    %dot_general3A_205 = tpu.matmul %get3A_203, %max3A_167, %dot_general3A_204 {dimension_numbers = #tpu.dot_dimension_numbers<[1], [0], [0], [1], [0, 0, 1, 1], [], []>, precision = #tpu.contract_precision<fp32>, transpose_lhs_hint = false} : vector<32x64xf32>, vector<64x512xf32>, vector<32x512xf32> -> vector<32x512xf32>
    %get3A_206 = arith.constant 0 : index
    %get3A_207 = arith.constant 0 : index
    %get3A_208 = vector.load %arg15[%get3A_206, %get3A_207] : memref<32x1xf32, #tpu.memory_space<vmem>>, vector<32x1xf32>
    %add3A_209 = vector.broadcast %get3A_208 : vector<32x1xf32> to vector<32x512xf32>
    %add3A_210 = arith.addf %dot_general3A_205, %add3A_209 : vector<32x512xf32>
    %max3A_211 = arith.constant 0.000000e+00 : f32
    %max3A_212 = vector.broadcast %max3A_211 : f32 to vector<32x512xf32>
    %max3A_213 = arith.maximumf %add3A_210, %max3A_212 : vector<32x512xf32>
    %get3A_214 = arith.constant 0 : index
    %get3A_215 = arith.constant 0 : index
    %get3A_216 = vector.load %arg16[%get3A_214, %get3A_215] : memref<32x1xf32, #tpu.memory_space<vmem>>, vector<32x1xf32>
    %mul3A = vector.broadcast %get3A_216 : vector<32x1xf32> to vector<32x512xf32>
    %mul3A_217 = arith.mulf %max3A_213, %mul3A : vector<32x512xf32>
    %reduce_sum3A_218 = arith.constant dense<0.000000e+00> : vector<512xf32>
    %reduce_sum3A_219 = vector.multi_reduction <add>, %mul3A_217, %reduce_sum3A_218 [0] : vector<32x512xf32> to vector<512xf32>
    %broadcast_in_dim3A_220 = vector.shape_cast %reduce_sum3A_219 : vector<512xf32> to vector<1x512xf32>
    %get3A_221 = arith.constant 0 : index
    %get3A_222 = arith.constant 0 : index
    %get3A_223 = vector.load %arg17[%get3A_221, %get3A_222] : memref<1x1xf32, #tpu.memory_space<vmem>>, vector<1x1xf32>
    %add3A_224 = vector.broadcast %get3A_223 : vector<1x1xf32> to vector<1x512xf32>
    %add3A_225 = arith.addf %broadcast_in_dim3A_220, %add3A_224 : vector<1x512xf32>
    %tanh3A = math.tanh %add3A_225 : vector<1x512xf32>
    %swap3A_226 = arith.constant 0 : index
    %swap3A_227 = arith.constant 0 : index
    %swap3A_228 = vector.load %arg19[%swap3A_226, %swap3A_227] : memref<1x512xf32, #tpu.memory_space<vmem>>, vector<1x512xf32>
    tpu.vector_store %arg19[%swap3A_226, %swap3A_227], %tanh3A {strides = array<i32>} : memref<1x512xf32, #tpu.memory_space<vmem>>, vector<1x512xf32>,
    return
  }
  func.func @transform_0(%arg0: i32) -> (i32, i32) {
    %c0_i32 = arith.constant 0 : i32
    %c0_i32_0 = arith.constant 0 : i32
    return %arg0, %c0_i32 : i32, i32
  }
  func.func @transform_1(%arg0: i32) -> (i32, i32) {
    %c0_i32 = arith.constant 0 : i32
    %c0_i32_0 = arith.constant 0 : i32
    return %arg0, %c0_i32 : i32, i32
  }
  func.func @transform_2(%arg0: i32) -> (i32, i32) {
    %c0_i32 = arith.constant 0 : i32
    %c0_i32_0 = arith.constant 0 : i32
    return %arg0, %c0_i32 : i32, i32
  }
  func.func @transform_3(%arg0: i32) -> (i32, i32) {
    %c0_i32 = arith.constant 0 : i32
    %c0_i32_0 = arith.constant 0 : i32
    return %arg0, %c0_i32 : i32, i32
  }
  func.func @transform_4(%arg0: i32) -> (i32, i32) {
    %c0_i32 = arith.constant 0 : i32
    %c0_i32_0 = arith.constant 0 : i32
    return %arg0, %c0_i32 : i32, i32
  }
  func.func @transform_5(%arg0: i32) -> (i32, i32) {
    %c0_i32 = arith.constant 0 : i32
    %c0_i32_0 = arith.constant 0 : i32
    %c0_i32_1 = arith.constant 0 : i32
    return %c0_i32, %c0_i32_0 : i32, i32
  }
  func.func @transform_6(%arg0: i32) -> (i32, i32) {
    %c0_i32 = arith.constant 0 : i32
    %c0_i32_0 = arith.constant 0 : i32
    %c0_i32_1 = arith.constant 0 : i32
    return %c0_i32, %c0_i32_0 : i32, i32
  }
  func.func @transform_7(%arg0: i32) -> (i32, i32) {
    %c0_i32 = arith.constant 0 : i32
    %c0_i32_0 = arith.constant 0 : i32
    %c0_i32_1 = arith.constant 0 : i32
    return %c0_i32, %c0_i32_0 : i32, i32
  }
  func.func @transform_8(%arg0: i32) -> (i32, i32) {
    %c0_i32 = arith.constant 0 : i32
    %c0_i32_0 = arith.constant 0 : i32
    %c0_i32_1 = arith.constant 0 : i32
    return %c0_i32, %c0_i32_0 : i32, i32
  }
  func.func @transform_9(%arg0: i32) -> (i32, i32) {
    %c0_i32 = arith.constant 0 : i32
    %c0_i32_0 = arith.constant 0 : i32
    %c0_i32_1 = arith.constant 0 : i32
    return %c0_i32, %c0_i32_0 : i32, i32
  }
  func.func @transform_10(%arg0: i32) -> (i32, i32) {
    %c0_i32 = arith.constant 0 : i32
    %c0_i32_0 = arith.constant 0 : i32
    %c0_i32_1 = arith.constant 0 : i32
    return %c0_i32, %c0_i32_0 : i32, i32
  }
  func.func @transform_11(%arg0: i32) -> (i32, i32) {
    %c0_i32 = arith.constant 0 : i32
    %c0_i32_0 = arith.constant 0 : i32
    %c0_i32_1 = arith.constant 0 : i32
    return %c0_i32, %c0_i32_0 : i32, i32
  }
  func.func @transform_12(%arg0: i32) -> (i32, i32) {
    %c0_i32 = arith.constant 0 : i32
    %c0_i32_0 = arith.constant 0 : i32
    %c0_i32_1 = arith.constant 0 : i32
    return %c0_i32, %c0_i32_0 : i32, i32
  }
  func.func @transform_13(%arg0: i32) -> (i32, i32) {
    %c0_i32 = arith.constant 0 : i32
    %c0_i32_0 = arith.constant 0 : i32
    %c0_i32_1 = arith.constant 0 : i32
    return %c0_i32, %c0_i32_0 : i32, i32
  }
  func.func @transform_14(%arg0: i32) -> (i32, i32) {
    %c0_i32 = arith.constant 0 : i32
    %c0_i32_0 = arith.constant 0 : i32
    %c0_i32_1 = arith.constant 0 : i32
    return %c0_i32, %c0_i32_0 : i32, i32
  }
  func.func @transform_15(%arg0: i32) -> (i32, i32) {
    %c0_i32 = arith.constant 0 : i32
    %c0_i32_0 = arith.constant 0 : i32
    %c0_i32_1 = arith.constant 0 : i32
    return %c0_i32, %c0_i32_0 : i32, i32
  }
  func.func @transform_16(%arg0: i32) -> (i32, i32) {
    %c0_i32 = arith.constant 0 : i32
    %c0_i32_0 = arith.constant 0 : i32
    %c0_i32_1 = arith.constant 0 : i32
    return %c0_i32, %c0_i32_0 : i32, i32
  }
  func.func @transform_17(%arg0: i32) -> (i32, i32) {
    %c0_i32 = arith.constant 0 : i32
    %c0_i32_0 = arith.constant 0 : i32
    return %c0_i32, %arg0 : i32, i32
  }
  func.func @transform_18(%arg0: i32) -> (i32, i32) {
    %c0_i32 = arith.constant 0 : i32
    %c0_i32_0 = arith.constant 0 : i32
    return %c0_i32, %arg0 : i32, i32
  }
}

</mosaic_0001>

<sc_bundles>
// kernel: kernel.8.cloned.1.call-start
scs
__scs_entry_jumppad:
0x0: {  	(pc) =	sbr.rel $0x88, $3  }
0x1: {  	(tag) =	ssettag $0x0;
	lr =	simm.s32 $0x1  }
0x2: {  	[smem:$0x3F8F] =	sst lr;
	_ =	strace $0xD0000000  }
0x3: {  	_ = 	snop  }
0x4: {  	_ = 	snop  }
0x5: {  	_ = 	snop  }
0x6: {  	_ = 	snop  }
0x7: {  	_ = 	snop  }
__scs_overlays_trampoline_lowered:
0x8: {  	[smem:$0x3F9E] =	sst s0  }
0x9: {  	[smem:$0x3F9F] =	sst s1  }
0xa: {  	[smem:$0x3FA0] =	sst s2  }
0xb: {  	[smem:$0x3FA1] =	sst s3  }
0xc: {  	[smem:$0x3FA2] =	sst s4  }
0xd: {  	[smem:$0x3FA3] =	sst s5  }
0xe: {  	[smem:$0x3FA4] =	sst s6  }
0xf: {  	[smem:$0x3FA5] =	sst s7  }
0x10: {  	[smem:$0x3FA6] =	sst s8  }
0x11: {  	[smem:$0x3FA7] =	sst s9;
	s0 =	simm.s32 @!p0 $0x0  }
0x12: {  	s1 =	sld [smem:$0x3F8D];
	s0 =	simm.s32 @p0 $0x1  }
0x13: {  	[smem:$0x3FA8] =	sst s0;
	s0 =	simm.s32 @!p1 $0x0  }
0x14: {  	s2 =	sld [smem:$0x3F8C];
	s0 =	simm.s32 @p1 $0x1  }
0x15: {  	[smem:$0x3FA9] =	sst s0;
	s0 =	simm.s32 @!p2 $0x0  }
0x16: {  	s3 =	sld [smem:$0x3FDB];
	s0 =	simm.s32 @p2 $0x1  }
0x17: {  	s4 =	simm.s32 $0x1BF5;
	[smem:$0x3FAB] =	sst s0  }
0x18: {  	s0 =	sld [smem:$0x3F8E];
	_ =	swait.ge [sflag:s4], $0x0  }
0x19: {  	s7 =	sld [smem:$0x3F8F]  }
0x1a: {  	s8 =	sadd.s32 $0xFFFFE003, lr  }
0x1b: {  	s9 =	sadd.s32 $0xFFFFFEF7, lr;
	s5 =	simm.s32 $0xFFFFFFFF;
	p2 =	slt.u32 s8, $0xFFFFF086  }
0x1c: {  	p1 =	slt.u32 s9, $0xF7A;
	s5 =	simm.s32 @!p2 $0x0  }
0x1d: {  	s5 =	simm.s32 @p1 $0x1;
	p0 =	seq.s32 s7, s2  }
0x1e: {  	s7 =	smul.u32 @!p0 $0xF7A, s2;
	p2 =	seq.s32 @!p0 s5, $0x0  }
0x1f: {  	s9 =	smul.u32 $0xF7A, s1;
	s8 =	simm.s32 @!p0 $0x1BF5;
	p2 =	por !p2, p0  }
0x20: {  	[sflag:s8] =	ssyncset.s32 @!p0 $0xFFFFF086;
	s6 =	sadd.s32 @!p0 s3, s7;
	s7 =	simm.s32 @!p0 $0x108  }
0x21: {  	s3 =	sadd.s32 s3, s9;
	s6 =	sadd.s32 @!p0 $0x88, s6;
	s7 =	simm.s32 @p2 $0x1082  }
0x22: {  	[simem:s7], [sflag:s8] =	dma.local @!p0 [hbm:s6], $0xF7A  }
0x23: {  	s9 =	sor.u32 $0xD0000000, s2;
	s6 =	simm.s32 $0x108;
	_ =	swait.ge @!p0 [sflag:s8], $0x0  }
0x24: {  	s3 =	sadd.s32 $0x88, s3;
	s6 =	simm.s32 @!p1 $0x1082;
	[sflag:s4] =	ssyncset.s32 $0xFFFFF086  }
0x25: {  	[simem:s6], [sflag:s4] =	dma.local [hbm:s3], $0xF7A  }
0x26: {  	[smem:$0x3F8F] =	sst s1;
	(tag) =	ssettag s2;
	_ =	strace s9  }
0x27: {  	s1 =	sld [smem:$0x3F9F]  }
0x28: {  	s2 =	sld [smem:$0x3FA0]  }
0x29: {  	s4 =	sld [smem:$0x3FA2]  }
0x2a: {  	p0 =	seq.s32 s5, $0x0;
	s5 =	sld [smem:$0x3FA3]  }
0x2b: {  	s6 =	sld [smem:$0x3FA4]  }
0x2c: {  	s7 =	sld [smem:$0x3FA5]  }
0x2d: {  	s3 =	simm.s32 $0x108;
	s8 =	sld [smem:$0x3FA6]  }
0x2e: {  	s3 =	simm.s32 @!p0 $0x1082;
	s9 =	sld [smem:$0x3FA7]  }
0x2f: {  	lr =	sadd.s32 s0, s3;
	s0 =	sld [smem:$0x3F9E]  }
0x30: {  	s3 =	sld [smem:$0x3FA1]  }
0x31: {  	[smem:$0x3FAA] =	sst s10  }
0x32: {  	s10 =	sld [smem:$0x3FA8];
	_ =	sdelay $0x3  }
0x33: {  	p0 =	seq.s32 s10, $0x1;
	s10 =	sld [smem:$0x3FAA];
	_ =	sdelay $0x3  }
0x34: {  	[smem:$0x3FAA] =	sst s10  }
0x35: {  	s10 =	sld [smem:$0x3FA9];
	_ =	sdelay $0x3  }
0x36: {  	p1 =	seq.s32 s10, $0x1;
	s10 =	sld [smem:$0x3FAA];
	_ =	sdelay $0x3  }
0x37: {  	[smem:$0x3FAA] =	sst s10  }
0x38: {  	s10 =	sld [smem:$0x3FAB]  }
0x39: {  	_ = 	snop;
	(pc) =	sbr.ind lr, $3  }
0x3a: {  	_ = 	snop  }
0x3b: {  	_ = 	snop  }
0x3c: {  	p2 =	seq.s32 s10, $0x1;
	s10 =	sld [smem:$0x3FAA]  }
0x3d: {  	_ =	shalt  }
0x3e: {  	_ =	shalt  }
0x3f: {  	_ =	shalt  }
0x40: {  	_ =	shalt  }
0x41: {  	_ =	shalt  }
0x42: {  	_ =	shalt  }
0x43: {  	_ =	shalt  }
0x44: {  	_ =	shalt  }
0x45: {  	_ =	shalt  }
0x46: {  	_ =	shalt  }
0x47: {  	_ =	shalt  }
0x48: {  	_ =	shalt  }
0x49: {  	_ =	shalt  }
0x4a: {  	_ =	shalt  }
0x4b: {  	_ =	shalt  }
0x4c: {  	_ =	shalt  }
0x4d: {  	_ =	shalt  }
0x4e: {  	_ =	shalt  }
0x4f: {  	_ =	shalt  }
0x50: {  	_ =	shalt  }
0x51: {  	_ =	shalt  }
0x52: {  	_ =	shalt  }
0x53: {  	_ =	shalt  }
0x54: {  	_ =	shalt  }
0x55: {  	_ =	shalt  }
0x56: {  	_ =	shalt  }
0x57: {  	_ =	shalt  }
0x58: {  	_ =	shalt  }
0x59: {  	_ =	shalt  }
0x5a: {  	_ =	shalt  }
0x5b: {  	_ =	shalt  }
0x5c: {  	_ =	shalt  }
0x5d: {  	_ =	shalt  }
0x5e: {  	_ =	shalt  }
0x5f: {  	_ =	shalt  }
0x60: {  	_ =	shalt  }
0x61: {  	_ =	shalt  }
0x62: {  	_ =	shalt  }
0x63: {  	_ =	shalt  }
0x64: {  	_ =	shalt  }
0x65: {  	_ =	shalt  }
0x66: {  	_ =	shalt  }
0x67: {  	_ =	shalt  }
0x68: {  	_ =	shalt  }
0x69: {  	_ =	shalt  }
0x6a: {  	_ =	shalt  }
0x6b: {  	_ =	shalt  }
0x6c: {  	_ =	shalt  }
0x6d: {  	_ =	shalt  }
0x6e: {  	_ =	shalt  }
0x6f: {  	_ =	shalt  }
0x70: {  	_ =	shalt  }
0x71: {  	_ =	shalt  }
0x72: {  	_ =	shalt  }
0x73: {  	_ =	shalt  }
0x74: {  	_ =	shalt  }
0x75: {  	_ =	shalt  }
0x76: {  	_ =	shalt  }
0x77: {  	_ =	shalt  }
0x78: {  	_ =	shalt  }
0x79: {  	_ =	shalt  }
0x7a: {  	_ =	shalt  }
0x7b: {  	_ =	shalt  }
0x7c: {  	_ =	shalt  }
0x7d: {  	_ =	shalt  }
0x7e: {  	_ =	shalt  }
0x7f: {  	_ =	shalt  }
0x80: {  	_ =	shalt  }
0x81: {  	_ =	shalt  }
0x82: {  	_ =	shalt  }
0x83: {  	_ =	shalt  }
0x84: {  	_ =	shalt  }
0x85: {  	_ =	shalt  }
0x86: {  	_ =	shalt  }
0x87: {  	_ =	shalt  }
.Lfunc_end0:
.L_simem_size_0:
called_computation_lowered:
.L_overlay_start_0:
0x88: {  	s2 =	sld [smem:$0x3FD9]  }
0x89: {  	s3 =	sld [smem:$0x3FFE];
	_ =	sdelay $0x1  }
0x8a: {  	s1 =	srdreg.scid  }
0x8b: {  	s0 =	sand.u32 $0x1, s1  }
0x8c: {  	s16 =	sshll.u32 s0, $0xA;
	s2 =	sadd.s32 s3, s2  }
0x8d: {  	s2 =	sadd.s32 s2, s16  }
0x8e: {  	[smem:$0x3FB6] =	sst s2  }
0x8f: {  	_ = 	snop  }
0x90: {  	(tm) =	ssettm $0x1  }
0x91: {  	s17 =	sld [smem:$0x3FFB];
	_ =	sdelay $0x3  }
0x92: {  	_ =	strace s17  }
0x93: {  	s2 =	sld [smem:$0x3FFC];
	_ =	sdelay $0x3  }
0x94: {  	_ =	strace s2  }
0x95: {  	s2 =	sld [smem:$0x3FFD];
	_ =	sdelay $0x3  }
0x96: {  	_ =	strace s2  }
0x97: {  	_ =	strace $0x8FFFFFFF  }
0x98: {  	s18 =	sld [smem:$0x3FDB];
	_ =	sdelay $0x1  }
0x99: {  	s19 =	simm.s32 $_scs_section_size  }
0x9a: {  	s4 =	simm.s32 $_size__tile_overlayer_lowered;
	s5 =	simm.s32 $_tile_overlayer_lowered  }
0x9b: {  	s22 =	simm.s32 $0x1BFF;
	s21 =	sshll.u32 s5, $0x1;
	s2 =	sadd.s32 s19, s18  }
0x9c: {  	s6 =	simm.s32 $0x0;
	s20 =	sshll.u32 s4, $0x1;
	s4 =	sadd.s32 s21, s2  }
0x9d: {  	[timem:s6], [sflag:s22] =	dma.local [hbm:s4], s20  }
0x9e: {  	_ =	swait.ge [sflag:s22], s20  }
0x9f: {  	s3 =	ssub.s32 $0x0, s20;
	[sflag:s22] =	ssyncset.done $0x0  }
0xa0: {  	[sflag:s22] =	ssyncadd.s32 s3;
	_ =	sdelay $0x1  }
0xa1: {  	s23 =	simm.s32 $0x1B8B  }
0xa2: {  	_ =	swait.ge [sflag:s23], $0x1  }
0xa3: {  	[sflag:s23] =	ssyncset.done $0x0  }
0xa4: {  	s25 =	simm.s32 $0x1B8E;
	s24 =	sld [smem:$0x3FFE];
	[sflag:s23] =	ssyncadd.s32 $0xFFFFFFFF  }
0xa5: {  	s26 =	simm.s32 $execute0_lowered;
	[smem:$0x3FD2] =	sst s25  }
0xa6: {  	s4 =	sshll.u32 s26, $0x1;
	_ =	strace $0x80000046;
	[dreg:$0x1] =	wrdreg $0xFFFFFFFF  }
0xa7: {  	s28 =	simm.s32 $_size_execute0_lowered;
	s2 =	sadd.s32 s2, s4;
	[dreg:$0x0] =	wrdreg $0x0  }
0xa8: {  	s4 =	sshll.u32 s28, $0x1;
	[dreg:$0x2] =	wrdreg s2  }
0xa9: {  	[dreg:$0x3] =	wrdreg s4  }
0xaa: {  	[dreg:$0x4] =	wrdreg $0xC0  }
0xab: {  	_ =	task [dreg:s6], $0x5FFFF  }
0xac: {  	[dreg:$0x1] =	wrdreg $0xFFFFFFFF  }
0xad: {  	[dreg:$0x0] =	wrdreg $0x60  }
0xae: {  	[dreg:$0x2] =	wrdreg s24  }
0xaf: {  	[dreg:$0x3] =	wrdreg $0x9  }
0xb0: {  	_ =	task.clear_ibuf [dreg:s6], $0x4FFFF;
	_ =	strace $0x90000046  }
0xb1: {  	s29 =	simm.s32 $0x9;
	_ =	strace $0x80000048  }
0xb2: {  	_ =	swait.ge [sflag:s29], $0x1  }
0xb3: {  	[sflag:s29] =	ssyncadd.s32 $0xFFFFFFFF  }
0xb4: {  	_ =	strace $0x90000048  }
0xb5: {  	_ =	sfence  }
0xb6: {  	s30 =	sld [smem:$0x0];
	_ =	sdelay $0x2  }
0xb7: {  	s31 =	sshll.u32 s1, $0xD;
	s1 =	sshrl.u32 s1, $0x2  }
0xb8: {  	s3 =	sand.u32 $0x4000, s31;
	s1 =	sadd.s32 s1, s30  }
0xb9: {  	s0 =	sor.u32 s3, s0;
	s1 =	sshll.u32 s1, $0x11  }
0xba: {  	s0 =	sor.u32 s1, s0  }
0xbb: {  	s0 =	sadd.s32 $0x8F2B, s0  }
0xbc: {  	[sflag:s0] =	ssyncadd.remote.s32 $0x1  }
0xbd: {  	_ =	sfence.sel $0xFFFF  }
0xbe: {  	[dreg:$0x0] =	wrdreg $0xFFFFFFFF;
	(pc) =	sbr.abs _section_cstart, $3  }
0xbf: {  	[dreg:$0x1] =	wrdreg $0xFFFFFFFF  }
0xc0: {  	_ =	task.clear_ibuf [dreg:s6], $0x2FFFF;
	_ =	strace $0x9FFFFFFF  }
0xc1: {  	(tm) =	ssettm $0x7FFFFFFF  }
tec
execute0_lowered:
.L_overlay_start_1:
0x0: {  	(tag) =	ssettag $0x1  }
0x1: {  	s0 =	srdreg.scid;
	s2 =	stileid.u32  }
0x2: {  	s1 =	rddreg [dreg:$0x0];
	s0 =	sand.u32 $0x1, s0;
	s3 =	sshll.u32 s2, $0x1  }
0x3: {  	s5 =	sadd.s32 $0x1704800, s1;
	s18 =	sadd.s32 $0x1784800, s1;
	s3 =	sor.u32 s0, s3  }
0x4: {  	s2 =	simm.s32 $0x0;
	s6 =	sadd.s32 $0x1804800, s1;
	s7 =	sshll.u32 s3, $0xE  }
0x5: {  	[smem:$0x7FF] =	sst s2;
	s4 =	sshll.u32 s3, $0x8;
	s3 =	sadd.s32 s5, s7  }
0x6: {  	_ =	strace $0x80000047;
	s20 =	sadd.s32 s18, s7;
	[dreg:$0x3] =	wrdreg s3  }
0x7: {  	s12 =	sadd.s32 $0x1884800, s1;
	s23 =	sadd.s32 s6, s7;
	[dreg:$0x7] =	wrdreg s20  }
0x8: {  	s4 =	sadd.s32 s4, s1;
	s26 =	sadd.s32 s12, s7;
	[dreg:$0xb] =	wrdreg s23  }
0x9: {  	s8 =	sor.u32 $0x1000, s7;
	s4 =	sadd.s32 $0x2800, s4;
	[dreg:$0xf] =	wrdreg s26  }
0xa: {  	s9 =	sor.u32 $0x2000, s7;
	s16 =	sadd.s32 s5, s8;
	[dreg:$0x2] =	wrdreg s4  }
0xb: {  	s10 =	sor.u32 $0x3000, s7;
	s17 =	sadd.s32 s5, s9;
	[dreg:$0x4] =	wrdreg s16  }
0xc: {  	s0 =	ssub.s32 $0x2, s0;
	s19 =	sadd.s32 s5, s10;
	[dreg:$0x5] =	wrdreg s17  }
0xd: {  	s29 =	sshrl.u32 s0, $0x1;
	s21 =	sadd.s32 s18, s8;
	[dreg:$0x6] =	wrdreg s19  }
0xe: {  	s0 =	ssub.s32 s0, s29;
	s22 =	sadd.s32 s18, s9;
	[dreg:$0x8] =	wrdreg s21  }
0xf: {  	s3 =	sadd.s32 $0x16FC800, s1;
	s11 =	sadd.s32 s6, s8;
	[dreg:$0x9] =	wrdreg s22  }
0x10: {  	s5 =	sadd.s32 $0x7AC800, s1;
	s24 =	sadd.s32 s6, s9;
	[dreg:$0xc] =	wrdreg s11  }
0x11: {  	s25 =	sadd.s32 s6, s10;
	s6 =	sadd.s32 $0xF54800, s1;
	[dreg:$0xd] =	wrdreg s24  }
0x12: {  	s28 =	sadd.s32 s12, s8;
	s30 =	sadd.s32 s12, s9;
	[dreg:$0xe] =	wrdreg s25  }
0x13: {  	s31 =	sadd.s32 s12, s10;
	s0 =	smax.u32 s0, $0x1;
	[dreg:$0x10] =	wrdreg s28  }
0x14: {  	v2 =	vlaneseq.u32;
	s8 =	simm.s32 $0x2;
	s9 =	simm.s32 $0x800;
	[dreg:$0x11] =	wrdreg s30  }
0x15: {  	vm0 =	vmmov $0xffff;
	v1 =	vshrl.u32 v2, $0x3;
	s4 =	sadd.s32 s18, s10;
	[dreg:$0x12] =	wrdreg s31;
	s25 =	simm.s32 $0x8800  }
0x16: {  	v0 =	vand.u32 $0x7, v2;
	v2 =	vor.u32 $0x8, v2;
	v1 =	vmul.u32 $0x8, v1;
	s18 =	simm.s32 $0x1;
	[dreg:$0xa] =	wrdreg s4;
	s4 =	sadd.s32 $0x4800, s1  }
.LBB2_1:
0x17: {  	[dreg:$0x13] =	wrdreg s0  }
0x18: {  	s19 =	rddreg [dreg:$0x2]  }
0x19: {  	[tilespmem:s2], [sflag:$0x2] =	stream.linear.gather [hbm4b:s19+s2], $0x800, $0x38;
	[tilespmem:$0x10800] =	vst v63  }
0x1a: {  	_ =	swait.ge [sflag:s8], $0x800  }
0x1b: {  	[sflag:s8] =	ssyncset.done $0x0  }
0x1c: {  	[sflag:s8] =	ssyncadd.s32 $0xFFFFF800  }
0x1d: {  	v3 =	vld [tilespmem:$0x0];
	_ =	sdelay $0x4  }
0x1e: {  	v4 =	vshll.u32 v3, $0x1  }
0x1f: {  	v3 =	vand.u32 $0x7, v3;
	v4 =	vand.u32 $0xFFFFFFF0, v4  }
0x20: {  	v3 =	vor.u32 v3, v4  }
0x21: {  	v4 =	vperm.xlane v3, v0;
	_ =	sdelay $0x1  }
0x22: {  	v3 =	vperm.xlane v3, v2;
	v4 =	vadd.s32 v1, v4;
	_ =	sdelay $0x1  }
0x23: {  	v3 =	vadd.s32 v1, v3;
	_ =	sdelay $0x2  }
0x24: {  	[tilespmem:s9], [sflag:$0x1] =	stream.indirect_vreg.gather [hbm4b:s3+s2], $0x80, v4, vm0, $0xb8;
	[tilespmem:$0x10800] =	vst v63  }
0x25: {  	s21 =	simm.s32 $0x1000  }
0x26: {  	[tilespmem:s21], [sflag:$0x1] =	stream.indirect_vreg.gather [hbm4b:s3+s2], $0x80, v3, vm0, $0xb8;
	[tilespmem:$0x10800] =	vst v63  }
0x27: {  	v3 =	vld [tilespmem:$0x10];
	_ =	sdelay $0x4  }
0x28: {  	v49 =	vshll.u32 v3, $0x1  }
0x29: {  	v3 =	vand.u32 $0x7, v3;
	v4 =	vand.u32 $0xFFFFFFF0, v49  }
0x2a: {  	v3 =	vor.u32 v3, v4  }
0x2b: {  	v4 =	vperm.xlane v3, v0;
	_ =	sdelay $0x1  }
0x2c: {  	v3 =	vperm.xlane v3, v2;
	v4 =	vadd.s32 v1, v4;
	_ =	sdelay $0x1  }
0x2d: {  	v3 =	vadd.s32 v1, v3;
	_ =	sdelay $0x1  }
0x2e: {  	s22 =	simm.s32 $0x1800  }
0x2f: {  	[tilespmem:s22], [sflag:$0x1] =	stream.indirect_vreg.gather [hbm4b:s3+s2], $0x80, v4, vm0, $0xb8;
	[tilespmem:$0x10800] =	vst v63  }
0x30: {  	s23 =	simm.s32 $0x2000  }
0x31: {  	[tilespmem:s23], [sflag:$0x1] =	stream.indirect_vreg.gather [hbm4b:s3+s2], $0x80, v3, vm0, $0xb8;
	[tilespmem:$0x10800] =	vst v63  }
0x32: {  	v3 =	vld [tilespmem:$0x20];
	_ =	sdelay $0x4  }
0x33: {  	v50 =	vshll.u32 v3, $0x1  }
0x34: {  	v3 =	vand.u32 $0x7, v3;
	v4 =	vand.u32 $0xFFFFFFF0, v50  }
0x35: {  	v3 =	vor.u32 v3, v4  }
0x36: {  	v4 =	vperm.xlane v3, v0;
	_ =	sdelay $0x1  }
0x37: {  	v3 =	vperm.xlane v3, v2;
	v4 =	vadd.s32 v1, v4;
	_ =	sdelay $0x1  }
0x38: {  	v3 =	vadd.s32 v1, v3;
	_ =	sdelay $0x1  }
0x39: {  	s26 =	simm.s32 $0x2800  }
0x3a: {  	[tilespmem:s26], [sflag:$0x1] =	stream.indirect_vreg.gather [hbm4b:s3+s2], $0x80, v4, vm0, $0xb8;
	[tilespmem:$0x10800] =	vst v63  }
0x3b: {  	s28 =	simm.s32 $0x3000  }
0x3c: {  	[tilespmem:s28], [sflag:$0x1] =	stream.indirect_vreg.gather [hbm4b:s3+s2], $0x80, v3, vm0, $0xb8;
	[tilespmem:$0x10800] =	vst v63  }
0x3d: {  	v3 =	vld [tilespmem:$0x30];
	_ =	sdelay $0x4  }
0x3e: {  	v51 =	vshll.u32 v3, $0x1  }
0x3f: {  	v3 =	vand.u32 $0x7, v3;
	v4 =	vand.u32 $0xFFFFFFF0, v51  }
0x40: {  	v3 =	vor.u32 v3, v4  }
0x41: {  	v4 =	vperm.xlane v3, v0;
	_ =	sdelay $0x1  }
0x42: {  	v3 =	vperm.xlane v3, v2;
	v4 =	vadd.s32 v1, v4;
	_ =	sdelay $0x1  }
0x43: {  	v3 =	vadd.s32 v1, v3;
	_ =	sdelay $0x1  }
0x44: {  	s29 =	simm.s32 $0x3800  }
0x45: {  	[tilespmem:s29], [sflag:$0x1] =	stream.indirect_vreg.gather [hbm4b:s3+s2], $0x80, v4, vm0, $0xb8;
	[tilespmem:$0x10800] =	vst v63  }
0x46: {  	s31 =	simm.s32 $0x4000  }
0x47: {  	[tilespmem:s31], [sflag:$0x1] =	stream.indirect_vreg.gather [hbm4b:s3+s2], $0x80, v3, vm0, $0xb8;
	[tilespmem:$0x10800] =	vst v63  }
0x48: {  	v3 =	vld [tilespmem:$0x40];
	_ =	sdelay $0x4  }
0x49: {  	v52 =	vshll.u32 v3, $0x1  }
0x4a: {  	v3 =	vand.u32 $0x7, v3;
	v4 =	vand.u32 $0xFFFFFFF0, v52  }
0x4b: {  	v3 =	vor.u32 v3, v4  }
0x4c: {  	v4 =	vperm.xlane v3, v0;
	_ =	sdelay $0x1  }
0x4d: {  	v3 =	vperm.xlane v3, v2;
	v4 =	vadd.s32 v1, v4;
	_ =	sdelay $0x1  }
0x4e: {  	v3 =	vadd.s32 v1, v3;
	_ =	sdelay $0x1  }
0x4f: {  	s1 =	simm.s32 $0x4800  }
0x50: {  	[tilespmem:s1], [sflag:$0x1] =	stream.indirect_vreg.gather [hbm4b:s3+s2], $0x80, v4, vm0, $0xb8;
	[tilespmem:$0x10800] =	vst v63  }
0x51: {  	s7 =	simm.s32 $0x5000  }
0x52: {  	[tilespmem:s7], [sflag:$0x1] =	stream.indirect_vreg.gather [hbm4b:s3+s2], $0x80, v3, vm0, $0xb8;
	[tilespmem:$0x10800] =	vst v63  }
0x53: {  	v3 =	vld [tilespmem:$0x50];
	_ =	sdelay $0x4  }
0x54: {  	v53 =	vshll.u32 v3, $0x1  }
0x55: {  	v3 =	vand.u32 $0x7, v3;
	v4 =	vand.u32 $0xFFFFFFF0, v53  }
0x56: {  	v3 =	vor.u32 v3, v4  }
0x57: {  	v4 =	vperm.xlane v3, v0;
	_ =	sdelay $0x1  }
0x58: {  	v3 =	vperm.xlane v3, v2;
	v4 =	vadd.s32 v1, v4;
	_ =	sdelay $0x1  }
0x59: {  	v3 =	vadd.s32 v1, v3;
	_ =	sdelay $0x1  }
0x5a: {  	s10 =	simm.s32 $0x5800  }
0x5b: {  	[tilespmem:s10], [sflag:$0x1] =	stream.indirect_vreg.gather [hbm4b:s3+s2], $0x80, v4, vm0, $0xb8;
	[tilespmem:$0x10800] =	vst v63  }
0x5c: {  	s11 =	simm.s32 $0x6000  }
0x5d: {  	[tilespmem:s11], [sflag:$0x1] =	stream.indirect_vreg.gather [hbm4b:s3+s2], $0x80, v3, vm0, $0xb8;
	[tilespmem:$0x10800] =	vst v63  }
0x5e: {  	v3 =	vld [tilespmem:$0x60];
	_ =	sdelay $0x4  }
0x5f: {  	v54 =	vshll.u32 v3, $0x1  }
0x60: {  	v3 =	vand.u32 $0x7, v3;
	v4 =	vand.u32 $0xFFFFFFF0, v54  }
0x61: {  	v3 =	vor.u32 v3, v4  }
0x62: {  	v4 =	vperm.xlane v3, v0;
	_ =	sdelay $0x1  }
0x63: {  	v3 =	vperm.xlane v3, v2;
	v4 =	vadd.s32 v1, v4;
	_ =	sdelay $0x1  }
0x64: {  	v3 =	vadd.s32 v1, v3;
	_ =	sdelay $0x1  }
0x65: {  	s12 =	simm.s32 $0x6800  }
0x66: {  	[tilespmem:s12], [sflag:$0x1] =	stream.indirect_vreg.gather [hbm4b:s3+s2], $0x80, v4, vm0, $0xb8;
	[tilespmem:$0x10800] =	vst v63  }
0x67: {  	s13 =	simm.s32 $0x7000  }
0x68: {  	[tilespmem:s13], [sflag:$0x1] =	stream.indirect_vreg.gather [hbm4b:s3+s2], $0x80, v3, vm0, $0xb8;
	[tilespmem:$0x10800] =	vst v63  }
0x69: {  	v3 =	vld [tilespmem:$0x70];
	_ =	sdelay $0x4  }
0x6a: {  	v55 =	vshll.u32 v3, $0x1  }
0x6b: {  	v3 =	vand.u32 $0x7, v3;
	v4 =	vand.u32 $0xFFFFFFF0, v55  }
0x6c: {  	v3 =	vor.u32 v3, v4  }
0x6d: {  	v4 =	vperm.xlane v3, v0;
	_ =	sdelay $0x1  }
0x6e: {  	v3 =	vperm.xlane v3, v2;
	v4 =	vadd.s32 v1, v4;
	_ =	sdelay $0x1  }
0x6f: {  	v3 =	vadd.s32 v1, v3;
	_ =	sdelay $0x1  }
0x70: {  	s14 =	simm.s32 $0x7800  }
0x71: {  	[tilespmem:s14], [sflag:$0x1] =	stream.indirect_vreg.gather [hbm4b:s3+s2], $0x80, v4, vm0, $0xb8;
	[tilespmem:$0x10800] =	vst v63  }
0x72: {  	s16 =	simm.s32 $0x8000  }
0x73: {  	[tilespmem:s16], [sflag:$0x1] =	stream.indirect_vreg.gather [hbm4b:s3+s2], $0x80, v3, vm0, $0xb8;
	[tilespmem:$0x10800] =	vst v63  }
0x74: {  	v3 =	vld [tilespmem:$0x80];
	_ =	sdelay $0x4  }
0x75: {  	v56 =	vshll.u32 v3, $0x1  }
0x76: {  	v3 =	vand.u32 $0x7, v3;
	v4 =	vand.u32 $0xFFFFFFF0, v56  }
0x77: {  	v3 =	vor.u32 v3, v4  }
0x78: {  	v4 =	vperm.xlane v3, v0;
	_ =	sdelay $0x1  }
0x79: {  	v3 =	vperm.xlane v3, v2;
	v4 =	vadd.s32 v1, v4;
	_ =	sdelay $0x1  }
0x7a: {  	v3 =	vadd.s32 v1, v3;
	_ =	sdelay $0x2  }
0x7b: {  	[tilespmem:s25], [sflag:$0x1] =	stream.indirect_vreg.gather [hbm4b:s3+s2], $0x80, v4, vm0, $0xb8;
	[tilespmem:$0x10800] =	vst v63  }
0x7c: {  	s17 =	simm.s32 $0x9000  }
0x7d: {  	[tilespmem:s17], [sflag:$0x1] =	stream.indirect_vreg.gather [hbm4b:s3+s2], $0x80, v3, vm0, $0xb8;
	[tilespmem:$0x10800] =	vst v63  }
0x7e: {  	v3 =	vld [tilespmem:$0x90];
	_ =	sdelay $0x4  }
0x7f: {  	v57 =	vshll.u32 v3, $0x1  }
0x80: {  	v3 =	vand.u32 $0x7, v3;
	v4 =	vand.u32 $0xFFFFFFF0, v57  }
0x81: {  	v3 =	vor.u32 v3, v4  }
0x82: {  	v4 =	vperm.xlane v3, v0;
	_ =	sdelay $0x1  }
0x83: {  	v3 =	vperm.xlane v3, v2;
	v4 =	vadd.s32 v1, v4;
	_ =	sdelay $0x1  }
0x84: {  	v3 =	vadd.s32 v1, v3;
	_ =	sdelay $0x1  }
0x85: {  	s19 =	simm.s32 $0x9800  }
0x86: {  	[tilespmem:s19], [sflag:$0x1] =	stream.indirect_vreg.gather [hbm4b:s3+s2], $0x80, v4, vm0, $0xb8;
	[tilespmem:$0x10800] =	vst v63  }
0x87: {  	s20 =	simm.s32 $0xA000  }
0x88: {  	[tilespmem:s20], [sflag:$0x1] =	stream.indirect_vreg.gather [hbm4b:s3+s2], $0x80, v3, vm0, $0xb8;
	[tilespmem:$0x10800] =	vst v63  }
0x89: {  	v3 =	vld [tilespmem:$0xA0];
	_ =	sdelay $0x4  }
0x8a: {  	v58 =	vshll.u32 v3, $0x1  }
0x8b: {  	v3 =	vand.u32 $0x7, v3;
	v4 =	vand.u32 $0xFFFFFFF0, v58  }
0x8c: {  	v3 =	vor.u32 v3, v4  }
0x8d: {  	v4 =	vperm.xlane v3, v0;
	_ =	sdelay $0x1  }
0x8e: {  	v3 =	vperm.xlane v3, v2;
	v4 =	vadd.s32 v1, v4;
	_ =	sdelay $0x1  }
0x8f: {  	v3 =	vadd.s32 v1, v3;
	_ =	sdelay $0x1  }
0x90: {  	s22 =	simm.s32 $0xA800  }
0x91: {  	[tilespmem:s22], [sflag:$0x1] =	stream.indirect_vreg.gather [hbm4b:s3+s2], $0x80, v4, vm0, $0xb8;
	[tilespmem:$0x10800] =	vst v63  }
0x92: {  	s26 =	simm.s32 $0xB000  }
0x93: {  	[tilespmem:s26], [sflag:$0x1] =	stream.indirect_vreg.gather [hbm4b:s3+s2], $0x80, v3, vm0, $0xb8;
	[tilespmem:$0x10800] =	vst v63  }
0x94: {  	v3 =	vld [tilespmem:$0xB0];
	_ =	sdelay $0x4  }
0x95: {  	v59 =	vshll.u32 v3, $0x1  }
0x96: {  	v3 =	vand.u32 $0x7, v3;
	v4 =	vand.u32 $0xFFFFFFF0, v59  }
0x97: {  	v3 =	vor.u32 v3, v4  }
0x98: {  	v4 =	vperm.xlane v3, v0;
	_ =	sdelay $0x1  }
0x99: {  	v3 =	vperm.xlane v3, v2;
	v4 =	vadd.s32 v1, v4;
	_ =	sdelay $0x1  }
0x9a: {  	v3 =	vadd.s32 v1, v3;
	_ =	sdelay $0x1  }
0x9b: {  	s31 =	simm.s32 $0xB800  }
0x9c: {  	[tilespmem:s31], [sflag:$0x1] =	stream.indirect_vreg.gather [hbm4b:s3+s2], $0x80, v4, vm0, $0xb8;
	[tilespmem:$0x10800] =	vst v63  }
0x9d: {  	s0 =	simm.s32 $0xC000  }
0x9e: {  	[tilespmem:s0], [sflag:$0x1] =	stream.indirect_vreg.gather [hbm4b:s3+s2], $0x80, v3, vm0, $0xb8;
	[tilespmem:$0x10800] =	vst v63  }
0x9f: {  	v3 =	vld [tilespmem:$0xC0];
	_ =	sdelay $0x4  }
0xa0: {  	v60 =	vshll.u32 v3, $0x1  }
0xa1: {  	v3 =	vand.u32 $0x7, v3;
	v4 =	vand.u32 $0xFFFFFFF0, v60  }
0xa2: {  	v3 =	vor.u32 v3, v4  }
0xa3: {  	v4 =	vperm.xlane v3, v0;
	_ =	sdelay $0x1  }
0xa4: {  	v3 =	vperm.xlane v3, v2;
	v4 =	vadd.s32 v1, v4;
	_ =	sdelay $0x1  }
0xa5: {  	v3 =	vadd.s32 v1, v3;
	_ =	sdelay $0x1  }
0xa6: {  	s7 =	simm.s32 $0xC800  }
0xa7: {  	[tilespmem:s7], [sflag:$0x1] =	stream.indirect_vreg.gather [hbm4b:s3+s2], $0x80, v4, vm0, $0xb8;
	[tilespmem:$0x10800] =	vst v63  }
0xa8: {  	s10 =	simm.s32 $0xD000  }
0xa9: {  	[tilespmem:s10], [sflag:$0x1] =	stream.indirect_vreg.gather [hbm4b:s3+s2], $0x80, v3, vm0, $0xb8;
	[tilespmem:$0x10800] =	vst v63  }
0xaa: {  	v3 =	vld [tilespmem:$0xD0];
	_ =	sdelay $0x4  }
0xab: {  	v61 =	vshll.u32 v3, $0x1  }
0xac: {  	v3 =	vand.u32 $0x7, v3;
	v4 =	vand.u32 $0xFFFFFFF0, v61  }
0xad: {  	v3 =	vor.u32 v3, v4  }
0xae: {  	v4 =	vperm.xlane v3, v0;
	_ =	sdelay $0x1  }
0xaf: {  	v3 =	vperm.xlane v3, v2;
	v4 =	vadd.s32 v1, v4;
	_ =	sdelay $0x1  }
0xb0: {  	v3 =	vadd.s32 v1, v3;
	_ =	sdelay $0x1  }
0xb1: {  	s11 =	simm.s32 $0xD800  }
0xb2: {  	[tilespmem:s11], [sflag:$0x1] =	stream.indirect_vreg.gather [hbm4b:s3+s2], $0x80, v4, vm0, $0xb8;
	[tilespmem:$0x10800] =	vst v63  }
0xb3: {  	s16 =	simm.s32 $0xE000  }
0xb4: {  	[tilespmem:s16], [sflag:$0x1] =	stream.indirect_vreg.gather [hbm4b:s3+s2], $0x80, v3, vm0, $0xb8;
	[tilespmem:$0x10800] =	vst v63  }
0xb5: {  	v3 =	vld [tilespmem:$0xE0];
	_ =	sdelay $0x4  }
0xb6: {  	v62 =	vshll.u32 v3, $0x1  }
0xb7: {  	v3 =	vand.u32 $0x7, v3;
	v4 =	vand.u32 $0xFFFFFFF0, v62  }
0xb8: {  	v3 =	vor.u32 v3, v4  }
0xb9: {  	v4 =	vperm.xlane v3, v0;
	_ =	sdelay $0x1  }
0xba: {  	v3 =	vperm.xlane v3, v2;
	v4 =	vadd.s32 v1, v4;
	_ =	sdelay $0x1  }
0xbb: {  	v3 =	vadd.s32 v1, v3;
	_ =	sdelay $0x1  }
0xbc: {  	s17 =	simm.s32 $0xE800  }
0xbd: {  	[tilespmem:s17], [sflag:$0x1] =	stream.indirect_vreg.gather [hbm4b:s3+s2], $0x80, v4, vm0, $0xb8;
	[tilespmem:$0x10800] =	vst v63  }
0xbe: {  	s20 =	simm.s32 $0xF000  }
0xbf: {  	[tilespmem:s20], [sflag:$0x1] =	stream.indirect_vreg.gather [hbm4b:s3+s2], $0x80, v3, vm0, $0xb8;
	[tilespmem:$0x10800] =	vst v63  }
0xc0: {  	v3 =	vld [tilespmem:$0xF0];
	_ =	sdelay $0x4  }
0xc1: {  	v63 =	vshll.u32 v3, $0x1  }
0xc2: {  	v3 =	vand.u32 $0x7, v3;
	v4 =	vand.u32 $0xFFFFFFF0, v63  }
0xc3: {  	v3 =	vor.u32 v3, v4  }
0xc4: {  	v4 =	vperm.xlane v3, v0;
	_ =	sdelay $0x1  }
0xc5: {  	v3 =	vperm.xlane v3, v2;
	v4 =	vadd.s32 v1, v4;
	_ =	sdelay $0x1  }
0xc6: {  	v3 =	vadd.s32 v1, v3;
	_ =	sdelay $0x1  }
0xc7: {  	s26 =	simm.s32 $0xF800  }
0xc8: {  	[tilespmem:s26], [sflag:$0x1] =	stream.indirect_vreg.gather [hbm4b:s3+s2], $0x80, v4, vm0, $0xb8;
	[tilespmem:$0x10800] =	vst v63  }
0xc9: {  	s31 =	simm.s32 $0x10000  }
0xca: {  	[tilespmem:s31], [sflag:$0x1] =	stream.indirect_vreg.gather [hbm4b:s3+s2], $0x80, v3, vm0, $0xb8;
	[tilespmem:$0x10800] =	vst v63  }
0xcb: {  	_ =	swait.ge [sflag:s18], $0x8000  }
0xcc: {  	[sflag:s18] =	ssyncset.done $0x0  }
0xcd: {  	s0 =	rddreg [dreg:$0x3];
	[sflag:s18] =	ssyncadd.s32 $0xFFFF8000  }
0xce: {  	[hbm4b:s0+s2] =	stream.linear.scatter [tilespmem:s9], [sflag:$0x2], $0x8000, $0x38;
	[tilespmem:$0x10800] =	vst v63  }
0xcf: {  	_ =	swait.ge [sflag:s8], $0x8000  }
0xd0: {  	[sflag:s8] =	ssyncset.done $0x0  }
0xd1: {  	[sflag:s8] =	ssyncadd.s32 $0xFFFF8000  }
0xd2: {  	v3 =	vld [tilespmem:$0x100];
	_ =	sdelay $0x4  }
0xd3: {  	v8 =	vshll.u32 v3, $0x1  }
0xd4: {  	v3 =	vand.u32 $0x7, v3;
	v4 =	vand.u32 $0xFFFFFFF0, v8  }
0xd5: {  	v3 =	vor.u32 v3, v4  }
0xd6: {  	v4 =	vperm.xlane v3, v0;
	_ =	sdelay $0x1  }
0xd7: {  	v3 =	vperm.xlane v3, v2;
	v4 =	vadd.s32 v1, v4;
	_ =	sdelay $0x1  }
0xd8: {  	v3 =	vadd.s32 v1, v3;
	_ =	sdelay $0x2  }
0xd9: {  	[tilespmem:s9], [sflag:$0x1] =	stream.indirect_vreg.gather [hbm4b:s3+s2], $0x80, v4, vm0, $0xb8;
	[tilespmem:$0x10800] =	vst v63  }
0xda: {  	s24 =	simm.s32 $0x1000  }
0xdb: {  	[tilespmem:s24], [sflag:$0x1] =	stream.indirect_vreg.gather [hbm4b:s3+s2], $0x80, v3, vm0, $0xb8;
	[tilespmem:$0x10800] =	vst v63  }
0xdc: {  	v3 =	vld [tilespmem:$0x110];
	_ =	sdelay $0x4  }
0xdd: {  	v9 =	vshll.u32 v3, $0x1  }
0xde: {  	v3 =	vand.u32 $0x7, v3;
	v4 =	vand.u32 $0xFFFFFFF0, v9  }
0xdf: {  	v3 =	vor.u32 v3, v4  }
0xe0: {  	v4 =	vperm.xlane v3, v0;
	_ =	sdelay $0x1  }
0xe1: {  	v3 =	vperm.xlane v3, v2;
	v4 =	vadd.s32 v1, v4;
	_ =	sdelay $0x1  }
0xe2: {  	v3 =	vadd.s32 v1, v3;
	_ =	sdelay $0x1  }
0xe3: {  	s15 =	simm.s32 $0x1800  }
0xe4: {  	[tilespmem:s15], [sflag:$0x1] =	stream.indirect_vreg.gather [hbm4b:s3+s2], $0x80, v4, vm0, $0xb8;
	[tilespmem:$0x10800] =	vst v63  }
0xe5: {  	s26 =	simm.s32 $0x2000  }
0xe6: {  	[tilespmem:s26], [sflag:$0x1] =	stream.indirect_vreg.gather [hbm4b:s3+s2], $0x80, v3, vm0, $0xb8;
	[tilespmem:$0x10800] =	vst v63  }
0xe7: {  	v3 =	vld [tilespmem:$0x120];
	_ =	sdelay $0x4  }
0xe8: {  	v10 =	vshll.u32 v3, $0x1  }
0xe9: {  	v3 =	vand.u32 $0x7, v3;
	v4 =	vand.u32 $0xFFFFFFF0, v10  }
0xea: {  	v3 =	vor.u32 v3, v4  }
0xeb: {  	v4 =	vperm.xlane v3, v0;
	_ =	sdelay $0x1  }
0xec: {  	v3 =	vperm.xlane v3, v2;
	v4 =	vadd.s32 v1, v4;
	_ =	sdelay $0x1  }
0xed: {  	v3 =	vadd.s32 v1, v3;
	_ =	sdelay $0x1  }
0xee: {  	s21 =	simm.s32 $0x2800  }
0xef: {  	[tilespmem:s21], [sflag:$0x1] =	stream.indirect_vreg.gather [hbm4b:s3+s2], $0x80, v4, vm0, $0xb8;
	[tilespmem:$0x10800] =	vst v63  }
0xf0: {  	s30 =	simm.s32 $0x3000  }
0xf1: {  	[tilespmem:s30], [sflag:$0x1] =	stream.indirect_vreg.gather [hbm4b:s3+s2], $0x80, v3, vm0, $0xb8;
	[tilespmem:$0x10800] =	vst v63  }
0xf2: {  	v3 =	vld [tilespmem:$0x130];
	_ =	sdelay $0x4  }
0xf3: {  	v11 =	vshll.u32 v3, $0x1  }
0xf4: {  	v3 =	vand.u32 $0x7, v3;
	v4 =	vand.u32 $0xFFFFFFF0, v11  }
0xf5: {  	v3 =	vor.u32 v3, v4  }
0xf6: {  	v4 =	vperm.xlane v3, v0;
	_ =	sdelay $0x1  }
0xf7: {  	v3 =	vperm.xlane v3, v2;
	v4 =	vadd.s32 v1, v4;
	_ =	sdelay $0x1  }
0xf8: {  	v3 =	vadd.s32 v1, v3;
	_ =	sdelay $0x1  }
0xf9: {  	s23 =	simm.s32 $0x3800  }
0xfa: {  	[tilespmem:s23], [sflag:$0x1] =	stream.indirect_vreg.gather [hbm4b:s3+s2], $0x80, v4, vm0, $0xb8;
	[tilespmem:$0x10800] =	vst v63  }
0xfb: {  	s31 =	simm.s32 $0x4000  }
0xfc: {  	[tilespmem:s31], [sflag:$0x1] =	stream.indirect_vreg.gather [hbm4b:s3+s2], $0x80, v3, vm0, $0xb8;
	[tilespmem:$0x10800] =	vst v63  }
0xfd: {  	v3 =	vld [tilespmem:$0x140];
	_ =	sdelay $0x4  }
0xfe: {  	v12 =	vshll.u32 v3, $0x1  }
0xff: {  	v3 =	vand.u32 $0x7, v3;
	v4 =	vand.u32 $0xFFFFFFF0, v12  }
0x100: {  	v3 =	vor.u32 v3, v4  }
0x101: {  	v4 =	vperm.xlane v3, v0;
	_ =	sdelay $0x1  }
0x102: {  	v3 =	vperm.xlane v3, v2;
	v4 =	vadd.s32 v1, v4;
	_ =	sdelay $0x1  }
0x103: {  	v3 =	vadd.s32 v1, v3;
	_ =	sdelay $0x1  }
0x104: {  	s28 =	simm.s32 $0x4800  }
0x105: {  	[tilespmem:s28], [sflag:$0x1] =	stream.indirect_vreg.gather [hbm4b:s3+s2], $0x80, v4, vm0, $0xb8;
	[tilespmem:$0x10800] =	vst v63  }
0x106: {  	s0 =	simm.s32 $0x5000  }
0x107: {  	[tilespmem:s0], [sflag:$0x1] =	stream.indirect_vreg.gather [hbm4b:s3+s2], $0x80, v3, vm0, $0xb8;
	[tilespmem:$0x10800] =	vst v63  }
0x108: {  	v3 =	vld [tilespmem:$0x150];
	_ =	sdelay $0x4  }
0x109: {  	v13 =	vshll.u32 v3, $0x1  }
0x10a: {  	v3 =	vand.u32 $0x7, v3;
	v4 =	vand.u32 $0xFFFFFFF0, v13  }
0x10b: {  	v3 =	vor.u32 v3, v4  }
0x10c: {  	v4 =	vperm.xlane v3, v0;
	_ =	sdelay $0x1  }
0x10d: {  	v3 =	vperm.xlane v3, v2;
	v4 =	vadd.s32 v1, v4;
	_ =	sdelay $0x1  }
0x10e: {  	v3 =	vadd.s32 v1, v3;
	_ =	sdelay $0x1  }
0x10f: {  	s29 =	simm.s32 $0x5800  }
0x110: {  	[tilespmem:s29], [sflag:$0x1] =	stream.indirect_vreg.gather [hbm4b:s3+s2], $0x80, v4, vm0, $0xb8;
	[tilespmem:$0x10800] =	vst v63  }
0x111: {  	s28 =	simm.s32 $0x6000  }
0x112: {  	[tilespmem:s28], [sflag:$0x1] =	stream.indirect_vreg.gather [hbm4b:s3+s2], $0x80, v3, vm0, $0xb8;
	[tilespmem:$0x10800] =	vst v63  }
0x113: {  	v3 =	vld [tilespmem:$0x160];
	_ =	sdelay $0x4  }
0x114: {  	v14 =	vshll.u32 v3, $0x1  }
0x115: {  	v3 =	vand.u32 $0x7, v3;
	v4 =	vand.u32 $0xFFFFFFF0, v14  }
0x116: {  	v3 =	vor.u32 v3, v4  }
0x117: {  	v4 =	vperm.xlane v3, v0;
	_ =	sdelay $0x1  }
0x118: {  	v3 =	vperm.xlane v3, v2;
	v4 =	vadd.s32 v1, v4;
	_ =	sdelay $0x1  }
0x119: {  	v3 =	vadd.s32 v1, v3;
	_ =	sdelay $0x1  }
0x11a: {  	s23 =	simm.s32 $0x6800  }
0x11b: {  	[tilespmem:s23], [sflag:$0x1] =	stream.indirect_vreg.gather [hbm4b:s3+s2], $0x80, v4, vm0, $0xb8;
	[tilespmem:$0x10800] =	vst v63  }
0x11c: {  	s29 =	simm.s32 $0x7000  }
0x11d: {  	[tilespmem:s29], [sflag:$0x1] =	stream.indirect_vreg.gather [hbm4b:s3+s2], $0x80, v3, vm0, $0xb8;
	[tilespmem:$0x10800] =	vst v63  }
0x11e: {  	v3 =	vld [tilespmem:$0x170];
	_ =	sdelay $0x4  }
0x11f: {  	v15 =	vshll.u32 v3, $0x1  }
0x120: {  	v3 =	vand.u32 $0x7, v3;
	v4 =	vand.u32 $0xFFFFFFF0, v15  }
0x121: {  	v3 =	vor.u32 v3, v4  }
0x122: {  	v4 =	vperm.xlane v3, v0;
	_ =	sdelay $0x1  }
0x123: {  	v3 =	vperm.xlane v3, v2;
	v4 =	vadd.s32 v1, v4;
	_ =	sdelay $0x1  }
0x124: {  	v3 =	vadd.s32 v1, v3;
	_ =	sdelay $0x1  }
0x125: {  	s24 =	simm.s32 $0x7800  }
0x126: {  	[tilespmem:s24], [sflag:$0x1] =	stream.indirect_vreg.gather [hbm4b:s3+s2], $0x80, v4, vm0, $0xb8;
	[tilespmem:$0x10800] =	vst v63  }
0x127: {  	s30 =	simm.s32 $0x8000  }
0x128: {  	[tilespmem:s30], [sflag:$0x1] =	stream.indirect_vreg.gather [hbm4b:s3+s2], $0x80, v3, vm0, $0xb8;
	[tilespmem:$0x10800] =	vst v63  }
0x129: {  	_ =	swait.ge [sflag:s18], $0x8000  }
0x12a: {  	[sflag:s18] =	ssyncset.done $0x0  }
0x12b: {  	s15 =	rddreg [dreg:$0x4];
	[sflag:s18] =	ssyncadd.s32 $0xFFFF8000  }
0x12c: {  	[hbm4b:s15+s2] =	stream.linear.scatter [tilespmem:s25], [sflag:$0x2], $0x8000, $0x38;
	[tilespmem:$0x10800] =	vst v63  }
0x12d: {  	_ =	swait.ge [sflag:s8], $0x8000  }
0x12e: {  	[sflag:s8] =	ssyncset.done $0x0  }
0x12f: {  	[sflag:s8] =	ssyncadd.s32 $0xFFFF8000  }
0x130: {  	v3 =	vld [tilespmem:$0x180];
	_ =	sdelay $0x4  }
0x131: {  	v16 =	vshll.u32 v3, $0x1  }
0x132: {  	v3 =	vand.u32 $0x7, v3;
	v4 =	vand.u32 $0xFFFFFFF0, v16  }
0x133: {  	v3 =	vor.u32 v3, v4  }
0x134: {  	v4 =	vperm.xlane v3, v0;
	_ =	sdelay $0x1  }
0x135: {  	v3 =	vperm.xlane v3, v2;
	v4 =	vadd.s32 v1, v4;
	_ =	sdelay $0x1  }
0x136: {  	v3 =	vadd.s32 v1, v3;
	_ =	sdelay $0x2  }
0x137: {  	[tilespmem:s25], [sflag:$0x1] =	stream.indirect_vreg.gather [hbm4b:s3+s2], $0x80, v4, vm0, $0xb8;
	[tilespmem:$0x10800] =	vst v63  }
0x138: {  	s12 =	simm.s32 $0x9000  }
0x139: {  	[tilespmem:s12], [sflag:$0x1] =	stream.indirect_vreg.gather [hbm4b:s3+s2], $0x80, v3, vm0, $0xb8;
	[tilespmem:$0x10800] =	vst v63  }
0x13a: {  	v3 =	vld [tilespmem:$0x190];
	_ =	sdelay $0x4  }
0x13b: {  	v17 =	vshll.u32 v3, $0x1  }
0x13c: {  	v3 =	vand.u32 $0x7, v3;
	v4 =	vand.u32 $0xFFFFFFF0, v17  }
0x13d: {  	v3 =	vor.u32 v3, v4  }
0x13e: {  	v4 =	vperm.xlane v3, v0;
	_ =	sdelay $0x1  }
0x13f: {  	v3 =	vperm.xlane v3, v2;
	v4 =	vadd.s32 v1, v4;
	_ =	sdelay $0x1  }
0x140: {  	v3 =	vadd.s32 v1, v3;
	_ =	sdelay $0x1  }
0x141: {  	s15 =	simm.s32 $0x9800  }
0x142: {  	[tilespmem:s15], [sflag:$0x1] =	stream.indirect_vreg.gather [hbm4b:s3+s2], $0x80, v4, vm0, $0xb8;
	[tilespmem:$0x10800] =	vst v63  }
0x143: {  	s21 =	simm.s32 $0xA000  }
0x144: {  	[tilespmem:s21], [sflag:$0x1] =	stream.indirect_vreg.gather [hbm4b:s3+s2], $0x80, v3, vm0, $0xb8;
	[tilespmem:$0x10800] =	vst v63  }
0x145: {  	v3 =	vld [tilespmem:$0x1A0];
	_ =	sdelay $0x4  }
0x146: {  	v18 =	vshll.u32 v3, $0x1  }
0x147: {  	v3 =	vand.u32 $0x7, v3;
	v4 =	vand.u32 $0xFFFFFFF0, v18  }
0x148: {  	v3 =	vor.u32 v3, v4  }
0x149: {  	v4 =	vperm.xlane v3, v0;
	_ =	sdelay $0x1  }
0x14a: {  	v3 =	vperm.xlane v3, v2;
	v4 =	vadd.s32 v1, v4;
	_ =	sdelay $0x1  }
0x14b: {  	v3 =	vadd.s32 v1, v3;
	_ =	sdelay $0x1  }
0x14c: {  	s12 =	simm.s32 $0xA800  }
0x14d: {  	[tilespmem:s12], [sflag:$0x1] =	stream.indirect_vreg.gather [hbm4b:s3+s2], $0x80, v4, vm0, $0xb8;
	[tilespmem:$0x10800] =	vst v63  }
0x14e: {  	s22 =	simm.s32 $0xB000  }
0x14f: {  	[tilespmem:s22], [sflag:$0x1] =	stream.indirect_vreg.gather [hbm4b:s3+s2], $0x80, v3, vm0, $0xb8;
	[tilespmem:$0x10800] =	vst v63  }
0x150: {  	v3 =	vld [tilespmem:$0x1B0];
	_ =	sdelay $0x4  }
0x151: {  	v19 =	vshll.u32 v3, $0x1  }
0x152: {  	v3 =	vand.u32 $0x7, v3;
	v4 =	vand.u32 $0xFFFFFFF0, v19  }
0x153: {  	v3 =	vor.u32 v3, v4  }
0x154: {  	v4 =	vperm.xlane v3, v0;
	_ =	sdelay $0x1  }
0x155: {  	v3 =	vperm.xlane v3, v2;
	v4 =	vadd.s32 v1, v4;
	_ =	sdelay $0x1  }
0x156: {  	v3 =	vadd.s32 v1, v3;
	_ =	sdelay $0x1  }
0x157: {  	s1 =	simm.s32 $0xB800  }
0x158: {  	[tilespmem:s1], [sflag:$0x1] =	stream.indirect_vreg.gather [hbm4b:s3+s2], $0x80, v4, vm0, $0xb8;
	[tilespmem:$0x10800] =	vst v63  }
0x159: {  	s13 =	simm.s32 $0xC000  }
0x15a: {  	[tilespmem:s13], [sflag:$0x1] =	stream.indirect_vreg.gather [hbm4b:s3+s2], $0x80, v3, vm0, $0xb8;
	[tilespmem:$0x10800] =	vst v63  }
0x15b: {  	v3 =	vld [tilespmem:$0x1C0];
	_ =	sdelay $0x4  }
0x15c: {  	v20 =	vshll.u32 v3, $0x1  }
0x15d: {  	v3 =	vand.u32 $0x7, v3;
	v4 =	vand.u32 $0xFFFFFFF0, v20  }
0x15e: {  	v3 =	vor.u32 v3, v4  }
0x15f: {  	v4 =	vperm.xlane v3, v0;
	_ =	sdelay $0x1  }
0x160: {  	v3 =	vperm.xlane v3, v2;
	v4 =	vadd.s32 v1, v4;
	_ =	sdelay $0x1  }
0x161: {  	v3 =	vadd.s32 v1, v3;
	_ =	sdelay $0x1  }
0x162: {  	s7 =	simm.s32 $0xC800  }
0x163: {  	[tilespmem:s7], [sflag:$0x1] =	stream.indirect_vreg.gather [hbm4b:s3+s2], $0x80, v4, vm0, $0xb8;
	[tilespmem:$0x10800] =	vst v63  }
0x164: {  	s14 =	simm.s32 $0xD000  }
0x165: {  	[tilespmem:s14], [sflag:$0x1] =	stream.indirect_vreg.gather [hbm4b:s3+s2], $0x80, v3, vm0, $0xb8;
	[tilespmem:$0x10800] =	vst v63  }
0x166: {  	v3 =	vld [tilespmem:$0x1D0];
	_ =	sdelay $0x4  }
0x167: {  	v21 =	vshll.u32 v3, $0x1  }
0x168: {  	v3 =	vand.u32 $0x7, v3;
	v4 =	vand.u32 $0xFFFFFFF0, v21  }
0x169: {  	v3 =	vor.u32 v3, v4  }
0x16a: {  	v4 =	vperm.xlane v3, v0;
	_ =	sdelay $0x1  }
0x16b: {  	v3 =	vperm.xlane v3, v2;
	v4 =	vadd.s32 v1, v4;
	_ =	sdelay $0x1  }
0x16c: {  	v3 =	vadd.s32 v1, v3;
	_ =	sdelay $0x1  }
0x16d: {  	s10 =	simm.s32 $0xD800  }
0x16e: {  	[tilespmem:s10], [sflag:$0x1] =	stream.indirect_vreg.gather [hbm4b:s3+s2], $0x80, v4, vm0, $0xb8;
	[tilespmem:$0x10800] =	vst v63  }
0x16f: {  	s16 =	simm.s32 $0xE000  }
0x170: {  	[tilespmem:s16], [sflag:$0x1] =	stream.indirect_vreg.gather [hbm4b:s3+s2], $0x80, v3, vm0, $0xb8;
	[tilespmem:$0x10800] =	vst v63  }
0x171: {  	v3 =	vld [tilespmem:$0x1E0];
	_ =	sdelay $0x4  }
0x172: {  	v22 =	vshll.u32 v3, $0x1  }
0x173: {  	v3 =	vand.u32 $0x7, v3;
	v4 =	vand.u32 $0xFFFFFFF0, v22  }
0x174: {  	v3 =	vor.u32 v3, v4  }
0x175: {  	v4 =	vperm.xlane v3, v0;
	_ =	sdelay $0x1  }
0x176: {  	v3 =	vperm.xlane v3, v2;
	v4 =	vadd.s32 v1, v4;
	_ =	sdelay $0x1  }
0x177: {  	v3 =	vadd.s32 v1, v3;
	_ =	sdelay $0x1  }
0x178: {  	s11 =	simm.s32 $0xE800  }
0x179: {  	[tilespmem:s11], [sflag:$0x1] =	stream.indirect_vreg.gather [hbm4b:s3+s2], $0x80, v4, vm0, $0xb8;
	[tilespmem:$0x10800] =	vst v63  }
0x17a: {  	s17 =	simm.s32 $0xF000  }
0x17b: {  	[tilespmem:s17], [sflag:$0x1] =	stream.indirect_vreg.gather [hbm4b:s3+s2], $0x80, v3, vm0, $0xb8;
	[tilespmem:$0x10800] =	vst v63  }
0x17c: {  	v3 =	vld [tilespmem:$0x1F0];
	_ =	sdelay $0x4  }
0x17d: {  	v23 =	vshll.u32 v3, $0x1  }
0x17e: {  	v3 =	vand.u32 $0x7, v3;
	v4 =	vand.u32 $0xFFFFFFF0, v23  }
0x17f: {  	v3 =	vor.u32 v3, v4  }
0x180: {  	v4 =	vperm.xlane v3, v0;
	_ =	sdelay $0x1  }
0x181: {  	v3 =	vperm.xlane v3, v2;
	v4 =	vadd.s32 v1, v4;
	_ =	sdelay $0x1  }
0x182: {  	v3 =	vadd.s32 v1, v3;
	_ =	sdelay $0x1  }
0x183: {  	s19 =	simm.s32 $0xF800  }
0x184: {  	[tilespmem:s19], [sflag:$0x1] =	stream.indirect_vreg.gather [hbm4b:s3+s2], $0x80, v4, vm0, $0xb8;
	[tilespmem:$0x10800] =	vst v63  }
0x185: {  	s20 =	simm.s32 $0x10000  }
0x186: {  	[tilespmem:s20], [sflag:$0x1] =	stream.indirect_vreg.gather [hbm4b:s3+s2], $0x80, v3, vm0, $0xb8;
	[tilespmem:$0x10800] =	vst v63  }
0x187: {  	_ =	swait.ge [sflag:s18], $0x8000  }
0x188: {  	[sflag:s18] =	ssyncset.done $0x0  }
0x189: {  	s19 =	rddreg [dreg:$0x5];
	[sflag:s18] =	ssyncadd.s32 $0xFFFF8000  }
0x18a: {  	[hbm4b:s19+s2] =	stream.linear.scatter [tilespmem:s9], [sflag:$0x2], $0x8000, $0x38;
	[tilespmem:$0x10800] =	vst v63  }
0x18b: {  	_ =	swait.ge [sflag:s8], $0x8000  }
0x18c: {  	[sflag:s8] =	ssyncset.done $0x0  }
0x18d: {  	[sflag:s8] =	ssyncadd.s32 $0xFFFF8000  }
0x18e: {  	v3 =	vld [tilespmem:$0x200];
	_ =	sdelay $0x4  }
0x18f: {  	v24 =	vshll.u32 v3, $0x1  }
0x190: {  	v3 =	vand.u32 $0x7, v3;
	v4 =	vand.u32 $0xFFFFFFF0, v24  }
0x191: {  	v3 =	vor.u32 v3, v4  }
0x192: {  	v4 =	vperm.xlane v3, v0;
	_ =	sdelay $0x1  }
0x193: {  	v3 =	vperm.xlane v3, v2;
	v4 =	vadd.s32 v1, v4;
	_ =	sdelay $0x1  }
0x194: {  	v3 =	vadd.s32 v1, v3;
	_ =	sdelay $0x2  }
0x195: {  	[tilespmem:s9], [sflag:$0x1] =	stream.indirect_vreg.gather [hbm4b:s4+s2], $0x80, v4, vm0, $0xb8;
	[tilespmem:$0x10800] =	vst v63  }
0x196: {  	s19 =	simm.s32 $0x1000  }
0x197: {  	[tilespmem:s19], [sflag:$0x1] =	stream.indirect_vreg.gather [hbm4b:s4+s2], $0x80, v3, vm0, $0xb8;
	[tilespmem:$0x10800] =	vst v63  }
0x198: {  	v3 =	vld [tilespmem:$0x210];
	_ =	sdelay $0x4  }
0x199: {  	v25 =	vshll.u32 v3, $0x1  }
0x19a: {  	v3 =	vand.u32 $0x7, v3;
	v4 =	vand.u32 $0xFFFFFFF0, v25  }
0x19b: {  	v3 =	vor.u32 v3, v4  }
0x19c: {  	v4 =	vperm.xlane v3, v0;
	_ =	sdelay $0x1  }
0x19d: {  	v3 =	vperm.xlane v3, v2;
	v4 =	vadd.s32 v1, v4;
	_ =	sdelay $0x1  }
0x19e: {  	v3 =	vadd.s32 v1, v3;
	_ =	sdelay $0x1  }
0x19f: {  	s19 =	simm.s32 $0x1800  }
0x1a0: {  	[tilespmem:s19], [sflag:$0x1] =	stream.indirect_vreg.gather [hbm4b:s4+s2], $0x80, v4, vm0, $0xb8;
	[tilespmem:$0x10800] =	vst v63  }
0x1a1: {  	_ = 	snop  }
0x1a2: {  	[tilespmem:s26], [sflag:$0x1] =	stream.indirect_vreg.gather [hbm4b:s4+s2], $0x80, v3, vm0, $0xb8;
	[tilespmem:$0x10800] =	vst v63  }
0x1a3: {  	v3 =	vld [tilespmem:$0x220];
	_ =	sdelay $0x4  }
0x1a4: {  	v26 =	vshll.u32 v3, $0x1  }
0x1a5: {  	v3 =	vand.u32 $0x7, v3;
	v4 =	vand.u32 $0xFFFFFFF0, v26  }
0x1a6: {  	v3 =	vor.u32 v3, v4  }
0x1a7: {  	v4 =	vperm.xlane v3, v0;
	_ =	sdelay $0x1  }
0x1a8: {  	v3 =	vperm.xlane v3, v2;
	v4 =	vadd.s32 v1, v4;
	_ =	sdelay $0x1  }
0x1a9: {  	v3 =	vadd.s32 v1, v3;
	_ =	sdelay $0x1  }
0x1aa: {  	s19 =	simm.s32 $0x2800  }
0x1ab: {  	[tilespmem:s19], [sflag:$0x1] =	stream.indirect_vreg.gather [hbm4b:s4+s2], $0x80, v4, vm0, $0xb8;
	[tilespmem:$0x10800] =	vst v63  }
0x1ac: {  	s19 =	simm.s32 $0x3000  }
0x1ad: {  	[tilespmem:s19], [sflag:$0x1] =	stream.indirect_vreg.gather [hbm4b:s4+s2], $0x80, v3, vm0, $0xb8;
	[tilespmem:$0x10800] =	vst v63  }
0x1ae: {  	v3 =	vld [tilespmem:$0x230];
	_ =	sdelay $0x4  }
0x1af: {  	v27 =	vshll.u32 v3, $0x1  }
0x1b0: {  	v3 =	vand.u32 $0x7, v3;
	v4 =	vand.u32 $0xFFFFFFF0, v27  }
0x1b1: {  	v3 =	vor.u32 v3, v4  }
0x1b2: {  	v4 =	vperm.xlane v3, v0;
	_ =	sdelay $0x1  }
0x1b3: {  	v3 =	vperm.xlane v3, v2;
	v4 =	vadd.s32 v1, v4;
	_ =	sdelay $0x1  }
0x1b4: {  	v3 =	vadd.s32 v1, v3;
	_ =	sdelay $0x1  }
0x1b5: {  	s19 =	simm.s32 $0x3800  }
0x1b6: {  	[tilespmem:s19], [sflag:$0x1] =	stream.indirect_vreg.gather [hbm4b:s4+s2], $0x80, v4, vm0, $0xb8;
	[tilespmem:$0x10800] =	vst v63  }
0x1b7: {  	_ = 	snop  }
0x1b8: {  	[tilespmem:s31], [sflag:$0x1] =	stream.indirect_vreg.gather [hbm4b:s4+s2], $0x80, v3, vm0, $0xb8;
	[tilespmem:$0x10800] =	vst v63  }
0x1b9: {  	v3 =	vld [tilespmem:$0x240];
	_ =	sdelay $0x4  }
0x1ba: {  	v28 =	vshll.u32 v3, $0x1  }
0x1bb: {  	v3 =	vand.u32 $0x7, v3;
	v4 =	vand.u32 $0xFFFFFFF0, v28  }
0x1bc: {  	v3 =	vor.u32 v3, v4  }
0x1bd: {  	v4 =	vperm.xlane v3, v0;
	_ =	sdelay $0x1  }
0x1be: {  	v3 =	vperm.xlane v3, v2;
	v4 =	vadd.s32 v1, v4;
	_ =	sdelay $0x1  }
0x1bf: {  	v3 =	vadd.s32 v1, v3;
	_ =	sdelay $0x1  }
0x1c0: {  	s19 =	simm.s32 $0x4800  }
0x1c1: {  	[tilespmem:s19], [sflag:$0x1] =	stream.indirect_vreg.gather [hbm4b:s4+s2], $0x80, v4, vm0, $0xb8;
	[tilespmem:$0x10800] =	vst v63  }
0x1c2: {  	_ = 	snop  }
0x1c3: {  	[tilespmem:s0], [sflag:$0x1] =	stream.indirect_vreg.gather [hbm4b:s4+s2], $0x80, v3, vm0, $0xb8;
	[tilespmem:$0x10800] =	vst v63  }
0x1c4: {  	v3 =	vld [tilespmem:$0x250];
	_ =	sdelay $0x4  }
0x1c5: {  	v29 =	vshll.u32 v3, $0x1  }
0x1c6: {  	v3 =	vand.u32 $0x7, v3;
	v4 =	vand.u32 $0xFFFFFFF0, v29  }
0x1c7: {  	v3 =	vor.u32 v3, v4  }
0x1c8: {  	v4 =	vperm.xlane v3, v0;
	_ =	sdelay $0x1  }
0x1c9: {  	v3 =	vperm.xlane v3, v2;
	v4 =	vadd.s32 v1, v4;
	_ =	sdelay $0x1  }
0x1ca: {  	v3 =	vadd.s32 v1, v3;
	_ =	sdelay $0x1  }
0x1cb: {  	s19 =	simm.s32 $0x5800  }
0x1cc: {  	[tilespmem:s19], [sflag:$0x1] =	stream.indirect_vreg.gather [hbm4b:s4+s2], $0x80, v4, vm0, $0xb8;
	[tilespmem:$0x10800] =	vst v63  }
0x1cd: {  	_ = 	snop  }
0x1ce: {  	[tilespmem:s28], [sflag:$0x1] =	stream.indirect_vreg.gather [hbm4b:s4+s2], $0x80, v3, vm0, $0xb8;
	[tilespmem:$0x10800] =	vst v63  }
0x1cf: {  	v3 =	vld [tilespmem:$0x260];
	_ =	sdelay $0x4  }
0x1d0: {  	v30 =	vshll.u32 v3, $0x1  }
0x1d1: {  	v3 =	vand.u32 $0x7, v3;
	v4 =	vand.u32 $0xFFFFFFF0, v30  }
0x1d2: {  	v3 =	vor.u32 v3, v4  }
0x1d3: {  	v4 =	vperm.xlane v3, v0;
	_ =	sdelay $0x1  }
0x1d4: {  	v3 =	vperm.xlane v3, v2;
	v4 =	vadd.s32 v1, v4;
	_ =	sdelay $0x1  }
0x1d5: {  	v3 =	vadd.s32 v1, v3;
	_ =	sdelay $0x2  }
0x1d6: {  	[tilespmem:s23], [sflag:$0x1] =	stream.indirect_vreg.gather [hbm4b:s4+s2], $0x80, v4, vm0, $0xb8;
	[tilespmem:$0x10800] =	vst v63  }
0x1d7: {  	_ = 	snop  }
0x1d8: {  	[tilespmem:s29], [sflag:$0x1] =	stream.indirect_vreg.gather [hbm4b:s4+s2], $0x80, v3, vm0, $0xb8;
	[tilespmem:$0x10800] =	vst v63  }
0x1d9: {  	v3 =	vld [tilespmem:$0x270];
	_ =	sdelay $0x4  }
0x1da: {  	v31 =	vshll.u32 v3, $0x1  }
0x1db: {  	v3 =	vand.u32 $0x7, v3;
	v4 =	vand.u32 $0xFFFFFFF0, v31  }
0x1dc: {  	v3 =	vor.u32 v3, v4  }
0x1dd: {  	v4 =	vperm.xlane v3, v0;
	_ =	sdelay $0x1  }
0x1de: {  	v3 =	vperm.xlane v3, v2;
	v4 =	vadd.s32 v1, v4;
	_ =	sdelay $0x1  }
0x1df: {  	v3 =	vadd.s32 v1, v3;
	_ =	sdelay $0x2  }
0x1e0: {  	[tilespmem:s24], [sflag:$0x1] =	stream.indirect_vreg.gather [hbm4b:s4+s2], $0x80, v4, vm0, $0xb8;
	[tilespmem:$0x10800] =	vst v63  }
0x1e1: {  	_ = 	snop  }
0x1e2: {  	[tilespmem:s30], [sflag:$0x1] =	stream.indirect_vreg.gather [hbm4b:s4+s2], $0x80, v3, vm0, $0xb8;
	[tilespmem:$0x10800] =	vst v63  }
0x1e3: {  	_ =	swait.ge [sflag:s18], $0x8000  }
0x1e4: {  	[sflag:s18] =	ssyncset.done $0x0  }
0x1e5: {  	s30 =	rddreg [dreg:$0x6];
	[sflag:s18] =	ssyncadd.s32 $0xFFFF8000  }
0x1e6: {  	[hbm4b:s30+s2] =	stream.linear.scatter [tilespmem:s25], [sflag:$0x2], $0x8000, $0x38;
	[tilespmem:$0x10800] =	vst v63  }
0x1e7: {  	_ =	swait.ge [sflag:s8], $0x8000  }
0x1e8: {  	[sflag:s8] =	ssyncset.done $0x0  }
0x1e9: {  	[sflag:s8] =	ssyncadd.s32 $0xFFFF8000  }
0x1ea: {  	v3 =	vld [tilespmem:$0x280];
	_ =	sdelay $0x4  }
0x1eb: {  	v32 =	vshll.u32 v3, $0x1  }
0x1ec: {  	v3 =	vand.u32 $0x7, v3;
	v4 =	vand.u32 $0xFFFFFFF0, v32  }
0x1ed: {  	v3 =	vor.u32 v3, v4  }
0x1ee: {  	v4 =	vperm.xlane v3, v0;
	_ =	sdelay $0x1  }
0x1ef: {  	v3 =	vperm.xlane v3, v2;
	v4 =	vadd.s32 v1, v4;
	_ =	sdelay $0x1  }
0x1f0: {  	v3 =	vadd.s32 v1, v3;
	_ =	sdelay $0x2  }
0x1f1: {  	[tilespmem:s25], [sflag:$0x1] =	stream.indirect_vreg.gather [hbm4b:s4+s2], $0x80, v4, vm0, $0xb8;
	[tilespmem:$0x10800] =	vst v63  }
0x1f2: {  	s30 =	simm.s32 $0x9000  }
0x1f3: {  	[tilespmem:s30], [sflag:$0x1] =	stream.indirect_vreg.gather [hbm4b:s4+s2], $0x80, v3, vm0, $0xb8;
	[tilespmem:$0x10800] =	vst v63  }
0x1f4: {  	v3 =	vld [tilespmem:$0x290];
	_ =	sdelay $0x4  }
0x1f5: {  	v33 =	vshll.u32 v3, $0x1  }
0x1f6: {  	v3 =	vand.u32 $0x7, v3;
	v4 =	vand.u32 $0xFFFFFFF0, v33  }
0x1f7: {  	v3 =	vor.u32 v3, v4  }
0x1f8: {  	v4 =	vperm.xlane v3, v0;
	_ =	sdelay $0x1  }
0x1f9: {  	v3 =	vperm.xlane v3, v2;
	v4 =	vadd.s32 v1, v4;
	_ =	sdelay $0x1  }
0x1fa: {  	v3 =	vadd.s32 v1, v3;
	_ =	sdelay $0x2  }
0x1fb: {  	[tilespmem:s15], [sflag:$0x1] =	stream.indirect_vreg.gather [hbm4b:s4+s2], $0x80, v4, vm0, $0xb8;
	[tilespmem:$0x10800] =	vst v63  }
0x1fc: {  	_ = 	snop  }
0x1fd: {  	[tilespmem:s21], [sflag:$0x1] =	stream.indirect_vreg.gather [hbm4b:s4+s2], $0x80, v3, vm0, $0xb8;
	[tilespmem:$0x10800] =	vst v63  }
0x1fe: {  	v3 =	vld [tilespmem:$0x2A0];
	_ =	sdelay $0x4  }
0x1ff: {  	v34 =	vshll.u32 v3, $0x1  }
0x200: {  	v3 =	vand.u32 $0x7, v3;
	v4 =	vand.u32 $0xFFFFFFF0, v34  }
0x201: {  	v3 =	vor.u32 v3, v4  }
0x202: {  	v4 =	vperm.xlane v3, v0;
	_ =	sdelay $0x1  }
0x203: {  	v3 =	vperm.xlane v3, v2;
	v4 =	vadd.s32 v1, v4;
	_ =	sdelay $0x1  }
0x204: {  	v3 =	vadd.s32 v1, v3;
	_ =	sdelay $0x2  }
0x205: {  	[tilespmem:s12], [sflag:$0x1] =	stream.indirect_vreg.gather [hbm4b:s4+s2], $0x80, v4, vm0, $0xb8;
	[tilespmem:$0x10800] =	vst v63  }
0x206: {  	s30 =	simm.s32 $0xB000  }
0x207: {  	[tilespmem:s30], [sflag:$0x1] =	stream.indirect_vreg.gather [hbm4b:s4+s2], $0x80, v3, vm0, $0xb8;
	[tilespmem:$0x10800] =	vst v63  }
0x208: {  	v3 =	vld [tilespmem:$0x2B0];
	_ =	sdelay $0x4  }
0x209: {  	v35 =	vshll.u32 v3, $0x1  }
0x20a: {  	v3 =	vand.u32 $0x7, v3;
	v4 =	vand.u32 $0xFFFFFFF0, v35  }
0x20b: {  	v3 =	vor.u32 v3, v4  }
0x20c: {  	v4 =	vperm.xlane v3, v0;
	_ =	sdelay $0x1  }
0x20d: {  	v3 =	vperm.xlane v3, v2;
	v4 =	vadd.s32 v1, v4;
	_ =	sdelay $0x1  }
0x20e: {  	v3 =	vadd.s32 v1, v3;
	_ =	sdelay $0x1  }
0x20f: {  	s1 =	simm.s32 $0xB800  }
0x210: {  	[tilespmem:s1], [sflag:$0x1] =	stream.indirect_vreg.gather [hbm4b:s4+s2], $0x80, v4, vm0, $0xb8;
	[tilespmem:$0x10800] =	vst v63  }
0x211: {  	s22 =	simm.s32 $0xC000  }
0x212: {  	[tilespmem:s22], [sflag:$0x1] =	stream.indirect_vreg.gather [hbm4b:s4+s2], $0x80, v3, vm0, $0xb8;
	[tilespmem:$0x10800] =	vst v63  }
0x213: {  	v3 =	vld [tilespmem:$0x2C0];
	_ =	sdelay $0x4  }
0x214: {  	v36 =	vshll.u32 v3, $0x1  }
0x215: {  	v3 =	vand.u32 $0x7, v3;
	v4 =	vand.u32 $0xFFFFFFF0, v36  }
0x216: {  	v3 =	vor.u32 v3, v4  }
0x217: {  	v4 =	vperm.xlane v3, v0;
	_ =	sdelay $0x1  }
0x218: {  	v3 =	vperm.xlane v3, v2;
	v4 =	vadd.s32 v1, v4;
	_ =	sdelay $0x1  }
0x219: {  	v3 =	vadd.s32 v1, v3;
	_ =	sdelay $0x1  }
0x21a: {  	s7 =	simm.s32 $0xC800  }
0x21b: {  	[tilespmem:s7], [sflag:$0x1] =	stream.indirect_vreg.gather [hbm4b:s4+s2], $0x80, v4, vm0, $0xb8;
	[tilespmem:$0x10800] =	vst v63  }
0x21c: {  	s14 =	simm.s32 $0xD000  }
0x21d: {  	[tilespmem:s14], [sflag:$0x1] =	stream.indirect_vreg.gather [hbm4b:s4+s2], $0x80, v3, vm0, $0xb8;
	[tilespmem:$0x10800] =	vst v63  }
0x21e: {  	v3 =	vld [tilespmem:$0x2D0];
	_ =	sdelay $0x4  }
0x21f: {  	v37 =	vshll.u32 v3, $0x1  }
0x220: {  	v3 =	vand.u32 $0x7, v3;
	v4 =	vand.u32 $0xFFFFFFF0, v37  }
0x221: {  	v3 =	vor.u32 v3, v4  }
0x222: {  	v4 =	vperm.xlane v3, v0;
	_ =	sdelay $0x1  }
0x223: {  	v3 =	vperm.xlane v3, v2;
	v4 =	vadd.s32 v1, v4;
	_ =	sdelay $0x1  }
0x224: {  	v3 =	vadd.s32 v1, v3;
	_ =	sdelay $0x1  }
0x225: {  	s10 =	simm.s32 $0xD800  }
0x226: {  	[tilespmem:s10], [sflag:$0x1] =	stream.indirect_vreg.gather [hbm4b:s4+s2], $0x80, v4, vm0, $0xb8;
	[tilespmem:$0x10800] =	vst v63  }
0x227: {  	s16 =	simm.s32 $0xE000  }
0x228: {  	[tilespmem:s16], [sflag:$0x1] =	stream.indirect_vreg.gather [hbm4b:s4+s2], $0x80, v3, vm0, $0xb8;
	[tilespmem:$0x10800] =	vst v63  }
0x229: {  	v3 =	vld [tilespmem:$0x2E0];
	_ =	sdelay $0x4  }
0x22a: {  	v38 =	vshll.u32 v3, $0x1  }
0x22b: {  	v3 =	vand.u32 $0x7, v3;
	v4 =	vand.u32 $0xFFFFFFF0, v38  }
0x22c: {  	v3 =	vor.u32 v3, v4  }
0x22d: {  	v4 =	vperm.xlane v3, v0;
	_ =	sdelay $0x1  }
0x22e: {  	v3 =	vperm.xlane v3, v2;
	v4 =	vadd.s32 v1, v4;
	_ =	sdelay $0x1  }
0x22f: {  	v3 =	vadd.s32 v1, v3;
	_ =	sdelay $0x1  }
0x230: {  	s11 =	simm.s32 $0xE800  }
0x231: {  	[tilespmem:s11], [sflag:$0x1] =	stream.indirect_vreg.gather [hbm4b:s4+s2], $0x80, v4, vm0, $0xb8;
	[tilespmem:$0x10800] =	vst v63  }
0x232: {  	s17 =	simm.s32 $0xF000  }
0x233: {  	[tilespmem:s17], [sflag:$0x1] =	stream.indirect_vreg.gather [hbm4b:s4+s2], $0x80, v3, vm0, $0xb8;
	[tilespmem:$0x10800] =	vst v63  }
0x234: {  	v3 =	vld [tilespmem:$0x2F0];
	_ =	sdelay $0x4  }
0x235: {  	v39 =	vshll.u32 v3, $0x1  }
0x236: {  	v3 =	vand.u32 $0x7, v3;
	v4 =	vand.u32 $0xFFFFFFF0, v39  }
0x237: {  	v3 =	vor.u32 v3, v4  }
0x238: {  	v4 =	vperm.xlane v3, v0;
	_ =	sdelay $0x1  }
0x239: {  	v3 =	vperm.xlane v3, v2;
	v4 =	vadd.s32 v1, v4;
	_ =	sdelay $0x1  }
0x23a: {  	v3 =	vadd.s32 v1, v3;
	_ =	sdelay $0x1  }
0x23b: {  	s13 =	simm.s32 $0xF800  }
0x23c: {  	[tilespmem:s13], [sflag:$0x1] =	stream.indirect_vreg.gather [hbm4b:s4+s2], $0x80, v4, vm0, $0xb8;
	[tilespmem:$0x10800] =	vst v63  }
0x23d: {  	s20 =	simm.s32 $0x10000  }
0x23e: {  	[tilespmem:s20], [sflag:$0x1] =	stream.indirect_vreg.gather [hbm4b:s4+s2], $0x80, v3, vm0, $0xb8;
	[tilespmem:$0x10800] =	vst v63  }
0x23f: {  	_ =	swait.ge [sflag:s18], $0x8000  }
0x240: {  	[sflag:s18] =	ssyncset.done $0x0  }
0x241: {  	s17 =	rddreg [dreg:$0x7];
	[sflag:s18] =	ssyncadd.s32 $0xFFFF8000  }
0x242: {  	[hbm4b:s17+s2] =	stream.linear.scatter [tilespmem:s9], [sflag:$0x2], $0x8000, $0x38;
	[tilespmem:$0x10800] =	vst v63  }
0x243: {  	_ =	swait.ge [sflag:s8], $0x8000  }
0x244: {  	[sflag:s8] =	ssyncset.done $0x0  }
0x245: {  	[sflag:s8] =	ssyncadd.s32 $0xFFFF8000  }
0x246: {  	v3 =	vld [tilespmem:$0x300];
	_ =	sdelay $0x4  }
0x247: {  	v40 =	vshll.u32 v3, $0x1  }
0x248: {  	v3 =	vand.u32 $0x7, v3;
	v4 =	vand.u32 $0xFFFFFFF0, v40  }
0x249: {  	v3 =	vor.u32 v3, v4  }
0x24a: {  	v4 =	vperm.xlane v3, v0;
	_ =	sdelay $0x1  }
0x24b: {  	v3 =	vperm.xlane v3, v2;
	v4 =	vadd.s32 v1, v4;
	_ =	sdelay $0x1  }
0x24c: {  	v3 =	vadd.s32 v1, v3;
	_ =	sdelay $0x2  }
0x24d: {  	[tilespmem:s9], [sflag:$0x1] =	stream.indirect_vreg.gather [hbm4b:s4+s2], $0x80, v4, vm0, $0xb8;
	[tilespmem:$0x10800] =	vst v63  }
0x24e: {  	s19 =	simm.s32 $0x1000  }
0x24f: {  	[tilespmem:s19], [sflag:$0x1] =	stream.indirect_vreg.gather [hbm4b:s4+s2], $0x80, v3, vm0, $0xb8;
	[tilespmem:$0x10800] =	vst v63  }
0x250: {  	v3 =	vld [tilespmem:$0x310];
	_ =	sdelay $0x4  }
0x251: {  	v41 =	vshll.u32 v3, $0x1  }
0x252: {  	v3 =	vand.u32 $0x7, v3;
	v4 =	vand.u32 $0xFFFFFFF0, v41  }
0x253: {  	v3 =	vor.u32 v3, v4  }
0x254: {  	v4 =	vperm.xlane v3, v0;
	_ =	sdelay $0x1  }
0x255: {  	v3 =	vperm.xlane v3, v2;
	v4 =	vadd.s32 v1, v4;
	_ =	sdelay $0x1  }
0x256: {  	v3 =	vadd.s32 v1, v3;
	_ =	sdelay $0x1  }
0x257: {  	s20 =	simm.s32 $0x1800  }
0x258: {  	[tilespmem:s20], [sflag:$0x1] =	stream.indirect_vreg.gather [hbm4b:s4+s2], $0x80, v4, vm0, $0xb8;
	[tilespmem:$0x10800] =	vst v63  }
0x259: {  	s26 =	simm.s32 $0x2000  }
0x25a: {  	[tilespmem:s26], [sflag:$0x1] =	stream.indirect_vreg.gather [hbm4b:s4+s2], $0x80, v3, vm0, $0xb8;
	[tilespmem:$0x10800] =	vst v63  }
0x25b: {  	v3 =	vld [tilespmem:$0x320];
	_ =	sdelay $0x4  }
0x25c: {  	v42 =	vshll.u32 v3, $0x1  }
0x25d: {  	v3 =	vand.u32 $0x7, v3;
	v4 =	vand.u32 $0xFFFFFFF0, v42  }
0x25e: {  	v3 =	vor.u32 v3, v4  }
0x25f: {  	v4 =	vperm.xlane v3, v0;
	_ =	sdelay $0x1  }
0x260: {  	v3 =	vperm.xlane v3, v2;
	v4 =	vadd.s32 v1, v4;
	_ =	sdelay $0x1  }
0x261: {  	v3 =	vadd.s32 v1, v3;
	_ =	sdelay $0x1  }
0x262: {  	s19 =	simm.s32 $0x2800  }
0x263: {  	[tilespmem:s19], [sflag:$0x1] =	stream.indirect_vreg.gather [hbm4b:s4+s2], $0x80, v4, vm0, $0xb8;
	[tilespmem:$0x10800] =	vst v63  }
0x264: {  	s20 =	simm.s32 $0x3000  }
0x265: {  	[tilespmem:s20], [sflag:$0x1] =	stream.indirect_vreg.gather [hbm4b:s4+s2], $0x80, v3, vm0, $0xb8;
	[tilespmem:$0x10800] =	vst v63  }
0x266: {  	v3 =	vld [tilespmem:$0x330];
	_ =	sdelay $0x4  }
0x267: {  	v43 =	vshll.u32 v3, $0x1  }
0x268: {  	v3 =	vand.u32 $0x7, v3;
	v4 =	vand.u32 $0xFFFFFFF0, v43  }
0x269: {  	v3 =	vor.u32 v3, v4  }
0x26a: {  	v4 =	vperm.xlane v3, v0;
	_ =	sdelay $0x1  }
0x26b: {  	v3 =	vperm.xlane v3, v2;
	v4 =	vadd.s32 v1, v4;
	_ =	sdelay $0x1  }
0x26c: {  	v3 =	vadd.s32 v1, v3;
	_ =	sdelay $0x1  }
0x26d: {  	s19 =	simm.s32 $0x3800  }
0x26e: {  	[tilespmem:s19], [sflag:$0x1] =	stream.indirect_vreg.gather [hbm4b:s4+s2], $0x80, v4, vm0, $0xb8;
	[tilespmem:$0x10800] =	vst v63  }
0x26f: {  	s31 =	simm.s32 $0x4000  }
0x270: {  	[tilespmem:s31], [sflag:$0x1] =	stream.indirect_vreg.gather [hbm4b:s4+s2], $0x80, v3, vm0, $0xb8;
	[tilespmem:$0x10800] =	vst v63  }
0x271: {  	v3 =	vld [tilespmem:$0x340];
	_ =	sdelay $0x4  }
0x272: {  	v44 =	vshll.u32 v3, $0x1  }
0x273: {  	v3 =	vand.u32 $0x7, v3;
	v4 =	vand.u32 $0xFFFFFFF0, v44  }
0x274: {  	v3 =	vor.u32 v3, v4  }
0x275: {  	v4 =	vperm.xlane v3, v0;
	_ =	sdelay $0x1  }
0x276: {  	v3 =	vperm.xlane v3, v2;
	v4 =	vadd.s32 v1, v4;
	_ =	sdelay $0x1  }
0x277: {  	v3 =	vadd.s32 v1, v3;
	_ =	sdelay $0x1  }
0x278: {  	s20 =	simm.s32 $0x4800  }
0x279: {  	[tilespmem:s20], [sflag:$0x1] =	stream.indirect_vreg.gather [hbm4b:s4+s2], $0x80, v4, vm0, $0xb8;
	[tilespmem:$0x10800] =	vst v63  }
0x27a: {  	s31 =	simm.s32 $0x5000  }
0x27b: {  	[tilespmem:s31], [sflag:$0x1] =	stream.indirect_vreg.gather [hbm4b:s4+s2], $0x80, v3, vm0, $0xb8;
	[tilespmem:$0x10800] =	vst v63  }
0x27c: {  	v3 =	vld [tilespmem:$0x350];
	_ =	sdelay $0x4  }
0x27d: {  	v45 =	vshll.u32 v3, $0x1  }
0x27e: {  	v3 =	vand.u32 $0x7, v3;
	v4 =	vand.u32 $0xFFFFFFF0, v45  }
0x27f: {  	v3 =	vor.u32 v3, v4  }
0x280: {  	v4 =	vperm.xlane v3, v0;
	_ =	sdelay $0x1  }
0x281: {  	v3 =	vperm.xlane v3, v2;
	v4 =	vadd.s32 v1, v4;
	_ =	sdelay $0x1  }
0x282: {  	v3 =	vadd.s32 v1, v3;
	_ =	sdelay $0x1  }
0x283: {  	s20 =	simm.s32 $0x5800  }
0x284: {  	[tilespmem:s20], [sflag:$0x1] =	stream.indirect_vreg.gather [hbm4b:s4+s2], $0x80, v4, vm0, $0xb8;
	[tilespmem:$0x10800] =	vst v63  }
0x285: {  	s28 =	simm.s32 $0x6000  }
0x286: {  	[tilespmem:s28], [sflag:$0x1] =	stream.indirect_vreg.gather [hbm4b:s4+s2], $0x80, v3, vm0, $0xb8;
	[tilespmem:$0x10800] =	vst v63  }
0x287: {  	v3 =	vld [tilespmem:$0x360];
	_ =	sdelay $0x4  }
0x288: {  	v46 =	vshll.u32 v3, $0x1  }
0x289: {  	v3 =	vand.u32 $0x7, v3;
	v4 =	vand.u32 $0xFFFFFFF0, v46  }
0x28a: {  	v3 =	vor.u32 v3, v4  }
0x28b: {  	v4 =	vperm.xlane v3, v0;
	_ =	sdelay $0x1  }
0x28c: {  	v3 =	vperm.xlane v3, v2;
	v4 =	vadd.s32 v1, v4;
	_ =	sdelay $0x1  }
0x28d: {  	v3 =	vadd.s32 v1, v3;
	_ =	sdelay $0x1  }
0x28e: {  	s0 =	simm.s32 $0x6800  }
0x28f: {  	[tilespmem:s0], [sflag:$0x1] =	stream.indirect_vreg.gather [hbm4b:s4+s2], $0x80, v4, vm0, $0xb8;
	[tilespmem:$0x10800] =	vst v63  }
0x290: {  	s23 =	simm.s32 $0x7000  }
0x291: {  	[tilespmem:s23], [sflag:$0x1] =	stream.indirect_vreg.gather [hbm4b:s4+s2], $0x80, v3, vm0, $0xb8;
	[tilespmem:$0x10800] =	vst v63  }
0x292: {  	v3 =	vld [tilespmem:$0x370];
	_ =	sdelay $0x4  }
0x293: {  	v47 =	vshll.u32 v3, $0x1  }
0x294: {  	v3 =	vand.u32 $0x7, v3;
	v4 =	vand.u32 $0xFFFFFFF0, v47  }
0x295: {  	v3 =	vor.u32 v3, v4  }
0x296: {  	v4 =	vperm.xlane v3, v0;
	_ =	sdelay $0x1  }
0x297: {  	v3 =	vperm.xlane v3, v2;
	v4 =	vadd.s32 v1, v4;
	_ =	sdelay $0x1  }
0x298: {  	v3 =	vadd.s32 v1, v3;
	_ =	sdelay $0x1  }
0x299: {  	s24 =	simm.s32 $0x7800  }
0x29a: {  	[tilespmem:s24], [sflag:$0x1] =	stream.indirect_vreg.gather [hbm4b:s4+s2], $0x80, v4, vm0, $0xb8;
	[tilespmem:$0x10800] =	vst v63  }
0x29b: {  	s29 =	simm.s32 $0x8000  }
0x29c: {  	[tilespmem:s29], [sflag:$0x1] =	stream.indirect_vreg.gather [hbm4b:s4+s2], $0x80, v3, vm0, $0xb8;
	[tilespmem:$0x10800] =	vst v63  }
0x29d: {  	_ =	swait.ge [sflag:s18], $0x8000  }
0x29e: {  	[sflag:s18] =	ssyncset.done $0x0  }
0x29f: {  	s19 =	rddreg [dreg:$0x8];
	[sflag:s18] =	ssyncadd.s32 $0xFFFF8000  }
0x2a0: {  	[hbm4b:s19+s2] =	stream.linear.scatter [tilespmem:s25], [sflag:$0x2], $0x8000, $0x38;
	[tilespmem:$0x10800] =	vst v63  }
0x2a1: {  	_ =	swait.ge [sflag:s8], $0x8000  }
0x2a2: {  	[sflag:s8] =	ssyncset.done $0x0  }
0x2a3: {  	[sflag:s8] =	ssyncadd.s32 $0xFFFF8000  }
0x2a4: {  	v3 =	vld [tilespmem:$0x380];
	_ =	sdelay $0x4  }
0x2a5: {  	v48 =	vshll.u32 v3, $0x1  }
0x2a6: {  	v3 =	vand.u32 $0x7, v3;
	v4 =	vand.u32 $0xFFFFFFF0, v48  }
0x2a7: {  	v3 =	vor.u32 v3, v4  }
0x2a8: {  	v4 =	vperm.xlane v3, v0;
	_ =	sdelay $0x1  }
0x2a9: {  	v3 =	vperm.xlane v3, v2;
	v4 =	vadd.s32 v1, v4;
	_ =	sdelay $0x1  }
0x2aa: {  	v3 =	vadd.s32 v1, v3;
	_ =	sdelay $0x2  }
0x2ab: {  	[tilespmem:s25], [sflag:$0x1] =	stream.indirect_vreg.gather [hbm4b:s4+s2], $0x80, v4, vm0, $0xb8;
	[tilespmem:$0x10800] =	vst v63  }
0x2ac: {  	s19 =	simm.s32 $0x9000  }
0x2ad: {  	[tilespmem:s19], [sflag:$0x1] =	stream.indirect_vreg.gather [hbm4b:s4+s2], $0x80, v3, vm0, $0xb8;
	[tilespmem:$0x10800] =	vst v63  }
0x2ae: {  	v3 =	vld [tilespmem:$0x390];
	_ =	sdelay $0x4  }
0x2af: {  	v49 =	vshll.u32 v3, $0x1  }
0x2b0: {  	v3 =	vand.u32 $0x7, v3;
	v4 =	vand.u32 $0xFFFFFFF0, v49  }
0x2b1: {  	v3 =	vor.u32 v3, v4  }
0x2b2: {  	v4 =	vperm.xlane v3, v0;
	_ =	sdelay $0x1  }
0x2b3: {  	v3 =	vperm.xlane v3, v2;
	v4 =	vadd.s32 v1, v4;
	_ =	sdelay $0x1  }
0x2b4: {  	v3 =	vadd.s32 v1, v3;
	_ =	sdelay $0x1  }
0x2b5: {  	s15 =	simm.s32 $0x9800  }
0x2b6: {  	[tilespmem:s15], [sflag:$0x1] =	stream.indirect_vreg.gather [hbm4b:s4+s2], $0x80, v4, vm0, $0xb8;
	[tilespmem:$0x10800] =	vst v63  }
0x2b7: {  	s19 =	simm.s32 $0xA000  }
0x2b8: {  	[tilespmem:s19], [sflag:$0x1] =	stream.indirect_vreg.gather [hbm4b:s4+s2], $0x80, v3, vm0, $0xb8;
	[tilespmem:$0x10800] =	vst v63  }
0x2b9: {  	v3 =	vld [tilespmem:$0x3A0];
	_ =	sdelay $0x4  }
0x2ba: {  	v50 =	vshll.u32 v3, $0x1  }
0x2bb: {  	v3 =	vand.u32 $0x7, v3;
	v4 =	vand.u32 $0xFFFFFFF0, v50  }
0x2bc: {  	v3 =	vor.u32 v3, v4  }
0x2bd: {  	v4 =	vperm.xlane v3, v0;
	_ =	sdelay $0x1  }
0x2be: {  	v3 =	vperm.xlane v3, v2;
	v4 =	vadd.s32 v1, v4;
	_ =	sdelay $0x1  }
0x2bf: {  	v3 =	vadd.s32 v1, v3;
	_ =	sdelay $0x1  }
0x2c0: {  	s12 =	simm.s32 $0xA800  }
0x2c1: {  	[tilespmem:s12], [sflag:$0x1] =	stream.indirect_vreg.gather [hbm4b:s4+s2], $0x80, v4, vm0, $0xb8;
	[tilespmem:$0x10800] =	vst v63  }
0x2c2: {  	s19 =	simm.s32 $0xB000  }
0x2c3: {  	[tilespmem:s19], [sflag:$0x1] =	stream.indirect_vreg.gather [hbm4b:s4+s2], $0x80, v3, vm0, $0xb8;
	[tilespmem:$0x10800] =	vst v63  }
0x2c4: {  	v3 =	vld [tilespmem:$0x3B0];
	_ =	sdelay $0x4  }
0x2c5: {  	v51 =	vshll.u32 v3, $0x1  }
0x2c6: {  	v3 =	vand.u32 $0x7, v3;
	v4 =	vand.u32 $0xFFFFFFF0, v51  }
0x2c7: {  	v3 =	vor.u32 v3, v4  }
0x2c8: {  	v4 =	vperm.xlane v3, v0;
	_ =	sdelay $0x1  }
0x2c9: {  	v3 =	vperm.xlane v3, v2;
	v4 =	vadd.s32 v1, v4;
	_ =	sdelay $0x1  }
0x2ca: {  	v3 =	vadd.s32 v1, v3;
	_ =	sdelay $0x1  }
0x2cb: {  	s1 =	simm.s32 $0xB800  }
0x2cc: {  	[tilespmem:s1], [sflag:$0x1] =	stream.indirect_vreg.gather [hbm4b:s4+s2], $0x80, v4, vm0, $0xb8;
	[tilespmem:$0x10800] =	vst v63  }
0x2cd: {  	s22 =	simm.s32 $0xC000  }
0x2ce: {  	[tilespmem:s22], [sflag:$0x1] =	stream.indirect_vreg.gather [hbm4b:s4+s2], $0x80, v3, vm0, $0xb8;
	[tilespmem:$0x10800] =	vst v63  }
0x2cf: {  	v3 =	vld [tilespmem:$0x3C0];
	_ =	sdelay $0x4  }
0x2d0: {  	v52 =	vshll.u32 v3, $0x1  }
0x2d1: {  	v3 =	vand.u32 $0x7, v3;
	v4 =	vand.u32 $0xFFFFFFF0, v52  }
0x2d2: {  	v3 =	vor.u32 v3, v4  }
0x2d3: {  	v4 =	vperm.xlane v3, v0;
	_ =	sdelay $0x1  }
0x2d4: {  	v3 =	vperm.xlane v3, v2;
	v4 =	vadd.s32 v1, v4;
	_ =	sdelay $0x1  }
0x2d5: {  	v3 =	vadd.s32 v1, v3;
	_ =	sdelay $0x1  }
0x2d6: {  	s7 =	simm.s32 $0xC800  }
0x2d7: {  	[tilespmem:s7], [sflag:$0x1] =	stream.indirect_vreg.gather [hbm4b:s4+s2], $0x80, v4, vm0, $0xb8;
	[tilespmem:$0x10800] =	vst v63  }
0x2d8: {  	s30 =	simm.s32 $0xD000  }
0x2d9: {  	[tilespmem:s30], [sflag:$0x1] =	stream.indirect_vreg.gather [hbm4b:s4+s2], $0x80, v3, vm0, $0xb8;
	[tilespmem:$0x10800] =	vst v63  }
0x2da: {  	v3 =	vld [tilespmem:$0x3D0];
	_ =	sdelay $0x4  }
0x2db: {  	v53 =	vshll.u32 v3, $0x1  }
0x2dc: {  	v3 =	vand.u32 $0x7, v3;
	v4 =	vand.u32 $0xFFFFFFF0, v53  }
0x2dd: {  	v3 =	vor.u32 v3, v4  }
0x2de: {  	v4 =	vperm.xlane v3, v0;
	_ =	sdelay $0x1  }
0x2df: {  	v3 =	vperm.xlane v3, v2;
	v4 =	vadd.s32 v1, v4;
	_ =	sdelay $0x1  }
0x2e0: {  	v3 =	vadd.s32 v1, v3;
	_ =	sdelay $0x1  }
0x2e1: {  	s10 =	simm.s32 $0xD800  }
0x2e2: {  	[tilespmem:s10], [sflag:$0x1] =	stream.indirect_vreg.gather [hbm4b:s4+s2], $0x80, v4, vm0, $0xb8;
	[tilespmem:$0x10800] =	vst v63  }
0x2e3: {  	s21 =	simm.s32 $0xE000  }
0x2e4: {  	[tilespmem:s21], [sflag:$0x1] =	stream.indirect_vreg.gather [hbm4b:s4+s2], $0x80, v3, vm0, $0xb8;
	[tilespmem:$0x10800] =	vst v63  }
0x2e5: {  	v3 =	vld [tilespmem:$0x3E0];
	_ =	sdelay $0x4  }
0x2e6: {  	v54 =	vshll.u32 v3, $0x1  }
0x2e7: {  	v3 =	vand.u32 $0x7, v3;
	v4 =	vand.u32 $0xFFFFFFF0, v54  }
0x2e8: {  	v3 =	vor.u32 v3, v4  }
0x2e9: {  	v4 =	vperm.xlane v3, v0;
	_ =	sdelay $0x1  }
0x2ea: {  	v3 =	vperm.xlane v3, v2;
	v4 =	vadd.s32 v1, v4;
	_ =	sdelay $0x1  }
0x2eb: {  	v3 =	vadd.s32 v1, v3;
	_ =	sdelay $0x1  }
0x2ec: {  	s11 =	simm.s32 $0xE800  }
0x2ed: {  	[tilespmem:s11], [sflag:$0x1] =	stream.indirect_vreg.gather [hbm4b:s4+s2], $0x80, v4, vm0, $0xb8;
	[tilespmem:$0x10800] =	vst v63  }
0x2ee: {  	s14 =	simm.s32 $0xF000  }
0x2ef: {  	[tilespmem:s14], [sflag:$0x1] =	stream.indirect_vreg.gather [hbm4b:s4+s2], $0x80, v3, vm0, $0xb8;
	[tilespmem:$0x10800] =	vst v63  }
0x2f0: {  	v3 =	vld [tilespmem:$0x3F0];
	_ =	sdelay $0x4  }
0x2f1: {  	v55 =	vshll.u32 v3, $0x1  }
0x2f2: {  	v3 =	vand.u32 $0x7, v3;
	v4 =	vand.u32 $0xFFFFFFF0, v55  }
0x2f3: {  	v3 =	vor.u32 v3, v4  }
0x2f4: {  	v4 =	vperm.xlane v3, v0;
	_ =	sdelay $0x1  }
0x2f5: {  	v3 =	vperm.xlane v3, v2;
	v4 =	vadd.s32 v1, v4;
	_ =	sdelay $0x1  }
0x2f6: {  	v3 =	vadd.s32 v1, v3;
	_ =	sdelay $0x1  }
0x2f7: {  	s13 =	simm.s32 $0xF800  }
0x2f8: {  	[tilespmem:s13], [sflag:$0x1] =	stream.indirect_vreg.gather [hbm4b:s4+s2], $0x80, v4, vm0, $0xb8;
	[tilespmem:$0x10800] =	vst v63  }
0x2f9: {  	s16 =	simm.s32 $0x10000  }
0x2fa: {  	[tilespmem:s16], [sflag:$0x1] =	stream.indirect_vreg.gather [hbm4b:s4+s2], $0x80, v3, vm0, $0xb8;
	[tilespmem:$0x10800] =	vst v63  }
0x2fb: {  	_ =	swait.ge [sflag:s18], $0x8000  }
0x2fc: {  	[sflag:s18] =	ssyncset.done $0x0  }
0x2fd: {  	s19 =	rddreg [dreg:$0x9];
	[sflag:s18] =	ssyncadd.s32 $0xFFFF8000  }
0x2fe: {  	[hbm4b:s19+s2] =	stream.linear.scatter [tilespmem:s9], [sflag:$0x2], $0x8000, $0x38;
	[tilespmem:$0x10800] =	vst v63  }
0x2ff: {  	_ =	swait.ge [sflag:s8], $0x8000  }
0x300: {  	[sflag:s8] =	ssyncset.done $0x0  }
0x301: {  	[sflag:s8] =	ssyncadd.s32 $0xFFFF8000  }
0x302: {  	v3 =	vld [tilespmem:$0x400];
	_ =	sdelay $0x4  }
0x303: {  	v56 =	vshll.u32 v3, $0x1  }
0x304: {  	v3 =	vand.u32 $0x7, v3;
	v4 =	vand.u32 $0xFFFFFFF0, v56  }
0x305: {  	v3 =	vor.u32 v3, v4  }
0x306: {  	v4 =	vperm.xlane v3, v0;
	_ =	sdelay $0x1  }
0x307: {  	v3 =	vperm.xlane v3, v2;
	v4 =	vadd.s32 v1, v4;
	_ =	sdelay $0x1  }
0x308: {  	v3 =	vadd.s32 v1, v3;
	_ =	sdelay $0x2  }
0x309: {  	[tilespmem:s9], [sflag:$0x1] =	stream.indirect_vreg.gather [hbm4b:s5+s2], $0x80, v4, vm0, $0xb8;
	[tilespmem:$0x10800] =	vst v63  }
0x30a: {  	s19 =	simm.s32 $0x1000  }
0x30b: {  	[tilespmem:s19], [sflag:$0x1] =	stream.indirect_vreg.gather [hbm4b:s5+s2], $0x80, v3, vm0, $0xb8;
	[tilespmem:$0x10800] =	vst v63  }
0x30c: {  	v3 =	vld [tilespmem:$0x410];
	_ =	sdelay $0x4  }
0x30d: {  	v57 =	vshll.u32 v3, $0x1  }
0x30e: {  	v3 =	vand.u32 $0x7, v3;
	v4 =	vand.u32 $0xFFFFFFF0, v57  }
0x30f: {  	v3 =	vor.u32 v3, v4  }
0x310: {  	v4 =	vperm.xlane v3, v0;
	_ =	sdelay $0x1  }
0x311: {  	v3 =	vperm.xlane v3, v2;
	v4 =	vadd.s32 v1, v4;
	_ =	sdelay $0x1  }
0x312: {  	v3 =	vadd.s32 v1, v3;
	_ =	sdelay $0x1  }
0x313: {  	s19 =	simm.s32 $0x1800  }
0x314: {  	[tilespmem:s19], [sflag:$0x1] =	stream.indirect_vreg.gather [hbm4b:s5+s2], $0x80, v4, vm0, $0xb8;
	[tilespmem:$0x10800] =	vst v63  }
0x315: {  	s26 =	simm.s32 $0x2000  }
0x316: {  	[tilespmem:s26], [sflag:$0x1] =	stream.indirect_vreg.gather [hbm4b:s5+s2], $0x80, v3, vm0, $0xb8;
	[tilespmem:$0x10800] =	vst v63  }
0x317: {  	v3 =	vld [tilespmem:$0x420];
	_ =	sdelay $0x4  }
0x318: {  	v58 =	vshll.u32 v3, $0x1  }
0x319: {  	v3 =	vand.u32 $0x7, v3;
	v4 =	vand.u32 $0xFFFFFFF0, v58  }
0x31a: {  	v3 =	vor.u32 v3, v4  }
0x31b: {  	v4 =	vperm.xlane v3, v0;
	_ =	sdelay $0x1  }
0x31c: {  	v3 =	vperm.xlane v3, v2;
	v4 =	vadd.s32 v1, v4;
	_ =	sdelay $0x1  }
0x31d: {  	v3 =	vadd.s32 v1, v3;
	_ =	sdelay $0x1  }
0x31e: {  	s19 =	simm.s32 $0x2800  }
0x31f: {  	[tilespmem:s19], [sflag:$0x1] =	stream.indirect_vreg.gather [hbm4b:s5+s2], $0x80, v4, vm0, $0xb8;
	[tilespmem:$0x10800] =	vst v63  }
0x320: {  	s19 =	simm.s32 $0x3000  }
0x321: {  	[tilespmem:s19], [sflag:$0x1] =	stream.indirect_vreg.gather [hbm4b:s5+s2], $0x80, v3, vm0, $0xb8;
	[tilespmem:$0x10800] =	vst v63  }
0x322: {  	v3 =	vld [tilespmem:$0x430];
	_ =	sdelay $0x4  }
0x323: {  	v59 =	vshll.u32 v3, $0x1  }
0x324: {  	v3 =	vand.u32 $0x7, v3;
	v4 =	vand.u32 $0xFFFFFFF0, v59  }
0x325: {  	v3 =	vor.u32 v3, v4  }
0x326: {  	v4 =	vperm.xlane v3, v0;
	_ =	sdelay $0x1  }
0x327: {  	v3 =	vperm.xlane v3, v2;
	v4 =	vadd.s32 v1, v4;
	_ =	sdelay $0x1  }
0x328: {  	v3 =	vadd.s32 v1, v3;
	_ =	sdelay $0x1  }
0x329: {  	s19 =	simm.s32 $0x3800  }
0x32a: {  	[tilespmem:s19], [sflag:$0x1] =	stream.indirect_vreg.gather [hbm4b:s5+s2], $0x80, v4, vm0, $0xb8;
	[tilespmem:$0x10800] =	vst v63  }
0x32b: {  	s17 =	simm.s32 $0x4000  }
0x32c: {  	[tilespmem:s17], [sflag:$0x1] =	stream.indirect_vreg.gather [hbm4b:s5+s2], $0x80, v3, vm0, $0xb8;
	[tilespmem:$0x10800] =	vst v63  }
0x32d: {  	v3 =	vld [tilespmem:$0x440];
	_ =	sdelay $0x4  }
0x32e: {  	v60 =	vshll.u32 v3, $0x1  }
0x32f: {  	v3 =	vand.u32 $0x7, v3;
	v4 =	vand.u32 $0xFFFFFFF0, v60  }
0x330: {  	v3 =	vor.u32 v3, v4  }
0x331: {  	v4 =	vperm.xlane v3, v0;
	_ =	sdelay $0x1  }
0x332: {  	v3 =	vperm.xlane v3, v2;
	v4 =	vadd.s32 v1, v4;
	_ =	sdelay $0x1  }
0x333: {  	v3 =	vadd.s32 v1, v3;
	_ =	sdelay $0x1  }
0x334: {  	s19 =	simm.s32 $0x4800  }
0x335: {  	[tilespmem:s19], [sflag:$0x1] =	stream.indirect_vreg.gather [hbm4b:s5+s2], $0x80, v4, vm0, $0xb8;
	[tilespmem:$0x10800] =	vst v63  }
0x336: {  	s31 =	simm.s32 $0x5000  }
0x337: {  	[tilespmem:s31], [sflag:$0x1] =	stream.indirect_vreg.gather [hbm4b:s5+s2], $0x80, v3, vm0, $0xb8;
	[tilespmem:$0x10800] =	vst v63  }
0x338: {  	v3 =	vld [tilespmem:$0x450];
	_ =	sdelay $0x4  }
0x339: {  	v61 =	vshll.u32 v3, $0x1  }
0x33a: {  	v3 =	vand.u32 $0x7, v3;
	v4 =	vand.u32 $0xFFFFFFF0, v61  }
0x33b: {  	v3 =	vor.u32 v3, v4  }
0x33c: {  	v4 =	vperm.xlane v3, v0;
	_ =	sdelay $0x1  }
0x33d: {  	v3 =	vperm.xlane v3, v2;
	v4 =	vadd.s32 v1, v4;
	_ =	sdelay $0x1  }
0x33e: {  	v3 =	vadd.s32 v1, v3;
	_ =	sdelay $0x1  }
0x33f: {  	s20 =	simm.s32 $0x5800  }
0x340: {  	[tilespmem:s20], [sflag:$0x1] =	stream.indirect_vreg.gather [hbm4b:s5+s2], $0x80, v4, vm0, $0xb8;
	[tilespmem:$0x10800] =	vst v63  }
0x341: {  	s28 =	simm.s32 $0x6000  }
0x342: {  	[tilespmem:s28], [sflag:$0x1] =	stream.indirect_vreg.gather [hbm4b:s5+s2], $0x80, v3, vm0, $0xb8;
	[tilespmem:$0x10800] =	vst v63  }
0x343: {  	v3 =	vld [tilespmem:$0x460];
	_ =	sdelay $0x4  }
0x344: {  	v62 =	vshll.u32 v3, $0x1  }
0x345: {  	v3 =	vand.u32 $0x7, v3;
	v4 =	vand.u32 $0xFFFFFFF0, v62  }
0x346: {  	v3 =	vor.u32 v3, v4  }
0x347: {  	v4 =	vperm.xlane v3, v0;
	_ =	sdelay $0x1  }
0x348: {  	v3 =	vperm.xlane v3, v2;
	v4 =	vadd.s32 v1, v4;
	_ =	sdelay $0x1  }
0x349: {  	v3 =	vadd.s32 v1, v3;
	_ =	sdelay $0x1  }
0x34a: {  	s0 =	simm.s32 $0x6800  }
0x34b: {  	[tilespmem:s0], [sflag:$0x1] =	stream.indirect_vreg.gather [hbm4b:s5+s2], $0x80, v4, vm0, $0xb8;
	[tilespmem:$0x10800] =	vst v63  }
0x34c: {  	s23 =	simm.s32 $0x7000  }
0x34d: {  	[tilespmem:s23], [sflag:$0x1] =	stream.indirect_vreg.gather [hbm4b:s5+s2], $0x80, v3, vm0, $0xb8;
	[tilespmem:$0x10800] =	vst v63  }
0x34e: {  	v3 =	vld [tilespmem:$0x470];
	_ =	sdelay $0x4  }
0x34f: {  	v63 =	vshll.u32 v3, $0x1  }
0x350: {  	v3 =	vand.u32 $0x7, v3;
	v4 =	vand.u32 $0xFFFFFFF0, v63  }
0x351: {  	v3 =	vor.u32 v3, v4  }
0x352: {  	v4 =	vperm.xlane v3, v0;
	_ =	sdelay $0x1  }
0x353: {  	v3 =	vperm.xlane v3, v2;
	v4 =	vadd.s32 v1, v4;
	_ =	sdelay $0x1  }
0x354: {  	v3 =	vadd.s32 v1, v3;
	_ =	sdelay $0x1  }
0x355: {  	s24 =	simm.s32 $0x7800  }
0x356: {  	[tilespmem:s24], [sflag:$0x1] =	stream.indirect_vreg.gather [hbm4b:s5+s2], $0x80, v4, vm0, $0xb8;
	[tilespmem:$0x10800] =	vst v63  }
0x357: {  	s29 =	simm.s32 $0x8000  }
0x358: {  	[tilespmem:s29], [sflag:$0x1] =	stream.indirect_vreg.gather [hbm4b:s5+s2], $0x80, v3, vm0, $0xb8;
	[tilespmem:$0x10800] =	vst v63  }
0x359: {  	_ =	swait.ge [sflag:s18], $0x8000  }
0x35a: {  	[sflag:s18] =	ssyncset.done $0x0  }
0x35b: {  	s19 =	rddreg [dreg:$0xa];
	[sflag:s18] =	ssyncadd.s32 $0xFFFF8000  }
0x35c: {  	[hbm4b:s19+s2] =	stream.linear.scatter [tilespmem:s25], [sflag:$0x2], $0x8000, $0x38;
	[tilespmem:$0x10800] =	vst v63  }
0x35d: {  	_ =	swait.ge [sflag:s8], $0x8000  }
0x35e: {  	[sflag:s8] =	ssyncset.done $0x0  }
0x35f: {  	[sflag:s8] =	ssyncadd.s32 $0xFFFF8000  }
0x360: {  	v3 =	vld [tilespmem:$0x480];
	_ =	sdelay $0x4  }
0x361: {  	v8 =	vshll.u32 v3, $0x1  }
0x362: {  	v3 =	vand.u32 $0x7, v3;
	v4 =	vand.u32 $0xFFFFFFF0, v8  }
0x363: {  	v3 =	vor.u32 v3, v4  }
0x364: {  	v4 =	vperm.xlane v3, v0;
	_ =	sdelay $0x1  }
0x365: {  	v3 =	vperm.xlane v3, v2;
	v4 =	vadd.s32 v1, v4;
	_ =	sdelay $0x1  }
0x366: {  	v3 =	vadd.s32 v1, v3;
	_ =	sdelay $0x2  }
0x367: {  	[tilespmem:s25], [sflag:$0x1] =	stream.indirect_vreg.gather [hbm4b:s5+s2], $0x80, v4, vm0, $0xb8;
	[tilespmem:$0x10800] =	vst v63  }
0x368: {  	s19 =	simm.s32 $0x9000  }
0x369: {  	[tilespmem:s19], [sflag:$0x1] =	stream.indirect_vreg.gather [hbm4b:s5+s2], $0x80, v3, vm0, $0xb8;
	[tilespmem:$0x10800] =	vst v63  }
0x36a: {  	v3 =	vld [tilespmem:$0x490];
	_ =	sdelay $0x4  }
0x36b: {  	v9 =	vshll.u32 v3, $0x1  }
0x36c: {  	v3 =	vand.u32 $0x7, v3;
	v4 =	vand.u32 $0xFFFFFFF0, v9  }
0x36d: {  	v3 =	vor.u32 v3, v4  }
0x36e: {  	v4 =	vperm.xlane v3, v0;
	_ =	sdelay $0x1  }
0x36f: {  	v3 =	vperm.xlane v3, v2;
	v4 =	vadd.s32 v1, v4;
	_ =	sdelay $0x1  }
0x370: {  	v3 =	vadd.s32 v1, v3;
	_ =	sdelay $0x1  }
0x371: {  	s15 =	simm.s32 $0x9800  }
0x372: {  	[tilespmem:s15], [sflag:$0x1] =	stream.indirect_vreg.gather [hbm4b:s5+s2], $0x80, v4, vm0, $0xb8;
	[tilespmem:$0x10800] =	vst v63  }
0x373: {  	s19 =	simm.s32 $0xA000  }
0x374: {  	[tilespmem:s19], [sflag:$0x1] =	stream.indirect_vreg.gather [hbm4b:s5+s2], $0x80, v3, vm0, $0xb8;
	[tilespmem:$0x10800] =	vst v63  }
0x375: {  	v3 =	vld [tilespmem:$0x4A0];
	_ =	sdelay $0x4  }
0x376: {  	v10 =	vshll.u32 v3, $0x1  }
0x377: {  	v3 =	vand.u32 $0x7, v3;
	v4 =	vand.u32 $0xFFFFFFF0, v10  }
0x378: {  	v3 =	vor.u32 v3, v4  }
0x379: {  	v4 =	vperm.xlane v3, v0;
	_ =	sdelay $0x1  }
0x37a: {  	v3 =	vperm.xlane v3, v2;
	v4 =	vadd.s32 v1, v4;
	_ =	sdelay $0x1  }
0x37b: {  	v3 =	vadd.s32 v1, v3;
	_ =	sdelay $0x1  }
0x37c: {  	s12 =	simm.s32 $0xA800  }
0x37d: {  	[tilespmem:s12], [sflag:$0x1] =	stream.indirect_vreg.gather [hbm4b:s5+s2], $0x80, v4, vm0, $0xb8;
	[tilespmem:$0x10800] =	vst v63  }
0x37e: {  	s19 =	simm.s32 $0xB000  }
0x37f: {  	[tilespmem:s19], [sflag:$0x1] =	stream.indirect_vreg.gather [hbm4b:s5+s2], $0x80, v3, vm0, $0xb8;
	[tilespmem:$0x10800] =	vst v63  }
0x380: {  	v3 =	vld [tilespmem:$0x4B0];
	_ =	sdelay $0x4  }
0x381: {  	v11 =	vshll.u32 v3, $0x1  }
0x382: {  	v3 =	vand.u32 $0x7, v3;
	v4 =	vand.u32 $0xFFFFFFF0, v11  }
0x383: {  	v3 =	vor.u32 v3, v4  }
0x384: {  	v4 =	vperm.xlane v3, v0;
	_ =	sdelay $0x1  }
0x385: {  	v3 =	vperm.xlane v3, v2;
	v4 =	vadd.s32 v1, v4;
	_ =	sdelay $0x1  }
0x386: {  	v3 =	vadd.s32 v1, v3;
	_ =	sdelay $0x1  }
0x387: {  	s1 =	simm.s32 $0xB800  }
0x388: {  	[tilespmem:s1], [sflag:$0x1] =	stream.indirect_vreg.gather [hbm4b:s5+s2], $0x80, v4, vm0, $0xb8;
	[tilespmem:$0x10800] =	vst v63  }
0x389: {  	s22 =	simm.s32 $0xC000  }
0x38a: {  	[tilespmem:s22], [sflag:$0x1] =	stream.indirect_vreg.gather [hbm4b:s5+s2], $0x80, v3, vm0, $0xb8;
	[tilespmem:$0x10800] =	vst v63  }
0x38b: {  	v3 =	vld [tilespmem:$0x4C0];
	_ =	sdelay $0x4  }
0x38c: {  	v12 =	vshll.u32 v3, $0x1  }
0x38d: {  	v3 =	vand.u32 $0x7, v3;
	v4 =	vand.u32 $0xFFFFFFF0, v12  }
0x38e: {  	v3 =	vor.u32 v3, v4  }
0x38f: {  	v4 =	vperm.xlane v3, v0;
	_ =	sdelay $0x1  }
0x390: {  	v3 =	vperm.xlane v3, v2;
	v4 =	vadd.s32 v1, v4;
	_ =	sdelay $0x1  }
0x391: {  	v3 =	vadd.s32 v1, v3;
	_ =	sdelay $0x1  }
0x392: {  	s7 =	simm.s32 $0xC800  }
0x393: {  	[tilespmem:s7], [sflag:$0x1] =	stream.indirect_vreg.gather [hbm4b:s5+s2], $0x80, v4, vm0, $0xb8;
	[tilespmem:$0x10800] =	vst v63  }
0x394: {  	s30 =	simm.s32 $0xD000  }
0x395: {  	[tilespmem:s30], [sflag:$0x1] =	stream.indirect_vreg.gather [hbm4b:s5+s2], $0x80, v3, vm0, $0xb8;
	[tilespmem:$0x10800] =	vst v63  }
0x396: {  	v3 =	vld [tilespmem:$0x4D0];
	_ =	sdelay $0x4  }
0x397: {  	v13 =	vshll.u32 v3, $0x1  }
0x398: {  	v3 =	vand.u32 $0x7, v3;
	v4 =	vand.u32 $0xFFFFFFF0, v13  }
0x399: {  	v3 =	vor.u32 v3, v4  }
0x39a: {  	v4 =	vperm.xlane v3, v0;
	_ =	sdelay $0x1  }
0x39b: {  	v3 =	vperm.xlane v3, v2;
	v4 =	vadd.s32 v1, v4;
	_ =	sdelay $0x1  }
0x39c: {  	v3 =	vadd.s32 v1, v3;
	_ =	sdelay $0x1  }
0x39d: {  	s10 =	simm.s32 $0xD800  }
0x39e: {  	[tilespmem:s10], [sflag:$0x1] =	stream.indirect_vreg.gather [hbm4b:s5+s2], $0x80, v4, vm0, $0xb8;
	[tilespmem:$0x10800] =	vst v63  }
0x39f: {  	s21 =	simm.s32 $0xE000  }
0x3a0: {  	[tilespmem:s21], [sflag:$0x1] =	stream.indirect_vreg.gather [hbm4b:s5+s2], $0x80, v3, vm0, $0xb8;
	[tilespmem:$0x10800] =	vst v63  }
0x3a1: {  	v3 =	vld [tilespmem:$0x4E0];
	_ =	sdelay $0x4  }
0x3a2: {  	v14 =	vshll.u32 v3, $0x1  }
0x3a3: {  	v3 =	vand.u32 $0x7, v3;
	v4 =	vand.u32 $0xFFFFFFF0, v14  }
0x3a4: {  	v3 =	vor.u32 v3, v4  }
0x3a5: {  	v4 =	vperm.xlane v3, v0;
	_ =	sdelay $0x1  }
0x3a6: {  	v3 =	vperm.xlane v3, v2;
	v4 =	vadd.s32 v1, v4;
	_ =	sdelay $0x1  }
0x3a7: {  	v3 =	vadd.s32 v1, v3;
	_ =	sdelay $0x1  }
0x3a8: {  	s11 =	simm.s32 $0xE800  }
0x3a9: {  	[tilespmem:s11], [sflag:$0x1] =	stream.indirect_vreg.gather [hbm4b:s5+s2], $0x80, v4, vm0, $0xb8;
	[tilespmem:$0x10800] =	vst v63  }
0x3aa: {  	s14 =	simm.s32 $0xF000  }
0x3ab: {  	[tilespmem:s14], [sflag:$0x1] =	stream.indirect_vreg.gather [hbm4b:s5+s2], $0x80, v3, vm0, $0xb8;
	[tilespmem:$0x10800] =	vst v63  }
0x3ac: {  	v3 =	vld [tilespmem:$0x4F0];
	_ =	sdelay $0x4  }
0x3ad: {  	v15 =	vshll.u32 v3, $0x1  }
0x3ae: {  	v3 =	vand.u32 $0x7, v3;
	v4 =	vand.u32 $0xFFFFFFF0, v15  }
0x3af: {  	v3 =	vor.u32 v3, v4  }
0x3b0: {  	v4 =	vperm.xlane v3, v0;
	_ =	sdelay $0x1  }
0x3b1: {  	v3 =	vperm.xlane v3, v2;
	v4 =	vadd.s32 v1, v4;
	_ =	sdelay $0x1  }
0x3b2: {  	v3 =	vadd.s32 v1, v3;
	_ =	sdelay $0x1  }
0x3b3: {  	s13 =	simm.s32 $0xF800  }
0x3b4: {  	[tilespmem:s13], [sflag:$0x1] =	stream.indirect_vreg.gather [hbm4b:s5+s2], $0x80, v4, vm0, $0xb8;
	[tilespmem:$0x10800] =	vst v63  }
0x3b5: {  	s16 =	simm.s32 $0x10000  }
0x3b6: {  	[tilespmem:s16], [sflag:$0x1] =	stream.indirect_vreg.gather [hbm4b:s5+s2], $0x80, v3, vm0, $0xb8;
	[tilespmem:$0x10800] =	vst v63  }
0x3b7: {  	_ =	swait.ge [sflag:s18], $0x8000  }
0x3b8: {  	[sflag:s18] =	ssyncset.done $0x0  }
0x3b9: {  	s19 =	rddreg [dreg:$0xb];
	[sflag:s18] =	ssyncadd.s32 $0xFFFF8000  }
0x3ba: {  	[hbm4b:s19+s2] =	stream.linear.scatter [tilespmem:s9], [sflag:$0x2], $0x8000, $0x38;
	[tilespmem:$0x10800] =	vst v63  }
0x3bb: {  	_ =	swait.ge [sflag:s8], $0x8000  }
0x3bc: {  	[sflag:s8] =	ssyncset.done $0x0  }
0x3bd: {  	[sflag:s8] =	ssyncadd.s32 $0xFFFF8000  }
0x3be: {  	v3 =	vld [tilespmem:$0x500];
	_ =	sdelay $0x4  }
0x3bf: {  	v16 =	vshll.u32 v3, $0x1  }
0x3c0: {  	v3 =	vand.u32 $0x7, v3;
	v4 =	vand.u32 $0xFFFFFFF0, v16  }
0x3c1: {  	v3 =	vor.u32 v3, v4  }
0x3c2: {  	v4 =	vperm.xlane v3, v0;
	_ =	sdelay $0x1  }
0x3c3: {  	v3 =	vperm.xlane v3, v2;
	v4 =	vadd.s32 v1, v4;
	_ =	sdelay $0x1  }
0x3c4: {  	v3 =	vadd.s32 v1, v3;
	_ =	sdelay $0x2  }
0x3c5: {  	[tilespmem:s9], [sflag:$0x1] =	stream.indirect_vreg.gather [hbm4b:s5+s2], $0x80, v4, vm0, $0xb8;
	[tilespmem:$0x10800] =	vst v63  }
0x3c6: {  	s19 =	simm.s32 $0x1000  }
0x3c7: {  	[tilespmem:s19], [sflag:$0x1] =	stream.indirect_vreg.gather [hbm4b:s5+s2], $0x80, v3, vm0, $0xb8;
	[tilespmem:$0x10800] =	vst v63  }
0x3c8: {  	v3 =	vld [tilespmem:$0x510];
	_ =	sdelay $0x4  }
0x3c9: {  	v17 =	vshll.u32 v3, $0x1  }
0x3ca: {  	v3 =	vand.u32 $0x7, v3;
	v4 =	vand.u32 $0xFFFFFFF0, v17  }
0x3cb: {  	v3 =	vor.u32 v3, v4  }
0x3cc: {  	v4 =	vperm.xlane v3, v0;
	_ =	sdelay $0x1  }
0x3cd: {  	v3 =	vperm.xlane v3, v2;
	v4 =	vadd.s32 v1, v4;
	_ =	sdelay $0x1  }
0x3ce: {  	v3 =	vadd.s32 v1, v3;
	_ =	sdelay $0x1  }
0x3cf: {  	s19 =	simm.s32 $0x1800  }
0x3d0: {  	[tilespmem:s19], [sflag:$0x1] =	stream.indirect_vreg.gather [hbm4b:s5+s2], $0x80, v4, vm0, $0xb8;
	[tilespmem:$0x10800] =	vst v63  }
0x3d1: {  	s26 =	simm.s32 $0x2000  }
0x3d2: {  	[tilespmem:s26], [sflag:$0x1] =	stream.indirect_vreg.gather [hbm4b:s5+s2], $0x80, v3, vm0, $0xb8;
	[tilespmem:$0x10800] =	vst v63  }
0x3d3: {  	v3 =	vld [tilespmem:$0x520];
	_ =	sdelay $0x4  }
0x3d4: {  	v18 =	vshll.u32 v3, $0x1  }
0x3d5: {  	v3 =	vand.u32 $0x7, v3;
	v4 =	vand.u32 $0xFFFFFFF0, v18  }
0x3d6: {  	v3 =	vor.u32 v3, v4  }
0x3d7: {  	v4 =	vperm.xlane v3, v0;
	_ =	sdelay $0x1  }
0x3d8: {  	v3 =	vperm.xlane v3, v2;
	v4 =	vadd.s32 v1, v4;
	_ =	sdelay $0x1  }
0x3d9: {  	v3 =	vadd.s32 v1, v3;
	_ =	sdelay $0x1  }
0x3da: {  	s19 =	simm.s32 $0x2800  }
0x3db: {  	[tilespmem:s19], [sflag:$0x1] =	stream.indirect_vreg.gather [hbm4b:s5+s2], $0x80, v4, vm0, $0xb8;
	[tilespmem:$0x10800] =	vst v63  }
0x3dc: {  	s19 =	simm.s32 $0x3000  }
0x3dd: {  	[tilespmem:s19], [sflag:$0x1] =	stream.indirect_vreg.gather [hbm4b:s5+s2], $0x80, v3, vm0, $0xb8;
	[tilespmem:$0x10800] =	vst v63  }
0x3de: {  	v3 =	vld [tilespmem:$0x530];
	_ =	sdelay $0x4  }
0x3df: {  	v19 =	vshll.u32 v3, $0x1  }
0x3e0: {  	v3 =	vand.u32 $0x7, v3;
	v4 =	vand.u32 $0xFFFFFFF0, v19  }
0x3e1: {  	v3 =	vor.u32 v3, v4  }
0x3e2: {  	v4 =	vperm.xlane v3, v0;
	_ =	sdelay $0x1  }
0x3e3: {  	v3 =	vperm.xlane v3, v2;
	v4 =	vadd.s32 v1, v4;
	_ =	sdelay $0x1  }
0x3e4: {  	v3 =	vadd.s32 v1, v3;
	_ =	sdelay $0x1  }
0x3e5: {  	s19 =	simm.s32 $0x3800  }
0x3e6: {  	[tilespmem:s19], [sflag:$0x1] =	stream.indirect_vreg.gather [hbm4b:s5+s2], $0x80, v4, vm0, $0xb8;
	[tilespmem:$0x10800] =	vst v63  }
0x3e7: {  	s17 =	simm.s32 $0x4000  }
0x3e8: {  	[tilespmem:s17], [sflag:$0x1] =	stream.indirect_vreg.gather [hbm4b:s5+s2], $0x80, v3, vm0, $0xb8;
	[tilespmem:$0x10800] =	vst v63  }
0x3e9: {  	v3 =	vld [tilespmem:$0x540];
	_ =	sdelay $0x4  }
0x3ea: {  	v20 =	vshll.u32 v3, $0x1  }
0x3eb: {  	v3 =	vand.u32 $0x7, v3;
	v4 =	vand.u32 $0xFFFFFFF0, v20  }
0x3ec: {  	v3 =	vor.u32 v3, v4  }
0x3ed: {  	v4 =	vperm.xlane v3, v0;
	_ =	sdelay $0x1  }
0x3ee: {  	v3 =	vperm.xlane v3, v2;
	v4 =	vadd.s32 v1, v4;
	_ =	sdelay $0x1  }
0x3ef: {  	v3 =	vadd.s32 v1, v3;
	_ =	sdelay $0x1  }
0x3f0: {  	s19 =	simm.s32 $0x4800  }
0x3f1: {  	[tilespmem:s19], [sflag:$0x1] =	stream.indirect_vreg.gather [hbm4b:s5+s2], $0x80, v4, vm0, $0xb8;
	[tilespmem:$0x10800] =	vst v63  }
0x3f2: {  	s31 =	simm.s32 $0x5000  }
0x3f3: {  	[tilespmem:s31], [sflag:$0x1] =	stream.indirect_vreg.gather [hbm4b:s5+s2], $0x80, v3, vm0, $0xb8;
	[tilespmem:$0x10800] =	vst v63  }
0x3f4: {  	v3 =	vld [tilespmem:$0x550];
	_ =	sdelay $0x4  }
0x3f5: {  	v21 =	vshll.u32 v3, $0x1  }
0x3f6: {  	v3 =	vand.u32 $0x7, v3;
	v4 =	vand.u32 $0xFFFFFFF0, v21  }
0x3f7: {  	v3 =	vor.u32 v3, v4  }
0x3f8: {  	v4 =	vperm.xlane v3, v0;
	_ =	sdelay $0x1  }
0x3f9: {  	v3 =	vperm.xlane v3, v2;
	v4 =	vadd.s32 v1, v4;
	_ =	sdelay $0x1  }
0x3fa: {  	v3 =	vadd.s32 v1, v3;
	_ =	sdelay $0x1  }
0x3fb: {  	s20 =	simm.s32 $0x5800  }
0x3fc: {  	[tilespmem:s20], [sflag:$0x1] =	stream.indirect_vreg.gather [hbm4b:s5+s2], $0x80, v4, vm0, $0xb8;
	[tilespmem:$0x10800] =	vst v63  }
0x3fd: {  	s28 =	simm.s32 $0x6000  }
0x3fe: {  	[tilespmem:s28], [sflag:$0x1] =	stream.indirect_vreg.gather [hbm4b:s5+s2], $0x80, v3, vm0, $0xb8;
	[tilespmem:$0x10800] =	vst v63  }
0x3ff: {  	v3 =	vld [tilespmem:$0x560];
	_ =	sdelay $0x4  }
0x400: {  	v22 =	vshll.u32 v3, $0x1  }
0x401: {  	v3 =	vand.u32 $0x7, v3;
	v4 =	vand.u32 $0xFFFFFFF0, v22  }
0x402: {  	v3 =	vor.u32 v3, v4  }
0x403: {  	v4 =	vperm.xlane v3, v0;
	_ =	sdelay $0x1  }
0x404: {  	v3 =	vperm.xlane v3, v2;
	v4 =	vadd.s32 v1, v4;
	_ =	sdelay $0x1  }
0x405: {  	v3 =	vadd.s32 v1, v3;
	_ =	sdelay $0x1  }
0x406: {  	s0 =	simm.s32 $0x6800  }
0x407: {  	[tilespmem:s0], [sflag:$0x1] =	stream.indirect_vreg.gather [hbm4b:s5+s2], $0x80, v4, vm0, $0xb8;
	[tilespmem:$0x10800] =	vst v63  }
0x408: {  	s23 =	simm.s32 $0x7000  }
0x409: {  	[tilespmem:s23], [sflag:$0x1] =	stream.indirect_vreg.gather [hbm4b:s5+s2], $0x80, v3, vm0, $0xb8;
	[tilespmem:$0x10800] =	vst v63  }
0x40a: {  	v3 =	vld [tilespmem:$0x570];
	_ =	sdelay $0x4  }
0x40b: {  	v23 =	vshll.u32 v3, $0x1  }
0x40c: {  	v3 =	vand.u32 $0x7, v3;
	v4 =	vand.u32 $0xFFFFFFF0, v23  }
0x40d: {  	v3 =	vor.u32 v3, v4  }
0x40e: {  	v4 =	vperm.xlane v3, v0;
	_ =	sdelay $0x1  }
0x40f: {  	v3 =	vperm.xlane v3, v2;
	v4 =	vadd.s32 v1, v4;
	_ =	sdelay $0x1  }
0x410: {  	v3 =	vadd.s32 v1, v3;
	_ =	sdelay $0x1  }
0x411: {  	s24 =	simm.s32 $0x7800  }
0x412: {  	[tilespmem:s24], [sflag:$0x1] =	stream.indirect_vreg.gather [hbm4b:s5+s2], $0x80, v4, vm0, $0xb8;
	[tilespmem:$0x10800] =	vst v63  }
0x413: {  	s29 =	simm.s32 $0x8000  }
0x414: {  	[tilespmem:s29], [sflag:$0x1] =	stream.indirect_vreg.gather [hbm4b:s5+s2], $0x80, v3, vm0, $0xb8;
	[tilespmem:$0x10800] =	vst v63  }
0x415: {  	_ =	swait.ge [sflag:s18], $0x8000  }
0x416: {  	[sflag:s18] =	ssyncset.done $0x0  }
0x417: {  	s19 =	rddreg [dreg:$0xc];
	[sflag:s18] =	ssyncadd.s32 $0xFFFF8000  }
0x418: {  	[hbm4b:s19+s2] =	stream.linear.scatter [tilespmem:s25], [sflag:$0x2], $0x8000, $0x38;
	[tilespmem:$0x10800] =	vst v63  }
0x419: {  	_ =	swait.ge [sflag:s8], $0x8000  }
0x41a: {  	[sflag:s8] =	ssyncset.done $0x0  }
0x41b: {  	[sflag:s8] =	ssyncadd.s32 $0xFFFF8000  }
0x41c: {  	v3 =	vld [tilespmem:$0x580];
	_ =	sdelay $0x4  }
0x41d: {  	v24 =	vshll.u32 v3, $0x1  }
0x41e: {  	v3 =	vand.u32 $0x7, v3;
	v4 =	vand.u32 $0xFFFFFFF0, v24  }
0x41f: {  	v3 =	vor.u32 v3, v4  }
0x420: {  	v4 =	vperm.xlane v3, v0;
	_ =	sdelay $0x1  }
0x421: {  	v3 =	vperm.xlane v3, v2;
	v4 =	vadd.s32 v1, v4;
	_ =	sdelay $0x1  }
0x422: {  	v3 =	vadd.s32 v1, v3;
	_ =	sdelay $0x2  }
0x423: {  	[tilespmem:s25], [sflag:$0x1] =	stream.indirect_vreg.gather [hbm4b:s5+s2], $0x80, v4, vm0, $0xb8;
	[tilespmem:$0x10800] =	vst v63  }
0x424: {  	s19 =	simm.s32 $0x9000  }
0x425: {  	[tilespmem:s19], [sflag:$0x1] =	stream.indirect_vreg.gather [hbm4b:s5+s2], $0x80, v3, vm0, $0xb8;
	[tilespmem:$0x10800] =	vst v63  }
0x426: {  	v3 =	vld [tilespmem:$0x590];
	_ =	sdelay $0x4  }
0x427: {  	v25 =	vshll.u32 v3, $0x1  }
0x428: {  	v3 =	vand.u32 $0x7, v3;
	v4 =	vand.u32 $0xFFFFFFF0, v25  }
0x429: {  	v3 =	vor.u32 v3, v4  }
0x42a: {  	v4 =	vperm.xlane v3, v0;
	_ =	sdelay $0x1  }
0x42b: {  	v3 =	vperm.xlane v3, v2;
	v4 =	vadd.s32 v1, v4;
	_ =	sdelay $0x1  }
0x42c: {  	v3 =	vadd.s32 v1, v3;
	_ =	sdelay $0x1  }
0x42d: {  	s15 =	simm.s32 $0x9800  }
0x42e: {  	[tilespmem:s15], [sflag:$0x1] =	stream.indirect_vreg.gather [hbm4b:s5+s2], $0x80, v4, vm0, $0xb8;
	[tilespmem:$0x10800] =	vst v63  }
0x42f: {  	s19 =	simm.s32 $0xA000  }
0x430: {  	[tilespmem:s19], [sflag:$0x1] =	stream.indirect_vreg.gather [hbm4b:s5+s2], $0x80, v3, vm0, $0xb8;
	[tilespmem:$0x10800] =	vst v63  }
0x431: {  	v3 =	vld [tilespmem:$0x5A0];
	_ =	sdelay $0x4  }
0x432: {  	v26 =	vshll.u32 v3, $0x1  }
0x433: {  	v3 =	vand.u32 $0x7, v3;
	v4 =	vand.u32 $0xFFFFFFF0, v26  }
0x434: {  	v3 =	vor.u32 v3, v4  }
0x435: {  	v4 =	vperm.xlane v3, v0;
	_ =	sdelay $0x1  }
0x436: {  	v3 =	vperm.xlane v3, v2;
	v4 =	vadd.s32 v1, v4;
	_ =	sdelay $0x1  }
0x437: {  	v3 =	vadd.s32 v1, v3;
	_ =	sdelay $0x1  }
0x438: {  	s12 =	simm.s32 $0xA800  }
0x439: {  	[tilespmem:s12], [sflag:$0x1] =	stream.indirect_vreg.gather [hbm4b:s5+s2], $0x80, v4, vm0, $0xb8;
	[tilespmem:$0x10800] =	vst v63  }
0x43a: {  	s19 =	simm.s32 $0xB000  }
0x43b: {  	[tilespmem:s19], [sflag:$0x1] =	stream.indirect_vreg.gather [hbm4b:s5+s2], $0x80, v3, vm0, $0xb8;
	[tilespmem:$0x10800] =	vst v63  }
0x43c: {  	v3 =	vld [tilespmem:$0x5B0];
	_ =	sdelay $0x4  }
0x43d: {  	v27 =	vshll.u32 v3, $0x1  }
0x43e: {  	v3 =	vand.u32 $0x7, v3;
	v4 =	vand.u32 $0xFFFFFFF0, v27  }
0x43f: {  	v3 =	vor.u32 v3, v4  }
0x440: {  	v4 =	vperm.xlane v3, v0;
	_ =	sdelay $0x1  }
0x441: {  	v3 =	vperm.xlane v3, v2;
	v4 =	vadd.s32 v1, v4;
	_ =	sdelay $0x1  }
0x442: {  	v3 =	vadd.s32 v1, v3;
	_ =	sdelay $0x1  }
0x443: {  	s1 =	simm.s32 $0xB800  }
0x444: {  	[tilespmem:s1], [sflag:$0x1] =	stream.indirect_vreg.gather [hbm4b:s5+s2], $0x80, v4, vm0, $0xb8;
	[tilespmem:$0x10800] =	vst v63  }
0x445: {  	s22 =	simm.s32 $0xC000  }
0x446: {  	[tilespmem:s22], [sflag:$0x1] =	stream.indirect_vreg.gather [hbm4b:s5+s2], $0x80, v3, vm0, $0xb8;
	[tilespmem:$0x10800] =	vst v63  }
0x447: {  	v3 =	vld [tilespmem:$0x5C0];
	_ =	sdelay $0x4  }
0x448: {  	v28 =	vshll.u32 v3, $0x1  }
0x449: {  	v3 =	vand.u32 $0x7, v3;
	v4 =	vand.u32 $0xFFFFFFF0, v28  }
0x44a: {  	v3 =	vor.u32 v3, v4  }
0x44b: {  	v4 =	vperm.xlane v3, v0;
	_ =	sdelay $0x1  }
0x44c: {  	v3 =	vperm.xlane v3, v2;
	v4 =	vadd.s32 v1, v4;
	_ =	sdelay $0x1  }
0x44d: {  	v3 =	vadd.s32 v1, v3;
	_ =	sdelay $0x1  }
0x44e: {  	s7 =	simm.s32 $0xC800  }
0x44f: {  	[tilespmem:s7], [sflag:$0x1] =	stream.indirect_vreg.gather [hbm4b:s5+s2], $0x80, v4, vm0, $0xb8;
	[tilespmem:$0x10800] =	vst v63  }
0x450: {  	s30 =	simm.s32 $0xD000  }
0x451: {  	[tilespmem:s30], [sflag:$0x1] =	stream.indirect_vreg.gather [hbm4b:s5+s2], $0x80, v3, vm0, $0xb8;
	[tilespmem:$0x10800] =	vst v63  }
0x452: {  	v3 =	vld [tilespmem:$0x5D0];
	_ =	sdelay $0x4  }
0x453: {  	v29 =	vshll.u32 v3, $0x1  }
0x454: {  	v3 =	vand.u32 $0x7, v3;
	v4 =	vand.u32 $0xFFFFFFF0, v29  }
0x455: {  	v3 =	vor.u32 v3, v4  }
0x456: {  	v4 =	vperm.xlane v3, v0;
	_ =	sdelay $0x1  }
0x457: {  	v3 =	vperm.xlane v3, v2;
	v4 =	vadd.s32 v1, v4;
	_ =	sdelay $0x1  }
0x458: {  	v3 =	vadd.s32 v1, v3;
	_ =	sdelay $0x1  }
0x459: {  	s10 =	simm.s32 $0xD800  }
0x45a: {  	[tilespmem:s10], [sflag:$0x1] =	stream.indirect_vreg.gather [hbm4b:s5+s2], $0x80, v4, vm0, $0xb8;
	[tilespmem:$0x10800] =	vst v63  }
0x45b: {  	s21 =	simm.s32 $0xE000  }
0x45c: {  	[tilespmem:s21], [sflag:$0x1] =	stream.indirect_vreg.gather [hbm4b:s5+s2], $0x80, v3, vm0, $0xb8;
	[tilespmem:$0x10800] =	vst v63  }
0x45d: {  	v3 =	vld [tilespmem:$0x5E0];
	_ =	sdelay $0x4  }
0x45e: {  	v30 =	vshll.u32 v3, $0x1  }
0x45f: {  	v3 =	vand.u32 $0x7, v3;
	v4 =	vand.u32 $0xFFFFFFF0, v30  }
0x460: {  	v3 =	vor.u32 v3, v4  }
0x461: {  	v4 =	vperm.xlane v3, v0;
	_ =	sdelay $0x1  }
0x462: {  	v3 =	vperm.xlane v3, v2;
	v4 =	vadd.s32 v1, v4;
	_ =	sdelay $0x1  }
0x463: {  	v3 =	vadd.s32 v1, v3;
	_ =	sdelay $0x1  }
0x464: {  	s11 =	simm.s32 $0xE800  }
0x465: {  	[tilespmem:s11], [sflag:$0x1] =	stream.indirect_vreg.gather [hbm4b:s5+s2], $0x80, v4, vm0, $0xb8;
	[tilespmem:$0x10800] =	vst v63  }
0x466: {  	s14 =	simm.s32 $0xF000  }
0x467: {  	[tilespmem:s14], [sflag:$0x1] =	stream.indirect_vreg.gather [hbm4b:s5+s2], $0x80, v3, vm0, $0xb8;
	[tilespmem:$0x10800] =	vst v63  }
0x468: {  	v3 =	vld [tilespmem:$0x5F0];
	_ =	sdelay $0x4  }
0x469: {  	v31 =	vshll.u32 v3, $0x1  }
0x46a: {  	v3 =	vand.u32 $0x7, v3;
	v4 =	vand.u32 $0xFFFFFFF0, v31  }
0x46b: {  	v3 =	vor.u32 v3, v4  }
0x46c: {  	v4 =	vperm.xlane v3, v0;
	_ =	sdelay $0x1  }
0x46d: {  	v3 =	vperm.xlane v3, v2;
	v4 =	vadd.s32 v1, v4;
	_ =	sdelay $0x1  }
0x46e: {  	v3 =	vadd.s32 v1, v3;
	_ =	sdelay $0x1  }
0x46f: {  	s13 =	simm.s32 $0xF800  }
0x470: {  	[tilespmem:s13], [sflag:$0x1] =	stream.indirect_vreg.gather [hbm4b:s5+s2], $0x80, v4, vm0, $0xb8;
	[tilespmem:$0x10800] =	vst v63  }
0x471: {  	s16 =	simm.s32 $0x10000  }
0x472: {  	[tilespmem:s16], [sflag:$0x1] =	stream.indirect_vreg.gather [hbm4b:s5+s2], $0x80, v3, vm0, $0xb8;
	[tilespmem:$0x10800] =	vst v63  }
0x473: {  	_ =	swait.ge [sflag:s18], $0x8000  }
0x474: {  	[sflag:s18] =	ssyncset.done $0x0  }
0x475: {  	s16 =	rddreg [dreg:$0xd];
	[sflag:s18] =	ssyncadd.s32 $0xFFFF8000  }
0x476: {  	[hbm4b:s16+s2] =	stream.linear.scatter [tilespmem:s9], [sflag:$0x2], $0x8000, $0x38;
	[tilespmem:$0x10800] =	vst v63  }
0x477: {  	_ =	swait.ge [sflag:s8], $0x8000  }
0x478: {  	[sflag:s8] =	ssyncset.done $0x0  }
0x479: {  	[sflag:s8] =	ssyncadd.s32 $0xFFFF8000  }
0x47a: {  	v3 =	vld [tilespmem:$0x600];
	_ =	sdelay $0x4  }
0x47b: {  	v32 =	vshll.u32 v3, $0x1  }
0x47c: {  	v3 =	vand.u32 $0x7, v3;
	v4 =	vand.u32 $0xFFFFFFF0, v32  }
0x47d: {  	v3 =	vor.u32 v3, v4  }
0x47e: {  	v4 =	vperm.xlane v3, v0;
	_ =	sdelay $0x1  }
0x47f: {  	v3 =	vperm.xlane v3, v2;
	v4 =	vadd.s32 v1, v4;
	_ =	sdelay $0x1  }
0x480: {  	v3 =	vadd.s32 v1, v3;
	_ =	sdelay $0x2  }
0x481: {  	[tilespmem:s9], [sflag:$0x1] =	stream.indirect_vreg.gather [hbm4b:s6+s2], $0x80, v4, vm0, $0xb8;
	[tilespmem:$0x10800] =	vst v63  }
0x482: {  	s22 =	simm.s32 $0x1000  }
0x483: {  	[tilespmem:s22], [sflag:$0x1] =	stream.indirect_vreg.gather [hbm4b:s6+s2], $0x80, v3, vm0, $0xb8;
	[tilespmem:$0x10800] =	vst v63  }
0x484: {  	v3 =	vld [tilespmem:$0x610];
	_ =	sdelay $0x4  }
0x485: {  	v33 =	vshll.u32 v3, $0x1  }
0x486: {  	v3 =	vand.u32 $0x7, v3;
	v4 =	vand.u32 $0xFFFFFFF0, v33  }
0x487: {  	v3 =	vor.u32 v3, v4  }
0x488: {  	v4 =	vperm.xlane v3, v0;
	_ =	sdelay $0x1  }
0x489: {  	v3 =	vperm.xlane v3, v2;
	v4 =	vadd.s32 v1, v4;
	_ =	sdelay $0x1  }
0x48a: {  	v3 =	vadd.s32 v1, v3;
	_ =	sdelay $0x1  }
0x48b: {  	s30 =	simm.s32 $0x1800  }
0x48c: {  	[tilespmem:s30], [sflag:$0x1] =	stream.indirect_vreg.gather [hbm4b:s6+s2], $0x80, v4, vm0, $0xb8;
	[tilespmem:$0x10800] =	vst v63  }
0x48d: {  	s26 =	simm.s32 $0x2000  }
0x48e: {  	[tilespmem:s26], [sflag:$0x1] =	stream.indirect_vreg.gather [hbm4b:s6+s2], $0x80, v3, vm0, $0xb8;
	[tilespmem:$0x10800] =	vst v63  }
0x48f: {  	v3 =	vld [tilespmem:$0x620];
	_ =	sdelay $0x4  }
0x490: {  	v34 =	vshll.u32 v3, $0x1  }
0x491: {  	v3 =	vand.u32 $0x7, v3;
	v4 =	vand.u32 $0xFFFFFFF0, v34  }
0x492: {  	v3 =	vor.u32 v3, v4  }
0x493: {  	v4 =	vperm.xlane v3, v0;
	_ =	sdelay $0x1  }
0x494: {  	v3 =	vperm.xlane v3, v2;
	v4 =	vadd.s32 v1, v4;
	_ =	sdelay $0x1  }
0x495: {  	v3 =	vadd.s32 v1, v3;
	_ =	sdelay $0x1  }
0x496: {  	s16 =	simm.s32 $0x2800  }
0x497: {  	[tilespmem:s16], [sflag:$0x1] =	stream.indirect_vreg.gather [hbm4b:s6+s2], $0x80, v4, vm0, $0xb8;
	[tilespmem:$0x10800] =	vst v63  }
0x498: {  	s19 =	simm.s32 $0x3000  }
0x499: {  	[tilespmem:s19], [sflag:$0x1] =	stream.indirect_vreg.gather [hbm4b:s6+s2], $0x80, v3, vm0, $0xb8;
	[tilespmem:$0x10800] =	vst v63  }
0x49a: {  	v3 =	vld [tilespmem:$0x630];
	_ =	sdelay $0x4  }
0x49b: {  	v35 =	vshll.u32 v3, $0x1  }
0x49c: {  	v3 =	vand.u32 $0x7, v3;
	v4 =	vand.u32 $0xFFFFFFF0, v35  }
0x49d: {  	v3 =	vor.u32 v3, v4  }
0x49e: {  	v4 =	vperm.xlane v3, v0;
	_ =	sdelay $0x1  }
0x49f: {  	v3 =	vperm.xlane v3, v2;
	v4 =	vadd.s32 v1, v4;
	_ =	sdelay $0x1  }
0x4a0: {  	v3 =	vadd.s32 v1, v3;
	_ =	sdelay $0x1  }
0x4a1: {  	s22 =	simm.s32 $0x3800  }
0x4a2: {  	[tilespmem:s22], [sflag:$0x1] =	stream.indirect_vreg.gather [hbm4b:s6+s2], $0x80, v4, vm0, $0xb8;
	[tilespmem:$0x10800] =	vst v63  }
0x4a3: {  	s17 =	simm.s32 $0x4000  }
0x4a4: {  	[tilespmem:s17], [sflag:$0x1] =	stream.indirect_vreg.gather [hbm4b:s6+s2], $0x80, v3, vm0, $0xb8;
	[tilespmem:$0x10800] =	vst v63  }
0x4a5: {  	v3 =	vld [tilespmem:$0x640];
	_ =	sdelay $0x4  }
0x4a6: {  	v36 =	vshll.u32 v3, $0x1  }
0x4a7: {  	v3 =	vand.u32 $0x7, v3;
	v4 =	vand.u32 $0xFFFFFFF0, v36  }
0x4a8: {  	v3 =	vor.u32 v3, v4  }
0x4a9: {  	v4 =	vperm.xlane v3, v0;
	_ =	sdelay $0x1  }
0x4aa: {  	v3 =	vperm.xlane v3, v2;
	v4 =	vadd.s32 v1, v4;
	_ =	sdelay $0x1  }
0x4ab: {  	v3 =	vadd.s32 v1, v3;
	_ =	sdelay $0x1  }
0x4ac: {  	s26 =	simm.s32 $0x4800  }
0x4ad: {  	[tilespmem:s26], [sflag:$0x1] =	stream.indirect_vreg.gather [hbm4b:s6+s2], $0x80, v4, vm0, $0xb8;
	[tilespmem:$0x10800] =	vst v63  }
0x4ae: {  	s31 =	simm.s32 $0x5000  }
0x4af: {  	[tilespmem:s31], [sflag:$0x1] =	stream.indirect_vreg.gather [hbm4b:s6+s2], $0x80, v3, vm0, $0xb8;
	[tilespmem:$0x10800] =	vst v63  }
0x4b0: {  	v3 =	vld [tilespmem:$0x650];
	_ =	sdelay $0x4  }
0x4b1: {  	v37 =	vshll.u32 v3, $0x1  }
0x4b2: {  	v3 =	vand.u32 $0x7, v3;
	v4 =	vand.u32 $0xFFFFFFF0, v37  }
0x4b3: {  	v3 =	vor.u32 v3, v4  }
0x4b4: {  	v4 =	vperm.xlane v3, v0;
	_ =	sdelay $0x1  }
0x4b5: {  	v3 =	vperm.xlane v3, v2;
	v4 =	vadd.s32 v1, v4;
	_ =	sdelay $0x1  }
0x4b6: {  	v3 =	vadd.s32 v1, v3;
	_ =	sdelay $0x1  }
0x4b7: {  	s20 =	simm.s32 $0x5800  }
0x4b8: {  	[tilespmem:s20], [sflag:$0x1] =	stream.indirect_vreg.gather [hbm4b:s6+s2], $0x80, v4, vm0, $0xb8;
	[tilespmem:$0x10800] =	vst v63  }
0x4b9: {  	s28 =	simm.s32 $0x6000  }
0x4ba: {  	[tilespmem:s28], [sflag:$0x1] =	stream.indirect_vreg.gather [hbm4b:s6+s2], $0x80, v3, vm0, $0xb8;
	[tilespmem:$0x10800] =	vst v63  }
0x4bb: {  	v3 =	vld [tilespmem:$0x660];
	_ =	sdelay $0x4  }
0x4bc: {  	v38 =	vshll.u32 v3, $0x1  }
0x4bd: {  	v3 =	vand.u32 $0x7, v3;
	v4 =	vand.u32 $0xFFFFFFF0, v38  }
0x4be: {  	v3 =	vor.u32 v3, v4  }
0x4bf: {  	v4 =	vperm.xlane v3, v0;
	_ =	sdelay $0x1  }
0x4c0: {  	v3 =	vperm.xlane v3, v2;
	v4 =	vadd.s32 v1, v4;
	_ =	sdelay $0x1  }
0x4c1: {  	v3 =	vadd.s32 v1, v3;
	_ =	sdelay $0x1  }
0x4c2: {  	s0 =	simm.s32 $0x6800  }
0x4c3: {  	[tilespmem:s0], [sflag:$0x1] =	stream.indirect_vreg.gather [hbm4b:s6+s2], $0x80, v4, vm0, $0xb8;
	[tilespmem:$0x10800] =	vst v63  }
0x4c4: {  	s23 =	simm.s32 $0x7000  }
0x4c5: {  	[tilespmem:s23], [sflag:$0x1] =	stream.indirect_vreg.gather [hbm4b:s6+s2], $0x80, v3, vm0, $0xb8;
	[tilespmem:$0x10800] =	vst v63  }
0x4c6: {  	v3 =	vld [tilespmem:$0x670];
	_ =	sdelay $0x4  }
0x4c7: {  	v39 =	vshll.u32 v3, $0x1  }
0x4c8: {  	v3 =	vand.u32 $0x7, v3;
	v4 =	vand.u32 $0xFFFFFFF0, v39  }
0x4c9: {  	v3 =	vor.u32 v3, v4  }
0x4ca: {  	v4 =	vperm.xlane v3, v0;
	_ =	sdelay $0x1  }
0x4cb: {  	v3 =	vperm.xlane v3, v2;
	v4 =	vadd.s32 v1, v4;
	_ =	sdelay $0x1  }
0x4cc: {  	v3 =	vadd.s32 v1, v3;
	_ =	sdelay $0x1  }
0x4cd: {  	s24 =	simm.s32 $0x7800  }
0x4ce: {  	[tilespmem:s24], [sflag:$0x1] =	stream.indirect_vreg.gather [hbm4b:s6+s2], $0x80, v4, vm0, $0xb8;
	[tilespmem:$0x10800] =	vst v63  }
0x4cf: {  	s29 =	simm.s32 $0x8000  }
0x4d0: {  	[tilespmem:s29], [sflag:$0x1] =	stream.indirect_vreg.gather [hbm4b:s6+s2], $0x80, v3, vm0, $0xb8;
	[tilespmem:$0x10800] =	vst v63  }
0x4d1: {  	_ =	swait.ge [sflag:s18], $0x8000  }
0x4d2: {  	[sflag:s18] =	ssyncset.done $0x0  }
0x4d3: {  	s0 =	rddreg [dreg:$0xe];
	[sflag:s18] =	ssyncadd.s32 $0xFFFF8000  }
0x4d4: {  	[hbm4b:s0+s2] =	stream.linear.scatter [tilespmem:s25], [sflag:$0x2], $0x8000, $0x38;
	[tilespmem:$0x10800] =	vst v63  }
0x4d5: {  	_ =	swait.ge [sflag:s8], $0x8000  }
0x4d6: {  	[sflag:s8] =	ssyncset.done $0x0  }
0x4d7: {  	[sflag:s8] =	ssyncadd.s32 $0xFFFF8000  }
0x4d8: {  	v3 =	vld [tilespmem:$0x680];
	_ =	sdelay $0x4  }
0x4d9: {  	v40 =	vshll.u32 v3, $0x1  }
0x4da: {  	v3 =	vand.u32 $0x7, v3;
	v4 =	vand.u32 $0xFFFFFFF0, v40  }
0x4db: {  	v3 =	vor.u32 v3, v4  }
0x4dc: {  	v4 =	vperm.xlane v3, v0;
	_ =	sdelay $0x1  }
0x4dd: {  	v3 =	vperm.xlane v3, v2;
	v4 =	vadd.s32 v1, v4;
	_ =	sdelay $0x1  }
0x4de: {  	v3 =	vadd.s32 v1, v3;
	_ =	sdelay $0x2  }
0x4df: {  	[tilespmem:s25], [sflag:$0x1] =	stream.indirect_vreg.gather [hbm4b:s6+s2], $0x80, v4, vm0, $0xb8;
	[tilespmem:$0x10800] =	vst v63  }
0x4e0: {  	s28 =	simm.s32 $0x9000  }
0x4e1: {  	[tilespmem:s28], [sflag:$0x1] =	stream.indirect_vreg.gather [hbm4b:s6+s2], $0x80, v3, vm0, $0xb8;
	[tilespmem:$0x10800] =	vst v63  }
0x4e2: {  	v3 =	vld [tilespmem:$0x690];
	_ =	sdelay $0x4  }
0x4e3: {  	v41 =	vshll.u32 v3, $0x1  }
0x4e4: {  	v3 =	vand.u32 $0x7, v3;
	v4 =	vand.u32 $0xFFFFFFF0, v41  }
0x4e5: {  	v3 =	vor.u32 v3, v4  }
0x4e6: {  	v4 =	vperm.xlane v3, v0;
	_ =	sdelay $0x1  }
0x4e7: {  	v3 =	vperm.xlane v3, v2;
	v4 =	vadd.s32 v1, v4;
	_ =	sdelay $0x1  }
0x4e8: {  	v3 =	vadd.s32 v1, v3;
	_ =	sdelay $0x1  }
0x4e9: {  	s15 =	simm.s32 $0x9800  }
0x4ea: {  	[tilespmem:s15], [sflag:$0x1] =	stream.indirect_vreg.gather [hbm4b:s6+s2], $0x80, v4, vm0, $0xb8;
	[tilespmem:$0x10800] =	vst v63  }
0x4eb: {  	s29 =	simm.s32 $0xA000  }
0x4ec: {  	[tilespmem:s29], [sflag:$0x1] =	stream.indirect_vreg.gather [hbm4b:s6+s2], $0x80, v3, vm0, $0xb8;
	[tilespmem:$0x10800] =	vst v63  }
0x4ed: {  	v3 =	vld [tilespmem:$0x6A0];
	_ =	sdelay $0x4  }
0x4ee: {  	v42 =	vshll.u32 v3, $0x1  }
0x4ef: {  	v3 =	vand.u32 $0x7, v3;
	v4 =	vand.u32 $0xFFFFFFF0, v42  }
0x4f0: {  	v3 =	vor.u32 v3, v4  }
0x4f1: {  	v4 =	vperm.xlane v3, v0;
	_ =	sdelay $0x1  }
0x4f2: {  	v3 =	vperm.xlane v3, v2;
	v4 =	vadd.s32 v1, v4;
	_ =	sdelay $0x1  }
0x4f3: {  	v3 =	vadd.s32 v1, v3;
	_ =	sdelay $0x1  }
0x4f4: {  	s12 =	simm.s32 $0xA800  }
0x4f5: {  	[tilespmem:s12], [sflag:$0x1] =	stream.indirect_vreg.gather [hbm4b:s6+s2], $0x80, v4, vm0, $0xb8;
	[tilespmem:$0x10800] =	vst v63  }
0x4f6: {  	s31 =	simm.s32 $0xB000  }
0x4f7: {  	[tilespmem:s31], [sflag:$0x1] =	stream.indirect_vreg.gather [hbm4b:s6+s2], $0x80, v3, vm0, $0xb8;
	[tilespmem:$0x10800] =	vst v63  }
0x4f8: {  	v3 =	vld [tilespmem:$0x6B0];
	_ =	sdelay $0x4  }
0x4f9: {  	v43 =	vshll.u32 v3, $0x1  }
0x4fa: {  	v3 =	vand.u32 $0x7, v3;
	v4 =	vand.u32 $0xFFFFFFF0, v43  }
0x4fb: {  	v3 =	vor.u32 v3, v4  }
0x4fc: {  	v4 =	vperm.xlane v3, v0;
	_ =	sdelay $0x1  }
0x4fd: {  	v3 =	vperm.xlane v3, v2;
	v4 =	vadd.s32 v1, v4;
	_ =	sdelay $0x1  }
0x4fe: {  	v3 =	vadd.s32 v1, v3;
	_ =	sdelay $0x1  }
0x4ff: {  	s1 =	simm.s32 $0xB800  }
0x500: {  	[tilespmem:s1], [sflag:$0x1] =	stream.indirect_vreg.gather [hbm4b:s6+s2], $0x80, v4, vm0, $0xb8;
	[tilespmem:$0x10800] =	vst v63  }
0x501: {  	s1 =	simm.s32 $0xC000  }
0x502: {  	[tilespmem:s1], [sflag:$0x1] =	stream.indirect_vreg.gather [hbm4b:s6+s2], $0x80, v3, vm0, $0xb8;
	[tilespmem:$0x10800] =	vst v63  }
0x503: {  	v3 =	vld [tilespmem:$0x6C0];
	_ =	sdelay $0x4  }
0x504: {  	v44 =	vshll.u32 v3, $0x1  }
0x505: {  	v3 =	vand.u32 $0x7, v3;
	v4 =	vand.u32 $0xFFFFFFF0, v44  }
0x506: {  	v3 =	vor.u32 v3, v4  }
0x507: {  	v4 =	vperm.xlane v3, v0;
	_ =	sdelay $0x1  }
0x508: {  	v3 =	vperm.xlane v3, v2;
	v4 =	vadd.s32 v1, v4;
	_ =	sdelay $0x1  }
0x509: {  	v3 =	vadd.s32 v1, v3;
	_ =	sdelay $0x1  }
0x50a: {  	s7 =	simm.s32 $0xC800  }
0x50b: {  	[tilespmem:s7], [sflag:$0x1] =	stream.indirect_vreg.gather [hbm4b:s6+s2], $0x80, v4, vm0, $0xb8;
	[tilespmem:$0x10800] =	vst v63  }
0x50c: {  	s7 =	simm.s32 $0xD000  }
0x50d: {  	[tilespmem:s7], [sflag:$0x1] =	stream.indirect_vreg.gather [hbm4b:s6+s2], $0x80, v3, vm0, $0xb8;
	[tilespmem:$0x10800] =	vst v63  }
0x50e: {  	v3 =	vld [tilespmem:$0x6D0];
	_ =	sdelay $0x4  }
0x50f: {  	v45 =	vshll.u32 v3, $0x1  }
0x510: {  	v3 =	vand.u32 $0x7, v3;
	v4 =	vand.u32 $0xFFFFFFF0, v45  }
0x511: {  	v3 =	vor.u32 v3, v4  }
0x512: {  	v4 =	vperm.xlane v3, v0;
	_ =	sdelay $0x1  }
0x513: {  	v3 =	vperm.xlane v3, v2;
	v4 =	vadd.s32 v1, v4;
	_ =	sdelay $0x1  }
0x514: {  	v3 =	vadd.s32 v1, v3;
	_ =	sdelay $0x1  }
0x515: {  	s10 =	simm.s32 $0xD800  }
0x516: {  	[tilespmem:s10], [sflag:$0x1] =	stream.indirect_vreg.gather [hbm4b:s6+s2], $0x80, v4, vm0, $0xb8;
	[tilespmem:$0x10800] =	vst v63  }
0x517: {  	s21 =	simm.s32 $0xE000  }
0x518: {  	[tilespmem:s21], [sflag:$0x1] =	stream.indirect_vreg.gather [hbm4b:s6+s2], $0x80, v3, vm0, $0xb8;
	[tilespmem:$0x10800] =	vst v63  }
0x519: {  	v3 =	vld [tilespmem:$0x6E0];
	_ =	sdelay $0x4  }
0x51a: {  	v46 =	vshll.u32 v3, $0x1  }
0x51b: {  	v3 =	vand.u32 $0x7, v3;
	v4 =	vand.u32 $0xFFFFFFF0, v46  }
0x51c: {  	v3 =	vor.u32 v3, v4  }
0x51d: {  	v4 =	vperm.xlane v3, v0;
	_ =	sdelay $0x1  }
0x51e: {  	v3 =	vperm.xlane v3, v2;
	v4 =	vadd.s32 v1, v4;
	_ =	sdelay $0x1  }
0x51f: {  	v3 =	vadd.s32 v1, v3;
	_ =	sdelay $0x1  }
0x520: {  	s11 =	simm.s32 $0xE800  }
0x521: {  	[tilespmem:s11], [sflag:$0x1] =	stream.indirect_vreg.gather [hbm4b:s6+s2], $0x80, v4, vm0, $0xb8;
	[tilespmem:$0x10800] =	vst v63  }
0x522: {  	s11 =	simm.s32 $0xF000  }
0x523: {  	[tilespmem:s11], [sflag:$0x1] =	stream.indirect_vreg.gather [hbm4b:s6+s2], $0x80, v3, vm0, $0xb8;
	[tilespmem:$0x10800] =	vst v63  }
0x524: {  	v3 =	vld [tilespmem:$0x6F0];
	_ =	sdelay $0x4  }
0x525: {  	v47 =	vshll.u32 v3, $0x1  }
0x526: {  	v3 =	vand.u32 $0x7, v3;
	v4 =	vand.u32 $0xFFFFFFF0, v47  }
0x527: {  	v3 =	vor.u32 v3, v4  }
0x528: {  	v4 =	vperm.xlane v3, v0;
	_ =	sdelay $0x1  }
0x529: {  	v3 =	vperm.xlane v3, v2;
	v4 =	vadd.s32 v1, v4;
	_ =	sdelay $0x1  }
0x52a: {  	v3 =	vadd.s32 v1, v3;
	_ =	sdelay $0x1  }
0x52b: {  	s13 =	simm.s32 $0xF800  }
0x52c: {  	[tilespmem:s13], [sflag:$0x1] =	stream.indirect_vreg.gather [hbm4b:s6+s2], $0x80, v4, vm0, $0xb8;
	[tilespmem:$0x10800] =	vst v63  }
0x52d: {  	s19 =	simm.s32 $0x10000  }
0x52e: {  	[tilespmem:s19], [sflag:$0x1] =	stream.indirect_vreg.gather [hbm4b:s6+s2], $0x80, v3, vm0, $0xb8;
	[tilespmem:$0x10800] =	vst v63  }
0x52f: {  	_ =	swait.ge [sflag:s18], $0x8000  }
0x530: {  	[sflag:s18] =	ssyncset.done $0x0  }
0x531: {  	s0 =	rddreg [dreg:$0xf];
	[sflag:s18] =	ssyncadd.s32 $0xFFFF8000  }
0x532: {  	[hbm4b:s0+s2] =	stream.linear.scatter [tilespmem:s9], [sflag:$0x2], $0x8000, $0x38;
	[tilespmem:$0x10800] =	vst v63  }
0x533: {  	_ =	swait.ge [sflag:s8], $0x8000  }
0x534: {  	[sflag:s8] =	ssyncset.done $0x0  }
0x535: {  	[sflag:s8] =	ssyncadd.s32 $0xFFFF8000  }
0x536: {  	v3 =	vld [tilespmem:$0x700];
	_ =	sdelay $0x4  }
0x537: {  	v48 =	vshll.u32 v3, $0x1  }
0x538: {  	v3 =	vand.u32 $0x7, v3;
	v4 =	vand.u32 $0xFFFFFFF0, v48  }
0x539: {  	v3 =	vor.u32 v3, v4  }
0x53a: {  	v4 =	vperm.xlane v3, v0;
	_ =	sdelay $0x1  }
0x53b: {  	v3 =	vperm.xlane v3, v2;
	v4 =	vadd.s32 v1, v4;
	_ =	sdelay $0x1  }
0x53c: {  	v3 =	vadd.s32 v1, v3;
	_ =	sdelay $0x2  }
0x53d: {  	[tilespmem:s9], [sflag:$0x1] =	stream.indirect_vreg.gather [hbm4b:s6+s2], $0x80, v4, vm0, $0xb8;
	[tilespmem:$0x10800] =	vst v63  }
0x53e: {  	s19 =	simm.s32 $0x1000  }
0x53f: {  	[tilespmem:s19], [sflag:$0x1] =	stream.indirect_vreg.gather [hbm4b:s6+s2], $0x80, v3, vm0, $0xb8;
	[tilespmem:$0x10800] =	vst v63  }
0x540: {  	v3 =	vld [tilespmem:$0x710];
	_ =	sdelay $0x4  }
0x541: {  	v49 =	vshll.u32 v3, $0x1  }
0x542: {  	v3 =	vand.u32 $0x7, v3;
	v4 =	vand.u32 $0xFFFFFFF0, v49  }
0x543: {  	v3 =	vor.u32 v3, v4  }
0x544: {  	v4 =	vperm.xlane v3, v0;
	_ =	sdelay $0x1  }
0x545: {  	v3 =	vperm.xlane v3, v2;
	v4 =	vadd.s32 v1, v4;
	_ =	sdelay $0x1  }
0x546: {  	v3 =	vadd.s32 v1, v3;
	_ =	sdelay $0x1  }
0x547: {  	s19 =	simm.s32 $0x1800  }
0x548: {  	[tilespmem:s19], [sflag:$0x1] =	stream.indirect_vreg.gather [hbm4b:s6+s2], $0x80, v4, vm0, $0xb8;
	[tilespmem:$0x10800] =	vst v63  }
0x549: {  	s30 =	simm.s32 $0x2000  }
0x54a: {  	[tilespmem:s30], [sflag:$0x1] =	stream.indirect_vreg.gather [hbm4b:s6+s2], $0x80, v3, vm0, $0xb8;
	[tilespmem:$0x10800] =	vst v63  }
0x54b: {  	v3 =	vld [tilespmem:$0x720];
	_ =	sdelay $0x4  }
0x54c: {  	v50 =	vshll.u32 v3, $0x1  }
0x54d: {  	v3 =	vand.u32 $0x7, v3;
	v4 =	vand.u32 $0xFFFFFFF0, v50  }
0x54e: {  	v3 =	vor.u32 v3, v4  }
0x54f: {  	v4 =	vperm.xlane v3, v0;
	_ =	sdelay $0x1  }
0x550: {  	v3 =	vperm.xlane v3, v2;
	v4 =	vadd.s32 v1, v4;
	_ =	sdelay $0x1  }
0x551: {  	v3 =	vadd.s32 v1, v3;
	_ =	sdelay $0x1  }
0x552: {  	s30 =	simm.s32 $0x2800  }
0x553: {  	[tilespmem:s30], [sflag:$0x1] =	stream.indirect_vreg.gather [hbm4b:s6+s2], $0x80, v4, vm0, $0xb8;
	[tilespmem:$0x10800] =	vst v63  }
0x554: {  	s30 =	simm.s32 $0x3000  }
0x555: {  	[tilespmem:s30], [sflag:$0x1] =	stream.indirect_vreg.gather [hbm4b:s6+s2], $0x80, v3, vm0, $0xb8;
	[tilespmem:$0x10800] =	vst v63  }
0x556: {  	v3 =	vld [tilespmem:$0x730];
	_ =	sdelay $0x4  }
0x557: {  	v51 =	vshll.u32 v3, $0x1  }
0x558: {  	v3 =	vand.u32 $0x7, v3;
	v4 =	vand.u32 $0xFFFFFFF0, v51  }
0x559: {  	v3 =	vor.u32 v3, v4  }
0x55a: {  	v4 =	vperm.xlane v3, v0;
	_ =	sdelay $0x1  }
0x55b: {  	v3 =	vperm.xlane v3, v2;
	v4 =	vadd.s32 v1, v4;
	_ =	sdelay $0x1  }
0x55c: {  	v3 =	vadd.s32 v1, v3;
	_ =	sdelay $0x1  }
0x55d: {  	s30 =	simm.s32 $0x3800  }
0x55e: {  	[tilespmem:s30], [sflag:$0x1] =	stream.indirect_vreg.gather [hbm4b:s6+s2], $0x80, v4, vm0, $0xb8;
	[tilespmem:$0x10800] =	vst v63  }
0x55f: {  	s14 =	simm.s32 $0x4000  }
0x560: {  	[tilespmem:s14], [sflag:$0x1] =	stream.indirect_vreg.gather [hbm4b:s6+s2], $0x80, v3, vm0, $0xb8;
	[tilespmem:$0x10800] =	vst v63  }
0x561: {  	v3 =	vld [tilespmem:$0x740];
	_ =	sdelay $0x4  }
0x562: {  	v52 =	vshll.u32 v3, $0x1  }
0x563: {  	v3 =	vand.u32 $0x7, v3;
	v4 =	vand.u32 $0xFFFFFFF0, v52  }
0x564: {  	v3 =	vor.u32 v3, v4  }
0x565: {  	v4 =	vperm.xlane v3, v0;
	_ =	sdelay $0x1  }
0x566: {  	v3 =	vperm.xlane v3, v2;
	v4 =	vadd.s32 v1, v4;
	_ =	sdelay $0x1  }
0x567: {  	v3 =	vadd.s32 v1, v3;
	_ =	sdelay $0x1  }
0x568: {  	s19 =	simm.s32 $0x4800  }
0x569: {  	[tilespmem:s19], [sflag:$0x1] =	stream.indirect_vreg.gather [hbm4b:s6+s2], $0x80, v4, vm0, $0xb8;
	[tilespmem:$0x10800] =	vst v63  }
0x56a: {  	s22 =	simm.s32 $0x5000  }
0x56b: {  	[tilespmem:s22], [sflag:$0x1] =	stream.indirect_vreg.gather [hbm4b:s6+s2], $0x80, v3, vm0, $0xb8;
	[tilespmem:$0x10800] =	vst v63  }
0x56c: {  	v3 =	vld [tilespmem:$0x750];
	_ =	sdelay $0x4  }
0x56d: {  	v53 =	vshll.u32 v3, $0x1  }
0x56e: {  	v3 =	vand.u32 $0x7, v3;
	v4 =	vand.u32 $0xFFFFFFF0, v53  }
0x56f: {  	v3 =	vor.u32 v3, v4  }
0x570: {  	v4 =	vperm.xlane v3, v0;
	_ =	sdelay $0x1  }
0x571: {  	v3 =	vperm.xlane v3, v2;
	v4 =	vadd.s32 v1, v4;
	_ =	sdelay $0x1  }
0x572: {  	v3 =	vadd.s32 v1, v3;
	_ =	sdelay $0x1  }
0x573: {  	s17 =	simm.s32 $0x5800  }
0x574: {  	[tilespmem:s17], [sflag:$0x1] =	stream.indirect_vreg.gather [hbm4b:s6+s2], $0x80, v4, vm0, $0xb8;
	[tilespmem:$0x10800] =	vst v63  }
0x575: {  	s20 =	simm.s32 $0x6000  }
0x576: {  	[tilespmem:s20], [sflag:$0x1] =	stream.indirect_vreg.gather [hbm4b:s6+s2], $0x80, v3, vm0, $0xb8;
	[tilespmem:$0x10800] =	vst v63  }
0x577: {  	v3 =	vld [tilespmem:$0x760];
	_ =	sdelay $0x4  }
0x578: {  	v54 =	vshll.u32 v3, $0x1  }
0x579: {  	v3 =	vand.u32 $0x7, v3;
	v4 =	vand.u32 $0xFFFFFFF0, v54  }
0x57a: {  	v3 =	vor.u32 v3, v4  }
0x57b: {  	v4 =	vperm.xlane v3, v0;
	_ =	sdelay $0x1  }
0x57c: {  	v3 =	vperm.xlane v3, v2;
	v4 =	vadd.s32 v1, v4;
	_ =	sdelay $0x1  }
0x57d: {  	v3 =	vadd.s32 v1, v3;
	_ =	sdelay $0x1  }
0x57e: {  	s16 =	simm.s32 $0x6800  }
0x57f: {  	[tilespmem:s16], [sflag:$0x1] =	stream.indirect_vreg.gather [hbm4b:s6+s2], $0x80, v4, vm0, $0xb8;
	[tilespmem:$0x10800] =	vst v63  }
0x580: {  	s26 =	simm.s32 $0x7000  }
0x581: {  	[tilespmem:s26], [sflag:$0x1] =	stream.indirect_vreg.gather [hbm4b:s6+s2], $0x80, v3, vm0, $0xb8;
	[tilespmem:$0x10800] =	vst v63  }
0x582: {  	v3 =	vld [tilespmem:$0x770];
	_ =	sdelay $0x4  }
0x583: {  	v55 =	vshll.u32 v3, $0x1  }
0x584: {  	v3 =	vand.u32 $0x7, v3;
	v4 =	vand.u32 $0xFFFFFFF0, v55  }
0x585: {  	v3 =	vor.u32 v3, v4  }
0x586: {  	v4 =	vperm.xlane v3, v0;
	_ =	sdelay $0x1  }
0x587: {  	v3 =	vperm.xlane v3, v2;
	v4 =	vadd.s32 v1, v4;
	_ =	sdelay $0x1  }
0x588: {  	v3 =	vadd.s32 v1, v3;
	_ =	sdelay $0x1  }
0x589: {  	s23 =	simm.s32 $0x7800  }
0x58a: {  	[tilespmem:s23], [sflag:$0x1] =	stream.indirect_vreg.gather [hbm4b:s6+s2], $0x80, v4, vm0, $0xb8;
	[tilespmem:$0x10800] =	vst v63  }
0x58b: {  	s24 =	simm.s32 $0x8000  }
0x58c: {  	[tilespmem:s24], [sflag:$0x1] =	stream.indirect_vreg.gather [hbm4b:s6+s2], $0x80, v3, vm0, $0xb8;
	[tilespmem:$0x10800] =	vst v63  }
0x58d: {  	s0 =	rddreg [dreg:$0x13];
	_ =	swait.ge [sflag:s18], $0x8000  }
0x58e: {  	[sflag:s18] =	ssyncset.done $0x0  }
0x58f: {  	s22 =	rddreg [dreg:$0x10];
	[sflag:s18] =	ssyncadd.s32 $0xFFFF8000  }
0x590: {  	[hbm4b:s22+s2] =	stream.linear.scatter [tilespmem:s25], [sflag:$0x2], $0x8000, $0x38;
	[tilespmem:$0x10800] =	vst v63  }
0x591: {  	_ =	swait.ge [sflag:s8], $0x8000  }
0x592: {  	[sflag:s8] =	ssyncset.done $0x0  }
0x593: {  	[sflag:s8] =	ssyncadd.s32 $0xFFFF8000  }
0x594: {  	v3 =	vld [tilespmem:$0x780];
	_ =	sdelay $0x4  }
0x595: {  	v56 =	vshll.u32 v3, $0x1  }
0x596: {  	v3 =	vand.u32 $0x7, v3;
	v4 =	vand.u32 $0xFFFFFFF0, v56  }
0x597: {  	v3 =	vor.u32 v3, v4  }
0x598: {  	v4 =	vperm.xlane v3, v0;
	_ =	sdelay $0x1  }
0x599: {  	v3 =	vperm.xlane v3, v2;
	v4 =	vadd.s32 v1, v4;
	_ =	sdelay $0x1  }
0x59a: {  	v3 =	vadd.s32 v1, v3;
	_ =	sdelay $0x2  }
0x59b: {  	[tilespmem:s25], [sflag:$0x1] =	stream.indirect_vreg.gather [hbm4b:s6+s2], $0x80, v4, vm0, $0xb8;
	[tilespmem:$0x10800] =	vst v63  }
0x59c: {  	s23 =	simm.s32 $0x9000  }
0x59d: {  	[tilespmem:s23], [sflag:$0x1] =	stream.indirect_vreg.gather [hbm4b:s6+s2], $0x80, v3, vm0, $0xb8;
	[tilespmem:$0x10800] =	vst v63  }
0x59e: {  	v3 =	vld [tilespmem:$0x790];
	_ =	sdelay $0x4  }
0x59f: {  	v57 =	vshll.u32 v3, $0x1  }
0x5a0: {  	v3 =	vand.u32 $0x7, v3;
	v4 =	vand.u32 $0xFFFFFFF0, v57  }
0x5a1: {  	v3 =	vor.u32 v3, v4  }
0x5a2: {  	v4 =	vperm.xlane v3, v0;
	_ =	sdelay $0x1  }
0x5a3: {  	v3 =	vperm.xlane v3, v2;
	v4 =	vadd.s32 v1, v4;
	_ =	sdelay $0x1  }
0x5a4: {  	v3 =	vadd.s32 v1, v3;
	_ =	sdelay $0x1  }
0x5a5: {  	s28 =	simm.s32 $0x9800  }
0x5a6: {  	[tilespmem:s28], [sflag:$0x1] =	stream.indirect_vreg.gather [hbm4b:s6+s2], $0x80, v4, vm0, $0xb8;
	[tilespmem:$0x10800] =	vst v63  }
0x5a7: {  	s24 =	simm.s32 $0xA000  }
0x5a8: {  	[tilespmem:s24], [sflag:$0x1] =	stream.indirect_vreg.gather [hbm4b:s6+s2], $0x80, v3, vm0, $0xb8;
	[tilespmem:$0x10800] =	vst v63  }
0x5a9: {  	v3 =	vld [tilespmem:$0x7A0];
	_ =	sdelay $0x4  }
0x5aa: {  	v58 =	vshll.u32 v3, $0x1  }
0x5ab: {  	v3 =	vand.u32 $0x7, v3;
	v4 =	vand.u32 $0xFFFFFFF0, v58  }
0x5ac: {  	v3 =	vor.u32 v3, v4  }
0x5ad: {  	v4 =	vperm.xlane v3, v0;
	_ =	sdelay $0x1  }
0x5ae: {  	v3 =	vperm.xlane v3, v2;
	v4 =	vadd.s32 v1, v4;
	_ =	sdelay $0x1  }
0x5af: {  	v3 =	vadd.s32 v1, v3;
	_ =	sdelay $0x1  }
0x5b0: {  	s15 =	simm.s32 $0xA800  }
0x5b1: {  	[tilespmem:s15], [sflag:$0x1] =	stream.indirect_vreg.gather [hbm4b:s6+s2], $0x80, v4, vm0, $0xb8;
	[tilespmem:$0x10800] =	vst v63  }
0x5b2: {  	s26 =	simm.s32 $0xB000  }
0x5b3: {  	[tilespmem:s26], [sflag:$0x1] =	stream.indirect_vreg.gather [hbm4b:s6+s2], $0x80, v3, vm0, $0xb8;
	[tilespmem:$0x10800] =	vst v63  }
0x5b4: {  	v3 =	vld [tilespmem:$0x7B0];
	_ =	sdelay $0x4  }
0x5b5: {  	v59 =	vshll.u32 v3, $0x1  }
0x5b6: {  	v3 =	vand.u32 $0x7, v3;
	v4 =	vand.u32 $0xFFFFFFF0, v59  }
0x5b7: {  	v3 =	vor.u32 v3, v4  }
0x5b8: {  	v4 =	vperm.xlane v3, v0;
	_ =	sdelay $0x1  }
0x5b9: {  	v3 =	vperm.xlane v3, v2;
	v4 =	vadd.s32 v1, v4;
	_ =	sdelay $0x1  }
0x5ba: {  	v3 =	vadd.s32 v1, v3;
	_ =	sdelay $0x1  }
0x5bb: {  	s12 =	simm.s32 $0xB800  }
0x5bc: {  	[tilespmem:s12], [sflag:$0x1] =	stream.indirect_vreg.gather [hbm4b:s6+s2], $0x80, v4, vm0, $0xb8;
	[tilespmem:$0x10800] =	vst v63  }
0x5bd: {  	s31 =	simm.s32 $0xC000  }
0x5be: {  	[tilespmem:s31], [sflag:$0x1] =	stream.indirect_vreg.gather [hbm4b:s6+s2], $0x80, v3, vm0, $0xb8;
	[tilespmem:$0x10800] =	vst v63  }
0x5bf: {  	v3 =	vld [tilespmem:$0x7C0];
	_ =	sdelay $0x4  }
0x5c0: {  	v60 =	vshll.u32 v3, $0x1  }
0x5c1: {  	v3 =	vand.u32 $0x7, v3;
	v4 =	vand.u32 $0xFFFFFFF0, v60  }
0x5c2: {  	v3 =	vor.u32 v3, v4  }
0x5c3: {  	v4 =	vperm.xlane v3, v0;
	_ =	sdelay $0x1  }
0x5c4: {  	v3 =	vperm.xlane v3, v2;
	v4 =	vadd.s32 v1, v4;
	_ =	sdelay $0x1  }
0x5c5: {  	v3 =	vadd.s32 v1, v3;
	_ =	sdelay $0x1  }
0x5c6: {  	s1 =	simm.s32 $0xC800  }
0x5c7: {  	[tilespmem:s1], [sflag:$0x1] =	stream.indirect_vreg.gather [hbm4b:s6+s2], $0x80, v4, vm0, $0xb8;
	[tilespmem:$0x10800] =	vst v63  }
0x5c8: {  	s28 =	simm.s32 $0xD000  }
0x5c9: {  	[tilespmem:s28], [sflag:$0x1] =	stream.indirect_vreg.gather [hbm4b:s6+s2], $0x80, v3, vm0, $0xb8;
	[tilespmem:$0x10800] =	vst v63  }
0x5ca: {  	v3 =	vld [tilespmem:$0x7D0];
	_ =	sdelay $0x4  }
0x5cb: {  	v61 =	vshll.u32 v3, $0x1  }
0x5cc: {  	v3 =	vand.u32 $0x7, v3;
	v4 =	vand.u32 $0xFFFFFFF0, v61  }
0x5cd: {  	v3 =	vor.u32 v3, v4  }
0x5ce: {  	v4 =	vperm.xlane v3, v0;
	_ =	sdelay $0x1  }
0x5cf: {  	v3 =	vperm.xlane v3, v2;
	v4 =	vadd.s32 v1, v4;
	_ =	sdelay $0x1  }
0x5d0: {  	v3 =	vadd.s32 v1, v3;
	_ =	sdelay $0x1  }
0x5d1: {  	s7 =	simm.s32 $0xD800  }
0x5d2: {  	[tilespmem:s7], [sflag:$0x1] =	stream.indirect_vreg.gather [hbm4b:s6+s2], $0x80, v4, vm0, $0xb8;
	[tilespmem:$0x10800] =	vst v63  }
0x5d3: {  	s29 =	simm.s32 $0xE000  }
0x5d4: {  	[tilespmem:s29], [sflag:$0x1] =	stream.indirect_vreg.gather [hbm4b:s6+s2], $0x80, v3, vm0, $0xb8;
	[tilespmem:$0x10800] =	vst v63  }
0x5d5: {  	v3 =	vld [tilespmem:$0x7E0];
	_ =	sdelay $0x4  }
0x5d6: {  	v62 =	vshll.u32 v3, $0x1  }
0x5d7: {  	v3 =	vand.u32 $0x7, v3;
	v4 =	vand.u32 $0xFFFFFFF0, v62  }
0x5d8: {  	v3 =	vor.u32 v3, v4  }
0x5d9: {  	v4 =	vperm.xlane v3, v0;
	_ =	sdelay $0x1  }
0x5da: {  	v3 =	vperm.xlane v3, v2;
	v4 =	vadd.s32 v1, v4;
	_ =	sdelay $0x1  }
0x5db: {  	v3 =	vadd.s32 v1, v3;
	_ =	sdelay $0x1  }
0x5dc: {  	s10 =	simm.s32 $0xE800  }
0x5dd: {  	[tilespmem:s10], [sflag:$0x1] =	stream.indirect_vreg.gather [hbm4b:s6+s2], $0x80, v4, vm0, $0xb8;
	[tilespmem:$0x10800] =	vst v63  }
0x5de: {  	s21 =	simm.s32 $0xF000  }
0x5df: {  	[tilespmem:s21], [sflag:$0x1] =	stream.indirect_vreg.gather [hbm4b:s6+s2], $0x80, v3, vm0, $0xb8;
	[tilespmem:$0x10800] =	vst v63  }
0x5e0: {  	v3 =	vld [tilespmem:$0x7F0];
	_ =	sdelay $0x4  }
0x5e1: {  	v63 =	vshll.u32 v3, $0x1  }
0x5e2: {  	v3 =	vand.u32 $0x7, v3;
	v4 =	vand.u32 $0xFFFFFFF0, v63  }
0x5e3: {  	v3 =	vor.u32 v3, v4  }
0x5e4: {  	v4 =	vperm.xlane v3, v0;
	_ =	sdelay $0x1  }
0x5e5: {  	v3 =	vperm.xlane v3, v2;
	v4 =	vadd.s32 v1, v4;
	_ =	sdelay $0x1  }
0x5e6: {  	v3 =	vadd.s32 v1, v3;
	_ =	sdelay $0x1  }
0x5e7: {  	s11 =	simm.s32 $0xF800  }
0x5e8: {  	[tilespmem:s11], [sflag:$0x1] =	stream.indirect_vreg.gather [hbm4b:s6+s2], $0x80, v4, vm0, $0xb8;
	[tilespmem:$0x10800] =	vst v63  }
0x5e9: {  	s13 =	simm.s32 $0x10000  }
0x5ea: {  	[tilespmem:s13], [sflag:$0x1] =	stream.indirect_vreg.gather [hbm4b:s6+s2], $0x80, v3, vm0, $0xb8;
	[tilespmem:$0x10800] =	vst v63  }
0x5eb: {  	_ =	swait.ge [sflag:s18], $0x8000  }
0x5ec: {  	[sflag:s18] =	ssyncset.done $0x0  }
0x5ed: {  	s30 =	rddreg [dreg:$0x11];
	[sflag:s18] =	ssyncadd.s32 $0xFFFF8000  }
0x5ee: {  	[hbm4b:s30+s2] =	stream.linear.scatter [tilespmem:s9], [sflag:$0x2], $0x8000, $0x38;
	[tilespmem:$0x10800] =	vst v63  }
0x5ef: {  	_ =	swait.ge [sflag:s8], $0x8000  }
0x5f0: {  	[sflag:s8] =	ssyncset.done $0x0  }
0x5f1: {  	[sflag:s8] =	ssyncadd.s32 $0xFFFF8000  }
0x5f2: {  	_ =	swait.ge [sflag:s18], $0x8000  }
0x5f3: {  	p0 =	sne.s32 s0, $0x1;
	[sflag:s18] =	ssyncset.done $0x0  }
.Ltmp0:
0x5f4: {  	s31 =	rddreg [dreg:$0x12];
	[sflag:s18] =	ssyncadd.s32 $0xFFFF8000;
	(pc) =	sbr.rel @p0 .LBB2_1-.Ltmp0, $4  }
0x5f5: {  	[hbm4b:s31+s2] =	stream.linear.scatter [tilespmem:s25], [sflag:$0x2], $0x8000, $0x38;
	[tilespmem:$0x10800] =	vst v63  }
0x5f6: {  	_ =	swait.ge [sflag:s8], $0x8000  }
0x5f7: {  	[sflag:s8] =	ssyncset.done $0x0  }
0x5f8: {  	s0 =	sadd.s32 $0xFFFFFFFF, s0;
	[sflag:s8] =	ssyncadd.s32 $0xFFFF8000  }
0x5f9: {  	_ =	sfence.sel $0x180000  }
0x5fa: {  	[bflag:$0x0] =	sbarrier.arrive $0xFFFF  }
0x5fb: {  	_ =	strace $0x90000047  }
0x5fc: {  	s0 =	stileid.u32;
	[bflag:$0x2] =	sbarrier.arrive $0xFFFF  }
0x5fd: {  	p0 =	sne.s32 s0, $0x0;
	s0 =	rddreg [dreg:$0x1]  }
0x5fe: {  	s0 =	sadd.s32 @!p0 $0x100000, s0  }
0x5ff: {  	[sflag:s0] =	ssyncadd.tile.s32 @!p0 $0x1;
	_ =	shalt  }
.Lfunc_end2:
_tile_overlayer_lowered:
.L_overlay_start_2:
0x600: {  	(tag) =	ssettag $0x2  }
0x601: {  	s0 =	rddreg [dreg:$0x0];
	s2 =	stileid.u32  }
0x602: {  	s1 =	rddreg [dreg:$0x1];
	p0 =	sne.s32 s2, $0x0  }
0x603: {  	s3 =	rddreg [dreg:$0x2];
	[bflag:$0x3] =	sbarrier.arrive $0xFFFF;
	s2 =	simm.s32 @!p0 $0x1C02  }
0x604: {  	[timem:s3], [sflag:s2] =	dma.local @!p0 [hbm:s0], s1  }
0x605: {  	s0 =	simm.s32 @!p0 $0x2  }
0x606: {  	_ =	swait.ge @!p0 [sflag:s0], s1  }
0x607: {  	s1 =	ssub.s32 @!p0 $0x0, s1;
	[sflag:s0] =	ssyncset.done @!p0 $0x0  }
0x608: {  	[sflag:s0] =	ssyncadd.s32 @!p0 s1  }
0x609: {  	[bflag:$0x3] =	sbarrier.arrive $0xFFFF  }
0x60a: {  	_ =	shalt  }

</sc_bundles>
